<compile_context>
chip_gen: v7x
topology: tpu7x:2x2x1
jax: 0.10.2.dev20260603
libtpu: 0.0.44.dev20260713+nightly
codegen_flags: <defaults>
</compile_context>

<pallas_src>
import functools

import jax
import jax.numpy as jnp
from jax import lax
from jax.experimental import pallas as pl
from jax.experimental.pallas import tpu as pltpu
from jax.experimental.pallas import tpu_sc as plsc

N = 10000
E = 320000
D_IN = 128
D_HID = 128
D_OUT = 64

NC = 2
NS = 16
NT = NC * NS
EPT = E // NT
CH = 40
NCH = EPT // CH
NB = 5
NRND = NCH // NB
CH2 = 80
NCH2 = EPT // CH2
NRND2 = NCH2 // NB
RPT = N // NS
ZR = 125


ZCH = 16
NZCH = N // ZCH
RCH = 2000
NRCH = N // RCH


def _sc_agg64_body(x_hbm, ei_hbm, z64_hbm, out_hbm,
                   acc, src_v, dst_v, rows_v, gsem, ssem):
    c = lax.axis_index("c")
    s = lax.axis_index("s")
    wid = s * NC + c

    @pl.when(s < NRCH)
    def _():
        r0 = s * RCH
        pltpu.sync_copy(z64_hbm, acc.at[pl.ds(r0, RCH)])

    plsc.subcore_barrier()

    ebase = wid * EPT
    pltpu.sync_copy(ei_hbm.at[0, pl.ds(ebase, EPT)], src_v)
    pltpu.sync_copy(ei_hbm.at[1, pl.ds(ebase, EPT)], dst_v)

    def g_desc(j, b):
        return pltpu.make_async_copy(
            x_hbm.at[src_v.at[pl.ds(j * CH2, CH2)]], rows_v.at[b],
            gsem.at[b])

    def s_desc(j, b):
        return pltpu.make_async_copy(
            rows_v.at[b], acc.at[dst_v.at[pl.ds(j * CH2, CH2)]], ssem.at[b])

    for b in range(NB):
        g_desc(b, b).start()

    def rnd(i, carry):
        j0 = i * NB
        for b in range(NB):
            g_desc(j0 + b, b).wait()
            s_desc(j0 + b, b).start(add=True)
        for b in range(NB):
            s_desc(j0 + b, b).wait()

            @pl.when(i + 1 < NRND2)
            def _():
                g_desc(j0 + NB + b, b).start()
        return carry

    lax.fori_loop(0, NRND2, rnd, 0)

    plsc.subcore_barrier()

    @pl.when(s < NRCH)
    def _():
        r0 = s * RCH
        pltpu.sync_copy(acc.at[pl.ds(r0, RCH)],
                        out_hbm.at[pl.ds(c * N + r0, RCH)])


_sc_agg_64 = pl.kernel(
    _sc_agg64_body,
    out_type=jax.ShapeDtypeStruct((NC * N, D_OUT), jnp.bfloat16),
    mesh=plsc.VectorSubcoreMesh(core_axis_name="c", subcore_axis_name="s"),
    scratch_types=[
        pltpu.VMEM_SHARED((N, D_OUT), jnp.bfloat16),
        pltpu.VMEM((EPT,), jnp.int32),
        pltpu.VMEM((EPT,), jnp.int32),
        pltpu.VMEM((NB, CH2, D_OUT), jnp.bfloat16),
        pltpu.SemaphoreType.DMA((NB,)),
        pltpu.SemaphoreType.DMA((NB,)),
    ],
    compiler_params=pltpu.CompilerParams(use_tc_tiling_on_sc=False),
)

RND_E = NB * CH


def _sc_agg128_cnt_body(x_hbm, ei_hbm, z128_hbm, z16_hbm,
                        out_hbm, cnt_hbm,
                        acc, cnt_sh, srcb0, srcb1, dst_v, rows_v, ones_v,
                        gsem, ssem, csem, srcsem0, srcsem1):
    D = D_IN
    c = lax.axis_index("c")
    s = lax.axis_index("s")
    wid = s * NC + c

    ovec = jnp.ones((16,), jnp.float32)

    def orow(r, carry):
        ones_v[r, pl.ds(0, 16)] = ovec
        return carry
    lax.fori_loop(0, CH, orow, 0)

    @pl.when(s < NRCH)
    def _():
        r0 = s * RCH
        pltpu.sync_copy(z128_hbm, acc.at[pl.ds(r0, RCH)])
        pltpu.sync_copy(z16_hbm, cnt_sh.at[pl.ds(r0, RCH)])

    plsc.subcore_barrier()

    ebase = wid * EPT
    pltpu.sync_copy(ei_hbm.at[1, pl.ds(ebase, EPT)], dst_v)

    srcbs = (srcb0, srcb1)
    srcsems = (srcsem0, srcsem1)

    def srcload(r, par):
        return pltpu.make_async_copy(
            ei_hbm.at[0, pl.ds(ebase + r * RND_E, RND_E)], srcbs[par],
            srcsems[par])

    def g_desc(j, b, par):
        return pltpu.make_async_copy(
            x_hbm.at[srcbs[par].at[pl.ds(b * CH, CH)]], rows_v.at[b],
            gsem.at[b])

    def s_desc(j, b):
        return pltpu.make_async_copy(
            rows_v.at[b], acc.at[dst_v.at[pl.ds(j * CH, CH)]], ssem.at[b])

    def o_desc(j, b):
        return pltpu.make_async_copy(
            ones_v, cnt_sh.at[dst_v.at[pl.ds(j * CH, CH)]], csem.at[b])

    srcload(0, 0).start()
    srcload(0, 0).wait()
    srcload(1, 1).start()
    for b in range(NB):
        g_desc(b, b, 0).start()

    def rnd(i, par):
        j0 = i * NB
        for b in range(NB):
            j = j0 + b
            g_desc(j, b, par).wait()
            s_desc(j, b).start(add=True)
            o_desc(j, b).start(add=True)

        @pl.when(i + 2 < NRND)
        def _():
            srcload(i + 2, par).start()

        @pl.when(i + 1 < NRND)
        def _():
            srcload(i + 1, 1 - par).wait()

        for b in range(NB):
            j = j0 + b
            s_desc(j, b).wait()
            o_desc(j, b).wait()

            @pl.when(i + 1 < NRND)
            def _():
                g_desc(j + NB, b, 1 - par).start()

    def rnd_pair(p, carry):
        rnd(2 * p, 0)
        rnd(2 * p + 1, 1)
        return carry

    lax.fori_loop(0, NRND // 2, rnd_pair, 0)

    plsc.subcore_barrier()

    @pl.when(s < NRCH)
    def _():
        r0 = s * RCH
        pltpu.sync_copy(acc.at[pl.ds(r0, RCH)],
                        out_hbm.at[pl.ds(c * N + r0, RCH)])
        pltpu.sync_copy(cnt_sh.at[pl.ds(r0, RCH)],
                        cnt_hbm.at[pl.ds(c * N + r0, RCH)])


_sc_agg128_cnt = pl.kernel(
    _sc_agg128_cnt_body,
    out_type=[jax.ShapeDtypeStruct((NC * N, D_IN), jnp.float32),
              jax.ShapeDtypeStruct((NC * N, 16), jnp.float32)],
    mesh=plsc.VectorSubcoreMesh(core_axis_name="c", subcore_axis_name="s"),
    scratch_types=[
        pltpu.VMEM_SHARED((N, D_IN), jnp.float32),
        pltpu.VMEM_SHARED((N, 16), jnp.float32),
        pltpu.VMEM((RND_E,), jnp.int32),
        pltpu.VMEM((RND_E,), jnp.int32),
        pltpu.VMEM((EPT,), jnp.int32),
        pltpu.VMEM((NB, CH, D_IN), jnp.float32),
        pltpu.VMEM((CH, 16), jnp.float32),
        pltpu.SemaphoreType.DMA((NB,)),
        pltpu.SemaphoreType.DMA((NB,)),
        pltpu.SemaphoreType.DMA((NB,)),
        pltpu.SemaphoreType.DMA,
        pltpu.SemaphoreType.DMA,
    ],
    compiler_params=pltpu.CompilerParams(use_tc_tiling_on_sc=False),
)


def _tc1_body(x_ref, s1_ref, cnt_ref, wl1_ref, bl1_ref, wr1_ref, wl2_ref,
              h_ref, y2_ref):
    cnt = jnp.sum(cnt_ref[:N, :] + cnt_ref[N:, :], axis=1) * (1.0 / 16.0)
    ssum = s1_ref[:N, :] + s1_ref[N:, :]
    mean = ssum / jnp.maximum(cnt, 1.0)[:, None]
    dn = (((1,), (1,)), ((), ()))
    h = (lax.dot_general(mean, wl1_ref[...], dn,
                         preferred_element_type=jnp.float32)
         + bl1_ref[...]
         + lax.dot_general(x_ref[...], wr1_ref[...], dn,
                           preferred_element_type=jnp.float32))
    h = jnp.maximum(h, 0.0)
    h_ref[...] = h
    y2_ref[...] = lax.dot_general(h, wl2_ref[...], dn,
                                  preferred_element_type=jnp.float32
                                  ).astype(jnp.bfloat16)


def _tc2_body(s2_ref, cnt_ref, h_ref, wr2_ref, bl2_ref, o_ref):
    cnt = jnp.sum(cnt_ref[:N, :] + cnt_ref[N:, :], axis=1) * (1.0 / 16.0)
    s2f = (s2_ref[:N, :].astype(jnp.float32)
           + s2_ref[N:, :].astype(jnp.float32))
    m2 = s2f / jnp.maximum(cnt, 1.0)[:, None]
    dn = (((1,), (1,)), ((), ()))
    o_ref[...] = (m2 + bl2_ref[...]
                  + lax.dot_general(h_ref[...], wr2_ref[...], dn,
                                    preferred_element_type=jnp.float32))


_tc1 = pl.pallas_call(
    _tc1_body,
    out_shape=[jax.ShapeDtypeStruct((N, D_HID), jnp.float32),
               jax.ShapeDtypeStruct((N, D_OUT), jnp.bfloat16)],
)

_tc2 = pl.pallas_call(
    _tc2_body,
    out_shape=jax.ShapeDtypeStruct((N, D_OUT), jnp.float32),
)


def kernel(x, edge_index, Wl1, bl1, Wr1, Wl2, bl2, Wr2):
    z128 = jnp.zeros((RCH, D_IN), jnp.float32)
    z16 = jnp.zeros((RCH, 16), jnp.float32)
    z64 = jnp.zeros((RCH, D_OUT), jnp.bfloat16)
    s1, cnt = _sc_agg128_cnt(x, edge_index, z128, z16)
    h, y2 = _tc1(x, s1, cnt, Wl1, bl1.reshape(1, D_HID), Wr1, Wl2)
    s2 = _sc_agg_64(y2, edge_index, z64)
    out = _tc2(s2, cnt, h, Wr2, bl2.reshape(1, D_OUT))
    return out

# --- scband reference (transcript-rebuilt; emitter-appended) ---
"""Pipeline reference for scband-sage-sup-1168231104586 (READ-ONLY COPY).

The authoritative reference and input builder live on the scoring server;
editing this copy changes nothing except your own understanding.
"""

import jax, jax.numpy as jnp
import numpy as np

N = 10000
E = 320000
D_IN = 128
D_HID = 128
D_OUT = 64


def setup_inputs(seed: int = 0) -> dict:
    key = jax.random.key(seed)
    ks = jax.random.split(key, 9)
    x = jax.random.normal(ks[0], (N, D_IN), dtype=jnp.float32)
    edge_index = jax.random.randint(ks[1], (2, E), 0, N, dtype=jnp.int32)
    s1 = 1.0 / np.sqrt(D_IN)
    s2 = 1.0 / np.sqrt(D_HID)
    Wl1 = jax.random.uniform(ks[2], (D_HID, D_IN), jnp.float32, -s1, s1)
    Wr1 = jax.random.uniform(ks[3], (D_HID, D_IN), jnp.float32, -s1, s1)
    bl1 = jax.random.uniform(ks[4], (D_HID,), jnp.float32, -s1, s1)
    Wl2 = jax.random.uniform(ks[5], (D_OUT, D_HID), jnp.float32, -s2, s2)
    Wr2 = jax.random.uniform(ks[6], (D_OUT, D_HID), jnp.float32, -s2, s2)
    bl2 = jax.random.uniform(ks[7], (D_OUT,), jnp.float32, -s2, s2)
    return {"x": x, "edge_index": edge_index, "Wl1": Wl1, "bl1": bl1, "Wr1": Wr1,
            "Wl2": Wl2, "bl2": bl2, "Wr2": Wr2}


def _sage_conv(x, src, dst, Wl, bl, Wr):
    # PyG SAGEConv with mean aggregation:
    # out = lin_l(mean_{j in N(i)} x_j) + lin_r(x_i)
    msgs = jnp.take(x, src, axis=0)
    summed = jax.ops.segment_sum(msgs, dst, num_segments=N)
    cnt = jax.ops.segment_sum(jnp.ones((src.shape[0],), jnp.float32), dst, num_segments=N)
    mean = summed / jnp.maximum(cnt, 1.0)[:, None]
    return mean @ Wl.T + bl + x @ Wr.T


def reference(x, edge_index, Wl1, bl1, Wr1, Wl2, bl2, Wr2):
    src = edge_index[0]
    dst = edge_index[1]
    h = _sage_conv(x, src, dst, Wl1, bl1, Wr1)
    h = jax.nn.relu(h)
    # dropout p=0.5 is identity in eval mode
    out = _sage_conv(h, src, dst, Wl2, bl2, Wr2)
    # multi_class=True -> return raw logits
    return out

if __name__ == "__main__":
    import jax
    _d = setup_inputs()
    print(jax.jit(kernel)(*tuple(_d.values())))

</pallas_src>

<mosaic_0001>
#map = affine_map<(d0, d1) -> (0, 0)>
module attributes {stable_mosaic.version = 14 : i64} {
  func.func @_sc_agg128_cnt_body(%arg0: i32, %arg1: i32, %arg2: memref<10000x128xf32, #tpu.memory_space<hbm>>, %arg3: memref<2x320000xi32, #tpu.memory_space<hbm>>, %arg4: memref<2000x128xf32, #tpu.memory_space<hbm>>, %arg5: memref<2000x16xf32, #tpu.memory_space<hbm>>, %arg6: memref<20000x128xf32, #tpu.memory_space<hbm>>, %arg7: memref<20000x16xf32, #tpu.memory_space<hbm>>, %arg8: memref<10000x128xf32, #tpu.memory_space<vmem_shared>>, %arg9: memref<10000x16xf32, #tpu.memory_space<vmem_shared>>, %arg10: memref<200xi32, #tpu.memory_space<vmem>>, %arg11: memref<200xi32, #tpu.memory_space<vmem>>, %arg12: memref<10000xi32, #tpu.memory_space<vmem>>, %arg13: memref<5x40x128xf32, #tpu.memory_space<vmem>>, %arg14: memref<40x16xf32, #tpu.memory_space<vmem>>, %arg15: memref<5x!tpu.dma_semaphore, #tpu.memory_space<semaphore_mem>>, %arg16: memref<5x!tpu.dma_semaphore, #tpu.memory_space<semaphore_mem>>, %arg17: memref<5x!tpu.dma_semaphore, #tpu.memory_space<semaphore_mem>>, %arg18: memref<!tpu.dma_semaphore, #tpu.memory_space<semaphore_mem>>, %arg19: memref<!tpu.dma_semaphore, #tpu.memory_space<semaphore_mem>>) attributes {dimension_semantics = [#tpu.dimension_semantics<core_parallel>, #tpu.dimension_semantics<subcore_parallel>], iteration_bounds = array<i64: 2, 16>, scalar_prefetch = 0 : i64, scratch_operands = 12 : i64, tpu.core_type = #tpu.core_type<sc_vector_subcore>, window_params = [{transform_indices = #map}, {transform_indices = #map}, {transform_indices = #map}, {transform_indices = #map}, {transform_indices = #map}, {transform_indices = #map}]} {
    %mul3A = arith.constant 2 : i32
    %mul3A_0 = arith.muli %arg1, %mul3A : i32
    %add3A = arith.addi %mul3A_0, %arg0 : i32
    %broadcast_in_dim3A = arith.constant 1.000000e+00 : f32
    %broadcast_in_dim3A_1 = vector.broadcast %broadcast_in_dim3A : f32 to vector<16xf32>
    %scan3A = arith.constant 0 : i32
    %scan3A_2 = arith.constant 0 : i32
    %scan3A_3 = arith.constant 40 : i32
    %scan3A_4 = arith.addi %scan3A_2, %scan3A_3 : i32
    %scan3A_5 = arith.constant 1 : i32
    scf.for %scan3A_107 = %scan3A_2 to %scan3A_4 step %scan3A_5  : i32 {
      %swap3A = arith.index_cast %scan3A_107 : i32 to index
      %swap3A_108 = arith.constant 0 : index
      %swap3A_109 = tpu.vector_load %arg14[%swap3A, %swap3A_108] {strides = array<i32>} : memref<40x16xf32, #tpu.memory_space<vmem>>, vector<1x16xf32>,
      %swap3A_110 = vector.shape_cast %swap3A_109 : vector<1x16xf32> to vector<16xf32>
      %swap3A_111 = vector.shape_cast %broadcast_in_dim3A_1 : vector<16xf32> to vector<1x16xf32>
      tpu.vector_store %arg14[%swap3A, %swap3A_108], %swap3A_111 {strides = array<i32>} : memref<40x16xf32, #tpu.memory_space<vmem>>, vector<1x16xf32>,
    }
    %scan3A_6 = arith.constant 40 : i32
    %lt3A = arith.constant 5 : i32
    %lt3A_7 = arith.cmpi slt, %arg1, %lt3A : i32
    %convert_element_type3A = arith.extui %lt3A_7 : i1 to i32
    %cond3A = arith.constant 0 : i32
    %cond3A_8 = arith.cmpi ne, %convert_element_type3A, %cond3A : i32
    scf.if %cond3A_8 {
      %mul3A_107 = arith.constant 2000 : i32
      %mul3A_108 = arith.muli %arg1, %mul3A_107 : i32
      "tpu.region"() ({
        %run_scoped3A_109 = tpu.sem_alloc : memref<!tpu.dma_semaphore, #tpu.memory_space<semaphore_mem>>
        %dma_start3A_110 = arith.constant 0 : i32
        %dma_start3A_111 = tpu.memref_slice %arg8[%mul3A_108, %dma_start3A_110] : memref<10000x128xf32, #tpu.memory_space<vmem_shared>> -> memref<2000x128xf32, #tpu.memory_space<vmem_shared>>
        tpu.enqueue_dma source(%arg4 : memref<2000x128xf32, #tpu.memory_space<hbm>>) target(%dma_start3A_111 : memref<2000x128xf32, #tpu.memory_space<vmem_shared>>) target_semaphore(%run_scoped3A_109 : memref<!tpu.dma_semaphore, #tpu.memory_space<semaphore_mem>>)
        %dma_wait3A_112 = arith.constant 0 : i32
        %dma_wait3A_113 = tpu.memref_slice %arg8[%mul3A_108, %dma_wait3A_112] : memref<10000x128xf32, #tpu.memory_space<vmem_shared>> -> memref<2000x128xf32, #tpu.memory_space<vmem_shared>>
        tpu.wait_dma2 semaphore(%run_scoped3A_109 : memref<!tpu.dma_semaphore, #tpu.memory_space<semaphore_mem>>) src(%arg4 : memref<2000x128xf32, #tpu.memory_space<hbm>>) dst(%dma_wait3A_113 : memref<2000x128xf32, #tpu.memory_space<vmem_shared>>)
        tpu.yield
      }) : () -> ()
      "tpu.region"() ({
        %run_scoped3A_109 = tpu.sem_alloc : memref<!tpu.dma_semaphore, #tpu.memory_space<semaphore_mem>>
        %dma_start3A_110 = arith.constant 0 : i32
        %dma_start3A_111 = tpu.memref_slice %arg9[%mul3A_108, %dma_start3A_110] : memref<10000x16xf32, #tpu.memory_space<vmem_shared>> -> memref<2000x16xf32, #tpu.memory_space<vmem_shared>>
        tpu.enqueue_dma source(%arg5 : memref<2000x16xf32, #tpu.memory_space<hbm>>) target(%dma_start3A_111 : memref<2000x16xf32, #tpu.memory_space<vmem_shared>>) target_semaphore(%run_scoped3A_109 : memref<!tpu.dma_semaphore, #tpu.memory_space<semaphore_mem>>)
        %dma_wait3A_112 = arith.constant 0 : i32
        %dma_wait3A_113 = tpu.memref_slice %arg9[%mul3A_108, %dma_wait3A_112] : memref<10000x16xf32, #tpu.memory_space<vmem_shared>> -> memref<2000x16xf32, #tpu.memory_space<vmem_shared>>
        tpu.wait_dma2 semaphore(%run_scoped3A_109 : memref<!tpu.dma_semaphore, #tpu.memory_space<semaphore_mem>>) src(%arg5 : memref<2000x16xf32, #tpu.memory_space<hbm>>) dst(%dma_wait3A_113 : memref<2000x16xf32, #tpu.memory_space<vmem_shared>>)
        tpu.yield
      }) : () -> ()
    } else {
    }
    %barrier3A = arith.constant 0 : index
    tpu.barrier barrier_id(%barrier3A)
    %mul3A_9 = arith.constant 10000 : i32
    %mul3A_10 = arith.muli %add3A, %mul3A_9 : i32
    %run_scoped3A = arith.constant 1 : i32
    "tpu.region"() ({
      %run_scoped3A_107 = tpu.sem_alloc : memref<!tpu.dma_semaphore, #tpu.memory_space<semaphore_mem>>
      %dma_start3A_108 = tpu.memref_slice %arg3[%run_scoped3A, %mul3A_10] : memref<2x320000xi32, #tpu.memory_space<hbm>> -> memref<1x10000xi32, #tpu.memory_space<hbm>>
      %dma_start3A_109 = tpu.memref_squeeze %dma_start3A_108 : memref<1x10000xi32, #tpu.memory_space<hbm>> -> memref<10000xi32, #tpu.memory_space<hbm>>
      %dma_start3A_110 = tpu.memref_slice %arg3[%run_scoped3A, %mul3A_10] : memref<2x320000xi32, #tpu.memory_space<hbm>> -> memref<1x10000xi32, #tpu.memory_space<hbm>>
      %dma_start3A_111 = tpu.memref_squeeze %dma_start3A_110 : memref<1x10000xi32, #tpu.memory_space<hbm>> -> memref<10000xi32, #tpu.memory_space<hbm>>
      tpu.enqueue_dma source(%dma_start3A_111 : memref<10000xi32, #tpu.memory_space<hbm>>) target(%arg12 : memref<10000xi32, #tpu.memory_space<vmem>>) target_semaphore(%run_scoped3A_107 : memref<!tpu.dma_semaphore, #tpu.memory_space<semaphore_mem>>)
      %dma_wait3A_112 = tpu.memref_slice %arg3[%run_scoped3A, %mul3A_10] : memref<2x320000xi32, #tpu.memory_space<hbm>> -> memref<1x10000xi32, #tpu.memory_space<hbm>>
      %dma_wait3A_113 = tpu.memref_squeeze %dma_wait3A_112 : memref<1x10000xi32, #tpu.memory_space<hbm>> -> memref<10000xi32, #tpu.memory_space<hbm>>
      %dma_wait3A_114 = tpu.memref_slice %arg3[%run_scoped3A, %mul3A_10] : memref<2x320000xi32, #tpu.memory_space<hbm>> -> memref<1x10000xi32, #tpu.memory_space<hbm>>
      %dma_wait3A_115 = tpu.memref_squeeze %dma_wait3A_114 : memref<1x10000xi32, #tpu.memory_space<hbm>> -> memref<10000xi32, #tpu.memory_space<hbm>>
      tpu.wait_dma2 semaphore(%run_scoped3A_107 : memref<!tpu.dma_semaphore, #tpu.memory_space<semaphore_mem>>) src(%dma_wait3A_115 : memref<10000xi32, #tpu.memory_space<hbm>>) dst(%arg12 : memref<10000xi32, #tpu.memory_space<vmem>>)
      tpu.yield
    }) : () -> ()
    %add3A_11 = arith.constant 0 : i32
    %add3A_12 = arith.addi %mul3A_10, %add3A_11 : i32
    %dma_start3A = arith.constant 0 : i32
    %dma_start3A_13 = tpu.memref_slice %arg3[%dma_start3A, %add3A_12] : memref<2x320000xi32, #tpu.memory_space<hbm>> -> memref<1x200xi32, #tpu.memory_space<hbm>>
    %dma_start3A_14 = tpu.memref_squeeze %dma_start3A_13 : memref<1x200xi32, #tpu.memory_space<hbm>> -> memref<200xi32, #tpu.memory_space<hbm>>
    %dma_start3A_15 = tpu.memref_slice %arg3[%dma_start3A, %add3A_12] : memref<2x320000xi32, #tpu.memory_space<hbm>> -> memref<1x200xi32, #tpu.memory_space<hbm>>
    %dma_start3A_16 = tpu.memref_squeeze %dma_start3A_15 : memref<1x200xi32, #tpu.memory_space<hbm>> -> memref<200xi32, #tpu.memory_space<hbm>>
    tpu.enqueue_dma source(%dma_start3A_16 : memref<200xi32, #tpu.memory_space<hbm>>) target(%arg10 : memref<200xi32, #tpu.memory_space<vmem>>) target_semaphore(%arg18 : memref<!tpu.dma_semaphore, #tpu.memory_space<semaphore_mem>>)
    %add3A_17 = arith.constant 0 : i32
    %add3A_18 = arith.addi %mul3A_10, %add3A_17 : i32
    %dma_wait3A = arith.constant 0 : i32
    %dma_wait3A_19 = tpu.memref_slice %arg3[%dma_wait3A, %add3A_18] : memref<2x320000xi32, #tpu.memory_space<hbm>> -> memref<1x200xi32, #tpu.memory_space<hbm>>
    %dma_wait3A_20 = tpu.memref_squeeze %dma_wait3A_19 : memref<1x200xi32, #tpu.memory_space<hbm>> -> memref<200xi32, #tpu.memory_space<hbm>>
    %dma_wait3A_21 = tpu.memref_slice %arg3[%dma_wait3A, %add3A_18] : memref<2x320000xi32, #tpu.memory_space<hbm>> -> memref<1x200xi32, #tpu.memory_space<hbm>>
    %dma_wait3A_22 = tpu.memref_squeeze %dma_wait3A_21 : memref<1x200xi32, #tpu.memory_space<hbm>> -> memref<200xi32, #tpu.memory_space<hbm>>
    tpu.wait_dma2 semaphore(%arg18 : memref<!tpu.dma_semaphore, #tpu.memory_space<semaphore_mem>>) src(%dma_wait3A_22 : memref<200xi32, #tpu.memory_space<hbm>>) dst(%arg10 : memref<200xi32, #tpu.memory_space<vmem>>)
    %add3A_23 = arith.constant 200 : i32
    %add3A_24 = arith.addi %mul3A_10, %add3A_23 : i32
    %dma_start3A_25 = arith.constant 0 : i32
    %dma_start3A_26 = tpu.memref_slice %arg3[%dma_start3A_25, %add3A_24] : memref<2x320000xi32, #tpu.memory_space<hbm>> -> memref<1x200xi32, #tpu.memory_space<hbm>>
    %dma_start3A_27 = tpu.memref_squeeze %dma_start3A_26 : memref<1x200xi32, #tpu.memory_space<hbm>> -> memref<200xi32, #tpu.memory_space<hbm>>
    %dma_start3A_28 = tpu.memref_slice %arg3[%dma_start3A_25, %add3A_24] : memref<2x320000xi32, #tpu.memory_space<hbm>> -> memref<1x200xi32, #tpu.memory_space<hbm>>
    %dma_start3A_29 = tpu.memref_squeeze %dma_start3A_28 : memref<1x200xi32, #tpu.memory_space<hbm>> -> memref<200xi32, #tpu.memory_space<hbm>>
    tpu.enqueue_dma source(%dma_start3A_29 : memref<200xi32, #tpu.memory_space<hbm>>) target(%arg11 : memref<200xi32, #tpu.memory_space<vmem>>) target_semaphore(%arg19 : memref<!tpu.dma_semaphore, #tpu.memory_space<semaphore_mem>>)
    %dma_start3A_30 = arith.constant 0 : i32
    %dma_start3A_31 = arith.constant 0 : i32
    %dma_start3A_32 = arith.constant 0 : i32
    %dma_start3A_33 = arith.constant 0 : i32
    %dma_start3A_34 = tpu.memref_slice %arg13[%dma_start3A_30, %dma_start3A_32, %dma_start3A_33] : memref<5x40x128xf32, #tpu.memory_space<vmem>> -> memref<1x40x128xf32, #tpu.memory_space<vmem>>
    %dma_start3A_35 = tpu.memref_squeeze %dma_start3A_34 : memref<1x40x128xf32, #tpu.memory_space<vmem>> -> memref<40x128xf32, #tpu.memory_space<vmem>>
    %dma_start3A_36 = arith.constant 0 : i32
    %dma_start3A_37 = tpu.memref_slice %arg10[%dma_start3A_36] : memref<200xi32, #tpu.memory_space<vmem>> -> memref<40xi32, #tpu.memory_space<vmem>>
    %dma_start3A_38 = arith.constant 0 : i32
    %dma_start3A_39 = arith.constant 0 : i32
    %dma_start3A_40 = tpu.memref_slice %arg2[%dma_start3A_38, %dma_start3A_39] : memref<10000x128xf32, #tpu.memory_space<hbm>> -> memref<10000x128xf32, #tpu.memory_space<hbm>>
    %dma_start3A_41 = tpu.memref_slice %arg15[%dma_start3A_31] : memref<5x!tpu.dma_semaphore, #tpu.memory_space<semaphore_mem>> -> memref<1x!tpu.dma_semaphore, #tpu.memory_space<semaphore_mem>>
    %dma_start3A_42 = tpu.memref_squeeze %dma_start3A_41 : memref<1x!tpu.dma_semaphore, #tpu.memory_space<semaphore_mem>> -> memref<!tpu.dma_semaphore, #tpu.memory_space<semaphore_mem>>
    tpu.enqueue_indirect_dma source(%dma_start3A_40 : memref<10000x128xf32, #tpu.memory_space<hbm>>) target(%dma_start3A_35 : memref<40x128xf32, #tpu.memory_space<vmem>>) offsets(%dma_start3A_37 : memref<40xi32, #tpu.memory_space<vmem>>) semaphore(%dma_start3A_42 : memref<!tpu.dma_semaphore, #tpu.memory_space<semaphore_mem>>)
    %dma_start3A_43 = arith.constant 1 : i32
    %dma_start3A_44 = arith.constant 1 : i32
    %dma_start3A_45 = arith.constant 0 : i32
    %dma_start3A_46 = arith.constant 0 : i32
    %dma_start3A_47 = tpu.memref_slice %arg13[%dma_start3A_43, %dma_start3A_45, %dma_start3A_46] : memref<5x40x128xf32, #tpu.memory_space<vmem>> -> memref<1x40x128xf32, #tpu.memory_space<vmem>>
    %dma_start3A_48 = tpu.memref_squeeze %dma_start3A_47 : memref<1x40x128xf32, #tpu.memory_space<vmem>> -> memref<40x128xf32, #tpu.memory_space<vmem>>
    %dma_start3A_49 = arith.constant 40 : i32
    %dma_start3A_50 = tpu.memref_slice %arg10[%dma_start3A_49] : memref<200xi32, #tpu.memory_space<vmem>> -> memref<40xi32, #tpu.memory_space<vmem>>
    %dma_start3A_51 = arith.constant 0 : i32
    %dma_start3A_52 = arith.constant 0 : i32
    %dma_start3A_53 = tpu.memref_slice %arg2[%dma_start3A_51, %dma_start3A_52] : memref<10000x128xf32, #tpu.memory_space<hbm>> -> memref<10000x128xf32, #tpu.memory_space<hbm>>
    %dma_start3A_54 = tpu.memref_slice %arg15[%dma_start3A_44] : memref<5x!tpu.dma_semaphore, #tpu.memory_space<semaphore_mem>> -> memref<1x!tpu.dma_semaphore, #tpu.memory_space<semaphore_mem>>
    %dma_start3A_55 = tpu.memref_squeeze %dma_start3A_54 : memref<1x!tpu.dma_semaphore, #tpu.memory_space<semaphore_mem>> -> memref<!tpu.dma_semaphore, #tpu.memory_space<semaphore_mem>>
    tpu.enqueue_indirect_dma source(%dma_start3A_53 : memref<10000x128xf32, #tpu.memory_space<hbm>>) target(%dma_start3A_48 : memref<40x128xf32, #tpu.memory_space<vmem>>) offsets(%dma_start3A_50 : memref<40xi32, #tpu.memory_space<vmem>>) semaphore(%dma_start3A_55 : memref<!tpu.dma_semaphore, #tpu.memory_space<semaphore_mem>>)
    %dma_start3A_56 = arith.constant 2 : i32
    %dma_start3A_57 = arith.constant 2 : i32
    %dma_start3A_58 = arith.constant 0 : i32
    %dma_start3A_59 = arith.constant 0 : i32
    %dma_start3A_60 = tpu.memref_slice %arg13[%dma_start3A_56, %dma_start3A_58, %dma_start3A_59] : memref<5x40x128xf32, #tpu.memory_space<vmem>> -> memref<1x40x128xf32, #tpu.memory_space<vmem>>
    %dma_start3A_61 = tpu.memref_squeeze %dma_start3A_60 : memref<1x40x128xf32, #tpu.memory_space<vmem>> -> memref<40x128xf32, #tpu.memory_space<vmem>>
    %dma_start3A_62 = arith.constant 80 : i32
    %dma_start3A_63 = tpu.memref_slice %arg10[%dma_start3A_62] : memref<200xi32, #tpu.memory_space<vmem>> -> memref<40xi32, #tpu.memory_space<vmem>>
    %dma_start3A_64 = arith.constant 0 : i32
    %dma_start3A_65 = arith.constant 0 : i32
    %dma_start3A_66 = tpu.memref_slice %arg2[%dma_start3A_64, %dma_start3A_65] : memref<10000x128xf32, #tpu.memory_space<hbm>> -> memref<10000x128xf32, #tpu.memory_space<hbm>>
    %dma_start3A_67 = tpu.memref_slice %arg15[%dma_start3A_57] : memref<5x!tpu.dma_semaphore, #tpu.memory_space<semaphore_mem>> -> memref<1x!tpu.dma_semaphore, #tpu.memory_space<semaphore_mem>>
    %dma_start3A_68 = tpu.memref_squeeze %dma_start3A_67 : memref<1x!tpu.dma_semaphore, #tpu.memory_space<semaphore_mem>> -> memref<!tpu.dma_semaphore, #tpu.memory_space<semaphore_mem>>
    tpu.enqueue_indirect_dma source(%dma_start3A_66 : memref<10000x128xf32, #tpu.memory_space<hbm>>) target(%dma_start3A_61 : memref<40x128xf32, #tpu.memory_space<vmem>>) offsets(%dma_start3A_63 : memref<40xi32, #tpu.memory_space<vmem>>) semaphore(%dma_start3A_68 : memref<!tpu.dma_semaphore, #tpu.memory_space<semaphore_mem>>)
    %dma_start3A_69 = arith.constant 3 : i32
    %dma_start3A_70 = arith.constant 3 : i32
    %dma_start3A_71 = arith.constant 0 : i32
    %dma_start3A_72 = arith.constant 0 : i32
    %dma_start3A_73 = tpu.memref_slice %arg13[%dma_start3A_69, %dma_start3A_71, %dma_start3A_72] : memref<5x40x128xf32, #tpu.memory_space<vmem>> -> memref<1x40x128xf32, #tpu.memory_space<vmem>>
    %dma_start3A_74 = tpu.memref_squeeze %dma_start3A_73 : memref<1x40x128xf32, #tpu.memory_space<vmem>> -> memref<40x128xf32, #tpu.memory_space<vmem>>
    %dma_start3A_75 = arith.constant 120 : i32
    %dma_start3A_76 = tpu.memref_slice %arg10[%dma_start3A_75] : memref<200xi32, #tpu.memory_space<vmem>> -> memref<40xi32, #tpu.memory_space<vmem>>
    %dma_start3A_77 = arith.constant 0 : i32
    %dma_start3A_78 = arith.constant 0 : i32
    %dma_start3A_79 = tpu.memref_slice %arg2[%dma_start3A_77, %dma_start3A_78] : memref<10000x128xf32, #tpu.memory_space<hbm>> -> memref<10000x128xf32, #tpu.memory_space<hbm>>
    %dma_start3A_80 = tpu.memref_slice %arg15[%dma_start3A_70] : memref<5x!tpu.dma_semaphore, #tpu.memory_space<semaphore_mem>> -> memref<1x!tpu.dma_semaphore, #tpu.memory_space<semaphore_mem>>
    %dma_start3A_81 = tpu.memref_squeeze %dma_start3A_80 : memref<1x!tpu.dma_semaphore, #tpu.memory_space<semaphore_mem>> -> memref<!tpu.dma_semaphore, #tpu.memory_space<semaphore_mem>>
    tpu.enqueue_indirect_dma source(%dma_start3A_79 : memref<10000x128xf32, #tpu.memory_space<hbm>>) target(%dma_start3A_74 : memref<40x128xf32, #tpu.memory_space<vmem>>) offsets(%dma_start3A_76 : memref<40xi32, #tpu.memory_space<vmem>>) semaphore(%dma_start3A_81 : memref<!tpu.dma_semaphore, #tpu.memory_space<semaphore_mem>>)
    %dma_start3A_82 = arith.constant 4 : i32
    %dma_start3A_83 = arith.constant 4 : i32
    %dma_start3A_84 = arith.constant 0 : i32
    %dma_start3A_85 = arith.constant 0 : i32
    %dma_start3A_86 = tpu.memref_slice %arg13[%dma_start3A_82, %dma_start3A_84, %dma_start3A_85] : memref<5x40x128xf32, #tpu.memory_space<vmem>> -> memref<1x40x128xf32, #tpu.memory_space<vmem>>
    %dma_start3A_87 = tpu.memref_squeeze %dma_start3A_86 : memref<1x40x128xf32, #tpu.memory_space<vmem>> -> memref<40x128xf32, #tpu.memory_space<vmem>>
    %dma_start3A_88 = arith.constant 160 : i32
    %dma_start3A_89 = tpu.memref_slice %arg10[%dma_start3A_88] : memref<200xi32, #tpu.memory_space<vmem>> -> memref<40xi32, #tpu.memory_space<vmem>>
    %dma_start3A_90 = arith.constant 0 : i32
    %dma_start3A_91 = arith.constant 0 : i32
    %dma_start3A_92 = tpu.memref_slice %arg2[%dma_start3A_90, %dma_start3A_91] : memref<10000x128xf32, #tpu.memory_space<hbm>> -> memref<10000x128xf32, #tpu.memory_space<hbm>>
    %dma_start3A_93 = tpu.memref_slice %arg15[%dma_start3A_83] : memref<5x!tpu.dma_semaphore, #tpu.memory_space<semaphore_mem>> -> memref<1x!tpu.dma_semaphore, #tpu.memory_space<semaphore_mem>>
    %dma_start3A_94 = tpu.memref_squeeze %dma_start3A_93 : memref<1x!tpu.dma_semaphore, #tpu.memory_space<semaphore_mem>> -> memref<!tpu.dma_semaphore, #tpu.memory_space<semaphore_mem>>
    tpu.enqueue_indirect_dma source(%dma_start3A_92 : memref<10000x128xf32, #tpu.memory_space<hbm>>) target(%dma_start3A_87 : memref<40x128xf32, #tpu.memory_space<vmem>>) offsets(%dma_start3A_89 : memref<40xi32, #tpu.memory_space<vmem>>) semaphore(%dma_start3A_94 : memref<!tpu.dma_semaphore, #tpu.memory_space<semaphore_mem>>)
    %scan3A_95 = arith.constant 0 : i32
    %scan3A_96 = arith.constant 0 : i32
    %scan3A_97 = arith.constant 25 : i32
    %scan3A_98 = arith.addi %scan3A_96, %scan3A_97 : i32
    %scan3A_99 = arith.constant 1 : i32
    scf.for %scan3A_107 = %scan3A_96 to %scan3A_98 step %scan3A_99  : i32 {
      %mul3A_108 = arith.constant 2 : i32
      %mul3A_109 = arith.muli %mul3A_108, %scan3A_107 : i32
      %mul3A_110 = arith.constant 5 : i32
      %mul3A_111 = arith.muli %mul3A_109, %mul3A_110 : i32
      %add3A_112 = arith.constant 0 : i32
      %add3A_113 = arith.addi %mul3A_111, %add3A_112 : i32
      %dma_wait3A_114 = arith.constant 0 : i32
      %dma_wait3A_115 = arith.constant 0 : i32
      %dma_wait3A_116 = arith.constant 0 : i32
      %dma_wait3A_117 = arith.constant 0 : i32
      %dma_wait3A_118 = tpu.memref_slice %arg13[%dma_wait3A_114, %dma_wait3A_116, %dma_wait3A_117] : memref<5x40x128xf32, #tpu.memory_space<vmem>> -> memref<1x40x128xf32, #tpu.memory_space<vmem>>
      %dma_wait3A_119 = tpu.memref_squeeze %dma_wait3A_118 : memref<1x40x128xf32, #tpu.memory_space<vmem>> -> memref<40x128xf32, #tpu.memory_space<vmem>>
      %dma_wait3A_120 = arith.constant 0 : i32
      %dma_wait3A_121 = tpu.memref_slice %arg10[%dma_wait3A_120] : memref<200xi32, #tpu.memory_space<vmem>> -> memref<40xi32, #tpu.memory_space<vmem>>
      %dma_wait3A_122 = arith.constant 0 : i32
      %dma_wait3A_123 = arith.constant 0 : i32
      %dma_wait3A_124 = tpu.memref_slice %arg2[%dma_wait3A_122, %dma_wait3A_123] : memref<10000x128xf32, #tpu.memory_space<hbm>> -> memref<10000x128xf32, #tpu.memory_space<hbm>>
      %dma_wait3A_125 = tpu.memref_slice %arg15[%dma_wait3A_115] : memref<5x!tpu.dma_semaphore, #tpu.memory_space<semaphore_mem>> -> memref<1x!tpu.dma_semaphore, #tpu.memory_space<semaphore_mem>>
      %dma_wait3A_126 = tpu.memref_squeeze %dma_wait3A_125 : memref<1x!tpu.dma_semaphore, #tpu.memory_space<semaphore_mem>> -> memref<!tpu.dma_semaphore, #tpu.memory_space<semaphore_mem>>
      tpu.wait_indirect_dma semaphore(%dma_wait3A_126 : memref<!tpu.dma_semaphore, #tpu.memory_space<semaphore_mem>>) src(%dma_wait3A_124 : memref<10000x128xf32, #tpu.memory_space<hbm>>) dst(%dma_wait3A_119 : memref<40x128xf32, #tpu.memory_space<vmem>>)
      %mul3A_127 = arith.constant 40 : i32
      %mul3A_128 = arith.muli %add3A_113, %mul3A_127 : i32
      %dma_start3A_129 = arith.constant 0 : i32
      %dma_start3A_130 = arith.constant 0 : i32
      %dma_start3A_131 = arith.constant 0 : i32
      %dma_start3A_132 = arith.constant 0 : i32
      %dma_start3A_133 = tpu.memref_slice %arg13[%dma_start3A_129, %dma_start3A_131, %dma_start3A_132] : memref<5x40x128xf32, #tpu.memory_space<vmem>> -> memref<1x40x128xf32, #tpu.memory_space<vmem>>
      %dma_start3A_134 = tpu.memref_squeeze %dma_start3A_133 : memref<1x40x128xf32, #tpu.memory_space<vmem>> -> memref<40x128xf32, #tpu.memory_space<vmem>>
      %dma_start3A_135 = tpu.memref_slice %arg12[%mul3A_128] : memref<10000xi32, #tpu.memory_space<vmem>> -> memref<40xi32, #tpu.memory_space<vmem>>
      %dma_start3A_136 = arith.constant 0 : i32
      %dma_start3A_137 = arith.constant 0 : i32
      %dma_start3A_138 = tpu.memref_slice %arg8[%dma_start3A_136, %dma_start3A_137] : memref<10000x128xf32, #tpu.memory_space<vmem_shared>> -> memref<10000x128xf32, #tpu.memory_space<vmem_shared>>
      %dma_start3A_139 = tpu.memref_slice %arg16[%dma_start3A_130] : memref<5x!tpu.dma_semaphore, #tpu.memory_space<semaphore_mem>> -> memref<1x!tpu.dma_semaphore, #tpu.memory_space<semaphore_mem>>
      %dma_start3A_140 = tpu.memref_squeeze %dma_start3A_139 : memref<1x!tpu.dma_semaphore, #tpu.memory_space<semaphore_mem>> -> memref<!tpu.dma_semaphore, #tpu.memory_space<semaphore_mem>>
      tpu.enqueue_indirect_dma source(%dma_start3A_134 : memref<40x128xf32, #tpu.memory_space<vmem>>) target(%dma_start3A_138 : memref<10000x128xf32, #tpu.memory_space<vmem_shared>>) offsets(%dma_start3A_135 : memref<40xi32, #tpu.memory_space<vmem>>) semaphore(%dma_start3A_140 : memref<!tpu.dma_semaphore, #tpu.memory_space<semaphore_mem>>) {add = true}
      %mul3A_141 = arith.constant 40 : i32
      %mul3A_142 = arith.muli %add3A_113, %mul3A_141 : i32
      %dma_start3A_143 = arith.constant 0 : i32
      %dma_start3A_144 = tpu.memref_slice %arg12[%mul3A_142] : memref<10000xi32, #tpu.memory_space<vmem>> -> memref<40xi32, #tpu.memory_space<vmem>>
      %dma_start3A_145 = arith.constant 0 : i32
      %dma_start3A_146 = arith.constant 0 : i32
      %dma_start3A_147 = tpu.memref_slice %arg9[%dma_start3A_145, %dma_start3A_146] : memref<10000x16xf32, #tpu.memory_space<vmem_shared>> -> memref<10000x16xf32, #tpu.memory_space<vmem_shared>>
      %dma_start3A_148 = tpu.memref_slice %arg17[%dma_start3A_143] : memref<5x!tpu.dma_semaphore, #tpu.memory_space<semaphore_mem>> -> memref<1x!tpu.dma_semaphore, #tpu.memory_space<semaphore_mem>>
      %dma_start3A_149 = tpu.memref_squeeze %dma_start3A_148 : memref<1x!tpu.dma_semaphore, #tpu.memory_space<semaphore_mem>> -> memref<!tpu.dma_semaphore, #tpu.memory_space<semaphore_mem>>
      tpu.enqueue_indirect_dma source(%arg14 : memref<40x16xf32, #tpu.memory_space<vmem>>) target(%dma_start3A_147 : memref<10000x16xf32, #tpu.memory_space<vmem_shared>>) offsets(%dma_start3A_144 : memref<40xi32, #tpu.memory_space<vmem>>) semaphore(%dma_start3A_149 : memref<!tpu.dma_semaphore, #tpu.memory_space<semaphore_mem>>) {add = true}
      %add3A_150 = arith.constant 1 : i32
      %add3A_151 = arith.addi %mul3A_111, %add3A_150 : i32
      %dma_wait3A_152 = arith.constant 1 : i32
      %dma_wait3A_153 = arith.constant 1 : i32
      %dma_wait3A_154 = arith.constant 0 : i32
      %dma_wait3A_155 = arith.constant 0 : i32
      %dma_wait3A_156 = tpu.memref_slice %arg13[%dma_wait3A_152, %dma_wait3A_154, %dma_wait3A_155] : memref<5x40x128xf32, #tpu.memory_space<vmem>> -> memref<1x40x128xf32, #tpu.memory_space<vmem>>
      %dma_wait3A_157 = tpu.memref_squeeze %dma_wait3A_156 : memref<1x40x128xf32, #tpu.memory_space<vmem>> -> memref<40x128xf32, #tpu.memory_space<vmem>>
      %dma_wait3A_158 = arith.constant 40 : i32
      %dma_wait3A_159 = tpu.memref_slice %arg10[%dma_wait3A_158] : memref<200xi32, #tpu.memory_space<vmem>> -> memref<40xi32, #tpu.memory_space<vmem>>
      %dma_wait3A_160 = arith.constant 0 : i32
      %dma_wait3A_161 = arith.constant 0 : i32
      %dma_wait3A_162 = tpu.memref_slice %arg2[%dma_wait3A_160, %dma_wait3A_161] : memref<10000x128xf32, #tpu.memory_space<hbm>> -> memref<10000x128xf32, #tpu.memory_space<hbm>>
      %dma_wait3A_163 = tpu.memref_slice %arg15[%dma_wait3A_153] : memref<5x!tpu.dma_semaphore, #tpu.memory_space<semaphore_mem>> -> memref<1x!tpu.dma_semaphore, #tpu.memory_space<semaphore_mem>>
      %dma_wait3A_164 = tpu.memref_squeeze %dma_wait3A_163 : memref<1x!tpu.dma_semaphore, #tpu.memory_space<semaphore_mem>> -> memref<!tpu.dma_semaphore, #tpu.memory_space<semaphore_mem>>
      tpu.wait_indirect_dma semaphore(%dma_wait3A_164 : memref<!tpu.dma_semaphore, #tpu.memory_space<semaphore_mem>>) src(%dma_wait3A_162 : memref<10000x128xf32, #tpu.memory_space<hbm>>) dst(%dma_wait3A_157 : memref<40x128xf32, #tpu.memory_space<vmem>>)
      %mul3A_165 = arith.constant 40 : i32
      %mul3A_166 = arith.muli %add3A_151, %mul3A_165 : i32
      %dma_start3A_167 = arith.constant 1 : i32
      %dma_start3A_168 = arith.constant 1 : i32
      %dma_start3A_169 = arith.constant 0 : i32
      %dma_start3A_170 = arith.constant 0 : i32
      %dma_start3A_171 = tpu.memref_slice %arg13[%dma_start3A_167, %dma_start3A_169, %dma_start3A_170] : memref<5x40x128xf32, #tpu.memory_space<vmem>> -> memref<1x40x128xf32, #tpu.memory_space<vmem>>
      %dma_start3A_172 = tpu.memref_squeeze %dma_start3A_171 : memref<1x40x128xf32, #tpu.memory_space<vmem>> -> memref<40x128xf32, #tpu.memory_space<vmem>>
      %dma_start3A_173 = tpu.memref_slice %arg12[%mul3A_166] : memref<10000xi32, #tpu.memory_space<vmem>> -> memref<40xi32, #tpu.memory_space<vmem>>
      %dma_start3A_174 = arith.constant 0 : i32
      %dma_start3A_175 = arith.constant 0 : i32
      %dma_start3A_176 = tpu.memref_slice %arg8[%dma_start3A_174, %dma_start3A_175] : memref<10000x128xf32, #tpu.memory_space<vmem_shared>> -> memref<10000x128xf32, #tpu.memory_space<vmem_shared>>
      %dma_start3A_177 = tpu.memref_slice %arg16[%dma_start3A_168] : memref<5x!tpu.dma_semaphore, #tpu.memory_space<semaphore_mem>> -> memref<1x!tpu.dma_semaphore, #tpu.memory_space<semaphore_mem>>
      %dma_start3A_178 = tpu.memref_squeeze %dma_start3A_177 : memref<1x!tpu.dma_semaphore, #tpu.memory_space<semaphore_mem>> -> memref<!tpu.dma_semaphore, #tpu.memory_space<semaphore_mem>>
      tpu.enqueue_indirect_dma source(%dma_start3A_172 : memref<40x128xf32, #tpu.memory_space<vmem>>) target(%dma_start3A_176 : memref<10000x128xf32, #tpu.memory_space<vmem_shared>>) offsets(%dma_start3A_173 : memref<40xi32, #tpu.memory_space<vmem>>) semaphore(%dma_start3A_178 : memref<!tpu.dma_semaphore, #tpu.memory_space<semaphore_mem>>) {add = true}
      %mul3A_179 = arith.constant 40 : i32
      %mul3A_180 = arith.muli %add3A_151, %mul3A_179 : i32
      %dma_start3A_181 = arith.constant 1 : i32
      %dma_start3A_182 = tpu.memref_slice %arg12[%mul3A_180] : memref<10000xi32, #tpu.memory_space<vmem>> -> memref<40xi32, #tpu.memory_space<vmem>>
      %dma_start3A_183 = arith.constant 0 : i32
      %dma_start3A_184 = arith.constant 0 : i32
      %dma_start3A_185 = tpu.memref_slice %arg9[%dma_start3A_183, %dma_start3A_184] : memref<10000x16xf32, #tpu.memory_space<vmem_shared>> -> memref<10000x16xf32, #tpu.memory_space<vmem_shared>>
      %dma_start3A_186 = tpu.memref_slice %arg17[%dma_start3A_181] : memref<5x!tpu.dma_semaphore, #tpu.memory_space<semaphore_mem>> -> memref<1x!tpu.dma_semaphore, #tpu.memory_space<semaphore_mem>>
      %dma_start3A_187 = tpu.memref_squeeze %dma_start3A_186 : memref<1x!tpu.dma_semaphore, #tpu.memory_space<semaphore_mem>> -> memref<!tpu.dma_semaphore, #tpu.memory_space<semaphore_mem>>
      tpu.enqueue_indirect_dma source(%arg14 : memref<40x16xf32, #tpu.memory_space<vmem>>) target(%dma_start3A_185 : memref<10000x16xf32, #tpu.memory_space<vmem_shared>>) offsets(%dma_start3A_182 : memref<40xi32, #tpu.memory_space<vmem>>) semaphore(%dma_start3A_187 : memref<!tpu.dma_semaphore, #tpu.memory_space<semaphore_mem>>) {add = true}
      %add3A_188 = arith.constant 2 : i32
      %add3A_189 = arith.addi %mul3A_111, %add3A_188 : i32
      %dma_wait3A_190 = arith.constant 2 : i32
      %dma_wait3A_191 = arith.constant 2 : i32
      %dma_wait3A_192 = arith.constant 0 : i32
      %dma_wait3A_193 = arith.constant 0 : i32
      %dma_wait3A_194 = tpu.memref_slice %arg13[%dma_wait3A_190, %dma_wait3A_192, %dma_wait3A_193] : memref<5x40x128xf32, #tpu.memory_space<vmem>> -> memref<1x40x128xf32, #tpu.memory_space<vmem>>
      %dma_wait3A_195 = tpu.memref_squeeze %dma_wait3A_194 : memref<1x40x128xf32, #tpu.memory_space<vmem>> -> memref<40x128xf32, #tpu.memory_space<vmem>>
      %dma_wait3A_196 = arith.constant 80 : i32
      %dma_wait3A_197 = tpu.memref_slice %arg10[%dma_wait3A_196] : memref<200xi32, #tpu.memory_space<vmem>> -> memref<40xi32, #tpu.memory_space<vmem>>
      %dma_wait3A_198 = arith.constant 0 : i32
      %dma_wait3A_199 = arith.constant 0 : i32
      %dma_wait3A_200 = tpu.memref_slice %arg2[%dma_wait3A_198, %dma_wait3A_199] : memref<10000x128xf32, #tpu.memory_space<hbm>> -> memref<10000x128xf32, #tpu.memory_space<hbm>>
      %dma_wait3A_201 = tpu.memref_slice %arg15[%dma_wait3A_191] : memref<5x!tpu.dma_semaphore, #tpu.memory_space<semaphore_mem>> -> memref<1x!tpu.dma_semaphore, #tpu.memory_space<semaphore_mem>>
      %dma_wait3A_202 = tpu.memref_squeeze %dma_wait3A_201 : memref<1x!tpu.dma_semaphore, #tpu.memory_space<semaphore_mem>> -> memref<!tpu.dma_semaphore, #tpu.memory_space<semaphore_mem>>
      tpu.wait_indirect_dma semaphore(%dma_wait3A_202 : memref<!tpu.dma_semaphore, #tpu.memory_space<semaphore_mem>>) src(%dma_wait3A_200 : memref<10000x128xf32, #tpu.memory_space<hbm>>) dst(%dma_wait3A_195 : memref<40x128xf32, #tpu.memory_space<vmem>>)
      %mul3A_203 = arith.constant 40 : i32
      %mul3A_204 = arith.muli %add3A_189, %mul3A_203 : i32
      %dma_start3A_205 = arith.constant 2 : i32
      %dma_start3A_206 = arith.constant 2 : i32
      %dma_start3A_207 = arith.constant 0 : i32
      %dma_start3A_208 = arith.constant 0 : i32
      %dma_start3A_209 = tpu.memref_slice %arg13[%dma_start3A_205, %dma_start3A_207, %dma_start3A_208] : memref<5x40x128xf32, #tpu.memory_space<vmem>> -> memref<1x40x128xf32, #tpu.memory_space<vmem>>
      %dma_start3A_210 = tpu.memref_squeeze %dma_start3A_209 : memref<1x40x128xf32, #tpu.memory_space<vmem>> -> memref<40x128xf32, #tpu.memory_space<vmem>>
      %dma_start3A_211 = tpu.memref_slice %arg12[%mul3A_204] : memref<10000xi32, #tpu.memory_space<vmem>> -> memref<40xi32, #tpu.memory_space<vmem>>
      %dma_start3A_212 = arith.constant 0 : i32
      %dma_start3A_213 = arith.constant 0 : i32
      %dma_start3A_214 = tpu.memref_slice %arg8[%dma_start3A_212, %dma_start3A_213] : memref<10000x128xf32, #tpu.memory_space<vmem_shared>> -> memref<10000x128xf32, #tpu.memory_space<vmem_shared>>
      %dma_start3A_215 = tpu.memref_slice %arg16[%dma_start3A_206] : memref<5x!tpu.dma_semaphore, #tpu.memory_space<semaphore_mem>> -> memref<1x!tpu.dma_semaphore, #tpu.memory_space<semaphore_mem>>
      %dma_start3A_216 = tpu.memref_squeeze %dma_start3A_215 : memref<1x!tpu.dma_semaphore, #tpu.memory_space<semaphore_mem>> -> memref<!tpu.dma_semaphore, #tpu.memory_space<semaphore_mem>>
      tpu.enqueue_indirect_dma source(%dma_start3A_210 : memref<40x128xf32, #tpu.memory_space<vmem>>) target(%dma_start3A_214 : memref<10000x128xf32, #tpu.memory_space<vmem_shared>>) offsets(%dma_start3A_211 : memref<40xi32, #tpu.memory_space<vmem>>) semaphore(%dma_start3A_216 : memref<!tpu.dma_semaphore, #tpu.memory_space<semaphore_mem>>) {add = true}
      %mul3A_217 = arith.constant 40 : i32
      %mul3A_218 = arith.muli %add3A_189, %mul3A_217 : i32
      %dma_start3A_219 = arith.constant 2 : i32
      %dma_start3A_220 = tpu.memref_slice %arg12[%mul3A_218] : memref<10000xi32, #tpu.memory_space<vmem>> -> memref<40xi32, #tpu.memory_space<vmem>>
      %dma_start3A_221 = arith.constant 0 : i32
      %dma_start3A_222 = arith.constant 0 : i32
      %dma_start3A_223 = tpu.memref_slice %arg9[%dma_start3A_221, %dma_start3A_222] : memref<10000x16xf32, #tpu.memory_space<vmem_shared>> -> memref<10000x16xf32, #tpu.memory_space<vmem_shared>>
      %dma_start3A_224 = tpu.memref_slice %arg17[%dma_start3A_219] : memref<5x!tpu.dma_semaphore, #tpu.memory_space<semaphore_mem>> -> memref<1x!tpu.dma_semaphore, #tpu.memory_space<semaphore_mem>>
      %dma_start3A_225 = tpu.memref_squeeze %dma_start3A_224 : memref<1x!tpu.dma_semaphore, #tpu.memory_space<semaphore_mem>> -> memref<!tpu.dma_semaphore, #tpu.memory_space<semaphore_mem>>
      tpu.enqueue_indirect_dma source(%arg14 : memref<40x16xf32, #tpu.memory_space<vmem>>) target(%dma_start3A_223 : memref<10000x16xf32, #tpu.memory_space<vmem_shared>>) offsets(%dma_start3A_220 : memref<40xi32, #tpu.memory_space<vmem>>) semaphore(%dma_start3A_225 : memref<!tpu.dma_semaphore, #tpu.memory_space<semaphore_mem>>) {add = true}
      %add3A_226 = arith.constant 3 : i32
      %add3A_227 = arith.addi %mul3A_111, %add3A_226 : i32
      %dma_wait3A_228 = arith.constant 3 : i32
      %dma_wait3A_229 = arith.constant 3 : i32
      %dma_wait3A_230 = arith.constant 0 : i32
      %dma_wait3A_231 = arith.constant 0 : i32
      %dma_wait3A_232 = tpu.memref_slice %arg13[%dma_wait3A_228, %dma_wait3A_230, %dma_wait3A_231] : memref<5x40x128xf32, #tpu.memory_space<vmem>> -> memref<1x40x128xf32, #tpu.memory_space<vmem>>
      %dma_wait3A_233 = tpu.memref_squeeze %dma_wait3A_232 : memref<1x40x128xf32, #tpu.memory_space<vmem>> -> memref<40x128xf32, #tpu.memory_space<vmem>>
      %dma_wait3A_234 = arith.constant 120 : i32
      %dma_wait3A_235 = tpu.memref_slice %arg10[%dma_wait3A_234] : memref<200xi32, #tpu.memory_space<vmem>> -> memref<40xi32, #tpu.memory_space<vmem>>
      %dma_wait3A_236 = arith.constant 0 : i32
      %dma_wait3A_237 = arith.constant 0 : i32
      %dma_wait3A_238 = tpu.memref_slice %arg2[%dma_wait3A_236, %dma_wait3A_237] : memref<10000x128xf32, #tpu.memory_space<hbm>> -> memref<10000x128xf32, #tpu.memory_space<hbm>>
      %dma_wait3A_239 = tpu.memref_slice %arg15[%dma_wait3A_229] : memref<5x!tpu.dma_semaphore, #tpu.memory_space<semaphore_mem>> -> memref<1x!tpu.dma_semaphore, #tpu.memory_space<semaphore_mem>>
      %dma_wait3A_240 = tpu.memref_squeeze %dma_wait3A_239 : memref<1x!tpu.dma_semaphore, #tpu.memory_space<semaphore_mem>> -> memref<!tpu.dma_semaphore, #tpu.memory_space<semaphore_mem>>
      tpu.wait_indirect_dma semaphore(%dma_wait3A_240 : memref<!tpu.dma_semaphore, #tpu.memory_space<semaphore_mem>>) src(%dma_wait3A_238 : memref<10000x128xf32, #tpu.memory_space<hbm>>) dst(%dma_wait3A_233 : memref<40x128xf32, #tpu.memory_space<vmem>>)
      %mul3A_241 = arith.constant 40 : i32
      %mul3A_242 = arith.muli %add3A_227, %mul3A_241 : i32
      %dma_start3A_243 = arith.constant 3 : i32
      %dma_start3A_244 = arith.constant 3 : i32
      %dma_start3A_245 = arith.constant 0 : i32
      %dma_start3A_246 = arith.constant 0 : i32
      %dma_start3A_247 = tpu.memref_slice %arg13[%dma_start3A_243, %dma_start3A_245, %dma_start3A_246] : memref<5x40x128xf32, #tpu.memory_space<vmem>> -> memref<1x40x128xf32, #tpu.memory_space<vmem>>
      %dma_start3A_248 = tpu.memref_squeeze %dma_start3A_247 : memref<1x40x128xf32, #tpu.memory_space<vmem>> -> memref<40x128xf32, #tpu.memory_space<vmem>>
      %dma_start3A_249 = tpu.memref_slice %arg12[%mul3A_242] : memref<10000xi32, #tpu.memory_space<vmem>> -> memref<40xi32, #tpu.memory_space<vmem>>
      %dma_start3A_250 = arith.constant 0 : i32
      %dma_start3A_251 = arith.constant 0 : i32
      %dma_start3A_252 = tpu.memref_slice %arg8[%dma_start3A_250, %dma_start3A_251] : memref<10000x128xf32, #tpu.memory_space<vmem_shared>> -> memref<10000x128xf32, #tpu.memory_space<vmem_shared>>
      %dma_start3A_253 = tpu.memref_slice %arg16[%dma_start3A_244] : memref<5x!tpu.dma_semaphore, #tpu.memory_space<semaphore_mem>> -> memref<1x!tpu.dma_semaphore, #tpu.memory_space<semaphore_mem>>
      %dma_start3A_254 = tpu.memref_squeeze %dma_start3A_253 : memref<1x!tpu.dma_semaphore, #tpu.memory_space<semaphore_mem>> -> memref<!tpu.dma_semaphore, #tpu.memory_space<semaphore_mem>>
      tpu.enqueue_indirect_dma source(%dma_start3A_248 : memref<40x128xf32, #tpu.memory_space<vmem>>) target(%dma_start3A_252 : memref<10000x128xf32, #tpu.memory_space<vmem_shared>>) offsets(%dma_start3A_249 : memref<40xi32, #tpu.memory_space<vmem>>) semaphore(%dma_start3A_254 : memref<!tpu.dma_semaphore, #tpu.memory_space<semaphore_mem>>) {add = true}
      %mul3A_255 = arith.constant 40 : i32
      %mul3A_256 = arith.muli %add3A_227, %mul3A_255 : i32
      %dma_start3A_257 = arith.constant 3 : i32
      %dma_start3A_258 = tpu.memref_slice %arg12[%mul3A_256] : memref<10000xi32, #tpu.memory_space<vmem>> -> memref<40xi32, #tpu.memory_space<vmem>>
      %dma_start3A_259 = arith.constant 0 : i32
      %dma_start3A_260 = arith.constant 0 : i32
      %dma_start3A_261 = tpu.memref_slice %arg9[%dma_start3A_259, %dma_start3A_260] : memref<10000x16xf32, #tpu.memory_space<vmem_shared>> -> memref<10000x16xf32, #tpu.memory_space<vmem_shared>>
      %dma_start3A_262 = tpu.memref_slice %arg17[%dma_start3A_257] : memref<5x!tpu.dma_semaphore, #tpu.memory_space<semaphore_mem>> -> memref<1x!tpu.dma_semaphore, #tpu.memory_space<semaphore_mem>>
      %dma_start3A_263 = tpu.memref_squeeze %dma_start3A_262 : memref<1x!tpu.dma_semaphore, #tpu.memory_space<semaphore_mem>> -> memref<!tpu.dma_semaphore, #tpu.memory_space<semaphore_mem>>
      tpu.enqueue_indirect_dma source(%arg14 : memref<40x16xf32, #tpu.memory_space<vmem>>) target(%dma_start3A_261 : memref<10000x16xf32, #tpu.memory_space<vmem_shared>>) offsets(%dma_start3A_258 : memref<40xi32, #tpu.memory_space<vmem>>) semaphore(%dma_start3A_263 : memref<!tpu.dma_semaphore, #tpu.memory_space<semaphore_mem>>) {add = true}
      %add3A_264 = arith.constant 4 : i32
      %add3A_265 = arith.addi %mul3A_111, %add3A_264 : i32
      %dma_wait3A_266 = arith.constant 4 : i32
      %dma_wait3A_267 = arith.constant 4 : i32
      %dma_wait3A_268 = arith.constant 0 : i32
      %dma_wait3A_269 = arith.constant 0 : i32
      %dma_wait3A_270 = tpu.memref_slice %arg13[%dma_wait3A_266, %dma_wait3A_268, %dma_wait3A_269] : memref<5x40x128xf32, #tpu.memory_space<vmem>> -> memref<1x40x128xf32, #tpu.memory_space<vmem>>
      %dma_wait3A_271 = tpu.memref_squeeze %dma_wait3A_270 : memref<1x40x128xf32, #tpu.memory_space<vmem>> -> memref<40x128xf32, #tpu.memory_space<vmem>>
      %dma_wait3A_272 = arith.constant 160 : i32
      %dma_wait3A_273 = tpu.memref_slice %arg10[%dma_wait3A_272] : memref<200xi32, #tpu.memory_space<vmem>> -> memref<40xi32, #tpu.memory_space<vmem>>
      %dma_wait3A_274 = arith.constant 0 : i32
      %dma_wait3A_275 = arith.constant 0 : i32
      %dma_wait3A_276 = tpu.memref_slice %arg2[%dma_wait3A_274, %dma_wait3A_275] : memref<10000x128xf32, #tpu.memory_space<hbm>> -> memref<10000x128xf32, #tpu.memory_space<hbm>>
      %dma_wait3A_277 = tpu.memref_slice %arg15[%dma_wait3A_267] : memref<5x!tpu.dma_semaphore, #tpu.memory_space<semaphore_mem>> -> memref<1x!tpu.dma_semaphore, #tpu.memory_space<semaphore_mem>>
      %dma_wait3A_278 = tpu.memref_squeeze %dma_wait3A_277 : memref<1x!tpu.dma_semaphore, #tpu.memory_space<semaphore_mem>> -> memref<!tpu.dma_semaphore, #tpu.memory_space<semaphore_mem>>
      tpu.wait_indirect_dma semaphore(%dma_wait3A_278 : memref<!tpu.dma_semaphore, #tpu.memory_space<semaphore_mem>>) src(%dma_wait3A_276 : memref<10000x128xf32, #tpu.memory_space<hbm>>) dst(%dma_wait3A_271 : memref<40x128xf32, #tpu.memory_space<vmem>>)
      %mul3A_279 = arith.constant 40 : i32
      %mul3A_280 = arith.muli %add3A_265, %mul3A_279 : i32
      %dma_start3A_281 = arith.constant 4 : i32
      %dma_start3A_282 = arith.constant 4 : i32
      %dma_start3A_283 = arith.constant 0 : i32
      %dma_start3A_284 = arith.constant 0 : i32
      %dma_start3A_285 = tpu.memref_slice %arg13[%dma_start3A_281, %dma_start3A_283, %dma_start3A_284] : memref<5x40x128xf32, #tpu.memory_space<vmem>> -> memref<1x40x128xf32, #tpu.memory_space<vmem>>
      %dma_start3A_286 = tpu.memref_squeeze %dma_start3A_285 : memref<1x40x128xf32, #tpu.memory_space<vmem>> -> memref<40x128xf32, #tpu.memory_space<vmem>>
      %dma_start3A_287 = tpu.memref_slice %arg12[%mul3A_280] : memref<10000xi32, #tpu.memory_space<vmem>> -> memref<40xi32, #tpu.memory_space<vmem>>
      %dma_start3A_288 = arith.constant 0 : i32
      %dma_start3A_289 = arith.constant 0 : i32
      %dma_start3A_290 = tpu.memref_slice %arg8[%dma_start3A_288, %dma_start3A_289] : memref<10000x128xf32, #tpu.memory_space<vmem_shared>> -> memref<10000x128xf32, #tpu.memory_space<vmem_shared>>
      %dma_start3A_291 = tpu.memref_slice %arg16[%dma_start3A_282] : memref<5x!tpu.dma_semaphore, #tpu.memory_space<semaphore_mem>> -> memref<1x!tpu.dma_semaphore, #tpu.memory_space<semaphore_mem>>
      %dma_start3A_292 = tpu.memref_squeeze %dma_start3A_291 : memref<1x!tpu.dma_semaphore, #tpu.memory_space<semaphore_mem>> -> memref<!tpu.dma_semaphore, #tpu.memory_space<semaphore_mem>>
      tpu.enqueue_indirect_dma source(%dma_start3A_286 : memref<40x128xf32, #tpu.memory_space<vmem>>) target(%dma_start3A_290 : memref<10000x128xf32, #tpu.memory_space<vmem_shared>>) offsets(%dma_start3A_287 : memref<40xi32, #tpu.memory_space<vmem>>) semaphore(%dma_start3A_292 : memref<!tpu.dma_semaphore, #tpu.memory_space<semaphore_mem>>) {add = true}
      %mul3A_293 = arith.constant 40 : i32
      %mul3A_294 = arith.muli %add3A_265, %mul3A_293 : i32
      %dma_start3A_295 = arith.constant 4 : i32
      %dma_start3A_296 = tpu.memref_slice %arg12[%mul3A_294] : memref<10000xi32, #tpu.memory_space<vmem>> -> memref<40xi32, #tpu.memory_space<vmem>>
      %dma_start3A_297 = arith.constant 0 : i32
      %dma_start3A_298 = arith.constant 0 : i32
      %dma_start3A_299 = tpu.memref_slice %arg9[%dma_start3A_297, %dma_start3A_298] : memref<10000x16xf32, #tpu.memory_space<vmem_shared>> -> memref<10000x16xf32, #tpu.memory_space<vmem_shared>>
      %dma_start3A_300 = tpu.memref_slice %arg17[%dma_start3A_295] : memref<5x!tpu.dma_semaphore, #tpu.memory_space<semaphore_mem>> -> memref<1x!tpu.dma_semaphore, #tpu.memory_space<semaphore_mem>>
      %dma_start3A_301 = tpu.memref_squeeze %dma_start3A_300 : memref<1x!tpu.dma_semaphore, #tpu.memory_space<semaphore_mem>> -> memref<!tpu.dma_semaphore, #tpu.memory_space<semaphore_mem>>
      tpu.enqueue_indirect_dma source(%arg14 : memref<40x16xf32, #tpu.memory_space<vmem>>) target(%dma_start3A_299 : memref<10000x16xf32, #tpu.memory_space<vmem_shared>>) offsets(%dma_start3A_296 : memref<40xi32, #tpu.memory_space<vmem>>) semaphore(%dma_start3A_301 : memref<!tpu.dma_semaphore, #tpu.memory_space<semaphore_mem>>) {add = true}
      %add3A_302 = arith.constant 2 : i32
      %add3A_303 = arith.addi %mul3A_109, %add3A_302 : i32
      %lt3A_304 = arith.constant 50 : i32
      %lt3A_305 = arith.cmpi slt, %add3A_303, %lt3A_304 : i32
      %convert_element_type3A_306 = arith.extui %lt3A_305 : i1 to i32
      %cond3A_307 = arith.constant 0 : i32
      %cond3A_308 = arith.cmpi ne, %convert_element_type3A_306, %cond3A_307 : i32
      scf.if %cond3A_308 {
        %add3A_846 = arith.constant 2 : i32
        %add3A_847 = arith.addi %mul3A_109, %add3A_846 : i32
        %mul3A_848 = arith.constant 200 : i32
        %mul3A_849 = arith.muli %add3A_847, %mul3A_848 : i32
        %add3A_850 = arith.addi %mul3A_10, %mul3A_849 : i32
        %dma_start3A_851 = arith.constant 0 : i32
        %dma_start3A_852 = tpu.memref_slice %arg3[%dma_start3A_851, %add3A_850] : memref<2x320000xi32, #tpu.memory_space<hbm>> -> memref<1x200xi32, #tpu.memory_space<hbm>>
        %dma_start3A_853 = tpu.memref_squeeze %dma_start3A_852 : memref<1x200xi32, #tpu.memory_space<hbm>> -> memref<200xi32, #tpu.memory_space<hbm>>
        %dma_start3A_854 = tpu.memref_slice %arg3[%dma_start3A_851, %add3A_850] : memref<2x320000xi32, #tpu.memory_space<hbm>> -> memref<1x200xi32, #tpu.memory_space<hbm>>
        %dma_start3A_855 = tpu.memref_squeeze %dma_start3A_854 : memref<1x200xi32, #tpu.memory_space<hbm>> -> memref<200xi32, #tpu.memory_space<hbm>>
        tpu.enqueue_dma source(%dma_start3A_855 : memref<200xi32, #tpu.memory_space<hbm>>) target(%arg10 : memref<200xi32, #tpu.memory_space<vmem>>) target_semaphore(%arg18 : memref<!tpu.dma_semaphore, #tpu.memory_space<semaphore_mem>>)
      } else {
      }
      %add3A_309 = arith.constant 1 : i32
      %add3A_310 = arith.addi %mul3A_109, %add3A_309 : i32
      %lt3A_311 = arith.constant 50 : i32
      %lt3A_312 = arith.cmpi slt, %add3A_310, %lt3A_311 : i32
      %convert_element_type3A_313 = arith.extui %lt3A_312 : i1 to i32
      %cond3A_314 = arith.constant 0 : i32
      %cond3A_315 = arith.cmpi ne, %convert_element_type3A_313, %cond3A_314 : i32
      scf.if %cond3A_315 {
        %add3A_846 = arith.constant 1 : i32
        %add3A_847 = arith.addi %mul3A_109, %add3A_846 : i32
        %mul3A_848 = arith.constant 200 : i32
        %mul3A_849 = arith.muli %add3A_847, %mul3A_848 : i32
        %add3A_850 = arith.addi %mul3A_10, %mul3A_849 : i32
        %dma_wait3A_851 = arith.constant 0 : i32
        %dma_wait3A_852 = tpu.memref_slice %arg3[%dma_wait3A_851, %add3A_850] : memref<2x320000xi32, #tpu.memory_space<hbm>> -> memref<1x200xi32, #tpu.memory_space<hbm>>
        %dma_wait3A_853 = tpu.memref_squeeze %dma_wait3A_852 : memref<1x200xi32, #tpu.memory_space<hbm>> -> memref<200xi32, #tpu.memory_space<hbm>>
        %dma_wait3A_854 = tpu.memref_slice %arg3[%dma_wait3A_851, %add3A_850] : memref<2x320000xi32, #tpu.memory_space<hbm>> -> memref<1x200xi32, #tpu.memory_space<hbm>>
        %dma_wait3A_855 = tpu.memref_squeeze %dma_wait3A_854 : memref<1x200xi32, #tpu.memory_space<hbm>> -> memref<200xi32, #tpu.memory_space<hbm>>
        tpu.wait_dma2 semaphore(%arg19 : memref<!tpu.dma_semaphore, #tpu.memory_space<semaphore_mem>>) src(%dma_wait3A_855 : memref<200xi32, #tpu.memory_space<hbm>>) dst(%arg11 : memref<200xi32, #tpu.memory_space<vmem>>)
      } else {
      }
      %add3A_316 = arith.constant 0 : i32
      %add3A_317 = arith.addi %mul3A_111, %add3A_316 : i32
      %mul3A_318 = arith.constant 40 : i32
      %mul3A_319 = arith.muli %add3A_317, %mul3A_318 : i32
      %dma_wait3A_320 = arith.constant 0 : i32
      %dma_wait3A_321 = arith.constant 0 : i32
      %dma_wait3A_322 = arith.constant 0 : i32
      %dma_wait3A_323 = arith.constant 0 : i32
      %dma_wait3A_324 = tpu.memref_slice %arg13[%dma_wait3A_320, %dma_wait3A_322, %dma_wait3A_323] : memref<5x40x128xf32, #tpu.memory_space<vmem>> -> memref<1x40x128xf32, #tpu.memory_space<vmem>>
      %dma_wait3A_325 = tpu.memref_squeeze %dma_wait3A_324 : memref<1x40x128xf32, #tpu.memory_space<vmem>> -> memref<40x128xf32, #tpu.memory_space<vmem>>
      %dma_wait3A_326 = tpu.memref_slice %arg12[%mul3A_319] : memref<10000xi32, #tpu.memory_space<vmem>> -> memref<40xi32, #tpu.memory_space<vmem>>
      %dma_wait3A_327 = arith.constant 0 : i32
      %dma_wait3A_328 = arith.constant 0 : i32
      %dma_wait3A_329 = tpu.memref_slice %arg8[%dma_wait3A_327, %dma_wait3A_328] : memref<10000x128xf32, #tpu.memory_space<vmem_shared>> -> memref<10000x128xf32, #tpu.memory_space<vmem_shared>>
      %dma_wait3A_330 = tpu.memref_slice %arg16[%dma_wait3A_321] : memref<5x!tpu.dma_semaphore, #tpu.memory_space<semaphore_mem>> -> memref<1x!tpu.dma_semaphore, #tpu.memory_space<semaphore_mem>>
      %dma_wait3A_331 = tpu.memref_squeeze %dma_wait3A_330 : memref<1x!tpu.dma_semaphore, #tpu.memory_space<semaphore_mem>> -> memref<!tpu.dma_semaphore, #tpu.memory_space<semaphore_mem>>
      tpu.wait_indirect_dma semaphore(%dma_wait3A_331 : memref<!tpu.dma_semaphore, #tpu.memory_space<semaphore_mem>>) src(%dma_wait3A_325 : memref<40x128xf32, #tpu.memory_space<vmem>>) dst(%dma_wait3A_329 : memref<10000x128xf32, #tpu.memory_space<vmem_shared>>)
      %mul3A_332 = arith.constant 40 : i32
      %mul3A_333 = arith.muli %add3A_317, %mul3A_332 : i32
      %dma_wait3A_334 = arith.constant 0 : i32
      %dma_wait3A_335 = tpu.memref_slice %arg12[%mul3A_333] : memref<10000xi32, #tpu.memory_space<vmem>> -> memref<40xi32, #tpu.memory_space<vmem>>
      %dma_wait3A_336 = arith.constant 0 : i32
      %dma_wait3A_337 = arith.constant 0 : i32
      %dma_wait3A_338 = tpu.memref_slice %arg9[%dma_wait3A_336, %dma_wait3A_337] : memref<10000x16xf32, #tpu.memory_space<vmem_shared>> -> memref<10000x16xf32, #tpu.memory_space<vmem_shared>>
      %dma_wait3A_339 = tpu.memref_slice %arg17[%dma_wait3A_334] : memref<5x!tpu.dma_semaphore, #tpu.memory_space<semaphore_mem>> -> memref<1x!tpu.dma_semaphore, #tpu.memory_space<semaphore_mem>>
      %dma_wait3A_340 = tpu.memref_squeeze %dma_wait3A_339 : memref<1x!tpu.dma_semaphore, #tpu.memory_space<semaphore_mem>> -> memref<!tpu.dma_semaphore, #tpu.memory_space<semaphore_mem>>
      tpu.wait_indirect_dma semaphore(%dma_wait3A_340 : memref<!tpu.dma_semaphore, #tpu.memory_space<semaphore_mem>>) src(%arg14 : memref<40x16xf32, #tpu.memory_space<vmem>>) dst(%dma_wait3A_338 : memref<10000x16xf32, #tpu.memory_space<vmem_shared>>)
      %add3A_341 = arith.constant 1 : i32
      %add3A_342 = arith.addi %mul3A_109, %add3A_341 : i32
      %lt3A_343 = arith.constant 50 : i32
      %lt3A_344 = arith.cmpi slt, %add3A_342, %lt3A_343 : i32
      %convert_element_type3A_345 = arith.extui %lt3A_344 : i1 to i32
      %cond3A_346 = arith.constant 0 : i32
      %cond3A_347 = arith.cmpi ne, %convert_element_type3A_345, %cond3A_346 : i32
      scf.if %cond3A_347 {
        %add3A_846 = arith.constant 5 : i32
        %add3A_847 = arith.addi %add3A_317, %add3A_846 : i32
        %dma_start3A_848 = arith.constant 0 : i32
        %dma_start3A_849 = arith.constant 0 : i32
        %dma_start3A_850 = arith.constant 0 : i32
        %dma_start3A_851 = arith.constant 0 : i32
        %dma_start3A_852 = tpu.memref_slice %arg13[%dma_start3A_848, %dma_start3A_850, %dma_start3A_851] : memref<5x40x128xf32, #tpu.memory_space<vmem>> -> memref<1x40x128xf32, #tpu.memory_space<vmem>>
        %dma_start3A_853 = tpu.memref_squeeze %dma_start3A_852 : memref<1x40x128xf32, #tpu.memory_space<vmem>> -> memref<40x128xf32, #tpu.memory_space<vmem>>
        %dma_start3A_854 = arith.constant 0 : i32
        %dma_start3A_855 = tpu.memref_slice %arg11[%dma_start3A_854] : memref<200xi32, #tpu.memory_space<vmem>> -> memref<40xi32, #tpu.memory_space<vmem>>
        %dma_start3A_856 = arith.constant 0 : i32
        %dma_start3A_857 = arith.constant 0 : i32
        %dma_start3A_858 = tpu.memref_slice %arg2[%dma_start3A_856, %dma_start3A_857] : memref<10000x128xf32, #tpu.memory_space<hbm>> -> memref<10000x128xf32, #tpu.memory_space<hbm>>
        %dma_start3A_859 = tpu.memref_slice %arg15[%dma_start3A_849] : memref<5x!tpu.dma_semaphore, #tpu.memory_space<semaphore_mem>> -> memref<1x!tpu.dma_semaphore, #tpu.memory_space<semaphore_mem>>
        %dma_start3A_860 = tpu.memref_squeeze %dma_start3A_859 : memref<1x!tpu.dma_semaphore, #tpu.memory_space<semaphore_mem>> -> memref<!tpu.dma_semaphore, #tpu.memory_space<semaphore_mem>>
        tpu.enqueue_indirect_dma source(%dma_start3A_858 : memref<10000x128xf32, #tpu.memory_space<hbm>>) target(%dma_start3A_853 : memref<40x128xf32, #tpu.memory_space<vmem>>) offsets(%dma_start3A_855 : memref<40xi32, #tpu.memory_space<vmem>>) semaphore(%dma_start3A_860 : memref<!tpu.dma_semaphore, #tpu.memory_space<semaphore_mem>>)
      } else {
      }
      %add3A_348 = arith.constant 1 : i32
      %add3A_349 = arith.addi %mul3A_111, %add3A_348 : i32
      %mul3A_350 = arith.constant 40 : i32
      %mul3A_351 = arith.muli %add3A_349, %mul3A_350 : i32
      %dma_wait3A_352 = arith.constant 1 : i32
      %dma_wait3A_353 = arith.constant 1 : i32
      %dma_wait3A_354 = arith.constant 0 : i32
      %dma_wait3A_355 = arith.constant 0 : i32
      %dma_wait3A_356 = tpu.memref_slice %arg13[%dma_wait3A_352, %dma_wait3A_354, %dma_wait3A_355] : memref<5x40x128xf32, #tpu.memory_space<vmem>> -> memref<1x40x128xf32, #tpu.memory_space<vmem>>
      %dma_wait3A_357 = tpu.memref_squeeze %dma_wait3A_356 : memref<1x40x128xf32, #tpu.memory_space<vmem>> -> memref<40x128xf32, #tpu.memory_space<vmem>>
      %dma_wait3A_358 = tpu.memref_slice %arg12[%mul3A_351] : memref<10000xi32, #tpu.memory_space<vmem>> -> memref<40xi32, #tpu.memory_space<vmem>>
      %dma_wait3A_359 = arith.constant 0 : i32
      %dma_wait3A_360 = arith.constant 0 : i32
      %dma_wait3A_361 = tpu.memref_slice %arg8[%dma_wait3A_359, %dma_wait3A_360] : memref<10000x128xf32, #tpu.memory_space<vmem_shared>> -> memref<10000x128xf32, #tpu.memory_space<vmem_shared>>
      %dma_wait3A_362 = tpu.memref_slice %arg16[%dma_wait3A_353] : memref<5x!tpu.dma_semaphore, #tpu.memory_space<semaphore_mem>> -> memref<1x!tpu.dma_semaphore, #tpu.memory_space<semaphore_mem>>
      %dma_wait3A_363 = tpu.memref_squeeze %dma_wait3A_362 : memref<1x!tpu.dma_semaphore, #tpu.memory_space<semaphore_mem>> -> memref<!tpu.dma_semaphore, #tpu.memory_space<semaphore_mem>>
      tpu.wait_indirect_dma semaphore(%dma_wait3A_363 : memref<!tpu.dma_semaphore, #tpu.memory_space<semaphore_mem>>) src(%dma_wait3A_357 : memref<40x128xf32, #tpu.memory_space<vmem>>) dst(%dma_wait3A_361 : memref<10000x128xf32, #tpu.memory_space<vmem_shared>>)
      %mul3A_364 = arith.constant 40 : i32
      %mul3A_365 = arith.muli %add3A_349, %mul3A_364 : i32
      %dma_wait3A_366 = arith.constant 1 : i32
      %dma_wait3A_367 = tpu.memref_slice %arg12[%mul3A_365] : memref<10000xi32, #tpu.memory_space<vmem>> -> memref<40xi32, #tpu.memory_space<vmem>>
      %dma_wait3A_368 = arith.constant 0 : i32
      %dma_wait3A_369 = arith.constant 0 : i32
      %dma_wait3A_370 = tpu.memref_slice %arg9[%dma_wait3A_368, %dma_wait3A_369] : memref<10000x16xf32, #tpu.memory_space<vmem_shared>> -> memref<10000x16xf32, #tpu.memory_space<vmem_shared>>
      %dma_wait3A_371 = tpu.memref_slice %arg17[%dma_wait3A_366] : memref<5x!tpu.dma_semaphore, #tpu.memory_space<semaphore_mem>> -> memref<1x!tpu.dma_semaphore, #tpu.memory_space<semaphore_mem>>
      %dma_wait3A_372 = tpu.memref_squeeze %dma_wait3A_371 : memref<1x!tpu.dma_semaphore, #tpu.memory_space<semaphore_mem>> -> memref<!tpu.dma_semaphore, #tpu.memory_space<semaphore_mem>>
      tpu.wait_indirect_dma semaphore(%dma_wait3A_372 : memref<!tpu.dma_semaphore, #tpu.memory_space<semaphore_mem>>) src(%arg14 : memref<40x16xf32, #tpu.memory_space<vmem>>) dst(%dma_wait3A_370 : memref<10000x16xf32, #tpu.memory_space<vmem_shared>>)
      %add3A_373 = arith.constant 1 : i32
      %add3A_374 = arith.addi %mul3A_109, %add3A_373 : i32
      %lt3A_375 = arith.constant 50 : i32
      %lt3A_376 = arith.cmpi slt, %add3A_374, %lt3A_375 : i32
      %convert_element_type3A_377 = arith.extui %lt3A_376 : i1 to i32
      %cond3A_378 = arith.constant 0 : i32
      %cond3A_379 = arith.cmpi ne, %convert_element_type3A_377, %cond3A_378 : i32
      scf.if %cond3A_379 {
        %add3A_846 = arith.constant 5 : i32
        %add3A_847 = arith.addi %add3A_349, %add3A_846 : i32
        %dma_start3A_848 = arith.constant 1 : i32
        %dma_start3A_849 = arith.constant 1 : i32
        %dma_start3A_850 = arith.constant 0 : i32
        %dma_start3A_851 = arith.constant 0 : i32
        %dma_start3A_852 = tpu.memref_slice %arg13[%dma_start3A_848, %dma_start3A_850, %dma_start3A_851] : memref<5x40x128xf32, #tpu.memory_space<vmem>> -> memref<1x40x128xf32, #tpu.memory_space<vmem>>
        %dma_start3A_853 = tpu.memref_squeeze %dma_start3A_852 : memref<1x40x128xf32, #tpu.memory_space<vmem>> -> memref<40x128xf32, #tpu.memory_space<vmem>>
        %dma_start3A_854 = arith.constant 40 : i32
        %dma_start3A_855 = tpu.memref_slice %arg11[%dma_start3A_854] : memref<200xi32, #tpu.memory_space<vmem>> -> memref<40xi32, #tpu.memory_space<vmem>>
        %dma_start3A_856 = arith.constant 0 : i32
        %dma_start3A_857 = arith.constant 0 : i32
        %dma_start3A_858 = tpu.memref_slice %arg2[%dma_start3A_856, %dma_start3A_857] : memref<10000x128xf32, #tpu.memory_space<hbm>> -> memref<10000x128xf32, #tpu.memory_space<hbm>>
        %dma_start3A_859 = tpu.memref_slice %arg15[%dma_start3A_849] : memref<5x!tpu.dma_semaphore, #tpu.memory_space<semaphore_mem>> -> memref<1x!tpu.dma_semaphore, #tpu.memory_space<semaphore_mem>>
        %dma_start3A_860 = tpu.memref_squeeze %dma_start3A_859 : memref<1x!tpu.dma_semaphore, #tpu.memory_space<semaphore_mem>> -> memref<!tpu.dma_semaphore, #tpu.memory_space<semaphore_mem>>
        tpu.enqueue_indirect_dma source(%dma_start3A_858 : memref<10000x128xf32, #tpu.memory_space<hbm>>) target(%dma_start3A_853 : memref<40x128xf32, #tpu.memory_space<vmem>>) offsets(%dma_start3A_855 : memref<40xi32, #tpu.memory_space<vmem>>) semaphore(%dma_start3A_860 : memref<!tpu.dma_semaphore, #tpu.memory_space<semaphore_mem>>)
      } else {
      }
      %add3A_380 = arith.constant 2 : i32
      %add3A_381 = arith.addi %mul3A_111, %add3A_380 : i32
      %mul3A_382 = arith.constant 40 : i32
      %mul3A_383 = arith.muli %add3A_381, %mul3A_382 : i32
      %dma_wait3A_384 = arith.constant 2 : i32
      %dma_wait3A_385 = arith.constant 2 : i32
      %dma_wait3A_386 = arith.constant 0 : i32
      %dma_wait3A_387 = arith.constant 0 : i32
      %dma_wait3A_388 = tpu.memref_slice %arg13[%dma_wait3A_384, %dma_wait3A_386, %dma_wait3A_387] : memref<5x40x128xf32, #tpu.memory_space<vmem>> -> memref<1x40x128xf32, #tpu.memory_space<vmem>>
      %dma_wait3A_389 = tpu.memref_squeeze %dma_wait3A_388 : memref<1x40x128xf32, #tpu.memory_space<vmem>> -> memref<40x128xf32, #tpu.memory_space<vmem>>
      %dma_wait3A_390 = tpu.memref_slice %arg12[%mul3A_383] : memref<10000xi32, #tpu.memory_space<vmem>> -> memref<40xi32, #tpu.memory_space<vmem>>
      %dma_wait3A_391 = arith.constant 0 : i32
      %dma_wait3A_392 = arith.constant 0 : i32
      %dma_wait3A_393 = tpu.memref_slice %arg8[%dma_wait3A_391, %dma_wait3A_392] : memref<10000x128xf32, #tpu.memory_space<vmem_shared>> -> memref<10000x128xf32, #tpu.memory_space<vmem_shared>>
      %dma_wait3A_394 = tpu.memref_slice %arg16[%dma_wait3A_385] : memref<5x!tpu.dma_semaphore, #tpu.memory_space<semaphore_mem>> -> memref<1x!tpu.dma_semaphore, #tpu.memory_space<semaphore_mem>>
      %dma_wait3A_395 = tpu.memref_squeeze %dma_wait3A_394 : memref<1x!tpu.dma_semaphore, #tpu.memory_space<semaphore_mem>> -> memref<!tpu.dma_semaphore, #tpu.memory_space<semaphore_mem>>
      tpu.wait_indirect_dma semaphore(%dma_wait3A_395 : memref<!tpu.dma_semaphore, #tpu.memory_space<semaphore_mem>>) src(%dma_wait3A_389 : memref<40x128xf32, #tpu.memory_space<vmem>>) dst(%dma_wait3A_393 : memref<10000x128xf32, #tpu.memory_space<vmem_shared>>)
      %mul3A_396 = arith.constant 40 : i32
      %mul3A_397 = arith.muli %add3A_381, %mul3A_396 : i32
      %dma_wait3A_398 = arith.constant 2 : i32
      %dma_wait3A_399 = tpu.memref_slice %arg12[%mul3A_397] : memref<10000xi32, #tpu.memory_space<vmem>> -> memref<40xi32, #tpu.memory_space<vmem>>
      %dma_wait3A_400 = arith.constant 0 : i32
      %dma_wait3A_401 = arith.constant 0 : i32
      %dma_wait3A_402 = tpu.memref_slice %arg9[%dma_wait3A_400, %dma_wait3A_401] : memref<10000x16xf32, #tpu.memory_space<vmem_shared>> -> memref<10000x16xf32, #tpu.memory_space<vmem_shared>>
      %dma_wait3A_403 = tpu.memref_slice %arg17[%dma_wait3A_398] : memref<5x!tpu.dma_semaphore, #tpu.memory_space<semaphore_mem>> -> memref<1x!tpu.dma_semaphore, #tpu.memory_space<semaphore_mem>>
      %dma_wait3A_404 = tpu.memref_squeeze %dma_wait3A_403 : memref<1x!tpu.dma_semaphore, #tpu.memory_space<semaphore_mem>> -> memref<!tpu.dma_semaphore, #tpu.memory_space<semaphore_mem>>
      tpu.wait_indirect_dma semaphore(%dma_wait3A_404 : memref<!tpu.dma_semaphore, #tpu.memory_space<semaphore_mem>>) src(%arg14 : memref<40x16xf32, #tpu.memory_space<vmem>>) dst(%dma_wait3A_402 : memref<10000x16xf32, #tpu.memory_space<vmem_shared>>)
      %add3A_405 = arith.constant 1 : i32
      %add3A_406 = arith.addi %mul3A_109, %add3A_405 : i32
      %lt3A_407 = arith.constant 50 : i32
      %lt3A_408 = arith.cmpi slt, %add3A_406, %lt3A_407 : i32
      %convert_element_type3A_409 = arith.extui %lt3A_408 : i1 to i32
      %cond3A_410 = arith.constant 0 : i32
      %cond3A_411 = arith.cmpi ne, %convert_element_type3A_409, %cond3A_410 : i32
      scf.if %cond3A_411 {
        %add3A_846 = arith.constant 5 : i32
        %add3A_847 = arith.addi %add3A_381, %add3A_846 : i32
        %dma_start3A_848 = arith.constant 2 : i32
        %dma_start3A_849 = arith.constant 2 : i32
        %dma_start3A_850 = arith.constant 0 : i32
        %dma_start3A_851 = arith.constant 0 : i32
        %dma_start3A_852 = tpu.memref_slice %arg13[%dma_start3A_848, %dma_start3A_850, %dma_start3A_851] : memref<5x40x128xf32, #tpu.memory_space<vmem>> -> memref<1x40x128xf32, #tpu.memory_space<vmem>>
        %dma_start3A_853 = tpu.memref_squeeze %dma_start3A_852 : memref<1x40x128xf32, #tpu.memory_space<vmem>> -> memref<40x128xf32, #tpu.memory_space<vmem>>
        %dma_start3A_854 = arith.constant 80 : i32
        %dma_start3A_855 = tpu.memref_slice %arg11[%dma_start3A_854] : memref<200xi32, #tpu.memory_space<vmem>> -> memref<40xi32, #tpu.memory_space<vmem>>
        %dma_start3A_856 = arith.constant 0 : i32
        %dma_start3A_857 = arith.constant 0 : i32
        %dma_start3A_858 = tpu.memref_slice %arg2[%dma_start3A_856, %dma_start3A_857] : memref<10000x128xf32, #tpu.memory_space<hbm>> -> memref<10000x128xf32, #tpu.memory_space<hbm>>
        %dma_start3A_859 = tpu.memref_slice %arg15[%dma_start3A_849] : memref<5x!tpu.dma_semaphore, #tpu.memory_space<semaphore_mem>> -> memref<1x!tpu.dma_semaphore, #tpu.memory_space<semaphore_mem>>
        %dma_start3A_860 = tpu.memref_squeeze %dma_start3A_859 : memref<1x!tpu.dma_semaphore, #tpu.memory_space<semaphore_mem>> -> memref<!tpu.dma_semaphore, #tpu.memory_space<semaphore_mem>>
        tpu.enqueue_indirect_dma source(%dma_start3A_858 : memref<10000x128xf32, #tpu.memory_space<hbm>>) target(%dma_start3A_853 : memref<40x128xf32, #tpu.memory_space<vmem>>) offsets(%dma_start3A_855 : memref<40xi32, #tpu.memory_space<vmem>>) semaphore(%dma_start3A_860 : memref<!tpu.dma_semaphore, #tpu.memory_space<semaphore_mem>>)
      } else {
      }
      %add3A_412 = arith.constant 3 : i32
      %add3A_413 = arith.addi %mul3A_111, %add3A_412 : i32
      %mul3A_414 = arith.constant 40 : i32
      %mul3A_415 = arith.muli %add3A_413, %mul3A_414 : i32
      %dma_wait3A_416 = arith.constant 3 : i32
      %dma_wait3A_417 = arith.constant 3 : i32
      %dma_wait3A_418 = arith.constant 0 : i32
      %dma_wait3A_419 = arith.constant 0 : i32
      %dma_wait3A_420 = tpu.memref_slice %arg13[%dma_wait3A_416, %dma_wait3A_418, %dma_wait3A_419] : memref<5x40x128xf32, #tpu.memory_space<vmem>> -> memref<1x40x128xf32, #tpu.memory_space<vmem>>
      %dma_wait3A_421 = tpu.memref_squeeze %dma_wait3A_420 : memref<1x40x128xf32, #tpu.memory_space<vmem>> -> memref<40x128xf32, #tpu.memory_space<vmem>>
      %dma_wait3A_422 = tpu.memref_slice %arg12[%mul3A_415] : memref<10000xi32, #tpu.memory_space<vmem>> -> memref<40xi32, #tpu.memory_space<vmem>>
      %dma_wait3A_423 = arith.constant 0 : i32
      %dma_wait3A_424 = arith.constant 0 : i32
      %dma_wait3A_425 = tpu.memref_slice %arg8[%dma_wait3A_423, %dma_wait3A_424] : memref<10000x128xf32, #tpu.memory_space<vmem_shared>> -> memref<10000x128xf32, #tpu.memory_space<vmem_shared>>
      %dma_wait3A_426 = tpu.memref_slice %arg16[%dma_wait3A_417] : memref<5x!tpu.dma_semaphore, #tpu.memory_space<semaphore_mem>> -> memref<1x!tpu.dma_semaphore, #tpu.memory_space<semaphore_mem>>
      %dma_wait3A_427 = tpu.memref_squeeze %dma_wait3A_426 : memref<1x!tpu.dma_semaphore, #tpu.memory_space<semaphore_mem>> -> memref<!tpu.dma_semaphore, #tpu.memory_space<semaphore_mem>>
      tpu.wait_indirect_dma semaphore(%dma_wait3A_427 : memref<!tpu.dma_semaphore, #tpu.memory_space<semaphore_mem>>) src(%dma_wait3A_421 : memref<40x128xf32, #tpu.memory_space<vmem>>) dst(%dma_wait3A_425 : memref<10000x128xf32, #tpu.memory_space<vmem_shared>>)
      %mul3A_428 = arith.constant 40 : i32
      %mul3A_429 = arith.muli %add3A_413, %mul3A_428 : i32
      %dma_wait3A_430 = arith.constant 3 : i32
      %dma_wait3A_431 = tpu.memref_slice %arg12[%mul3A_429] : memref<10000xi32, #tpu.memory_space<vmem>> -> memref<40xi32, #tpu.memory_space<vmem>>
      %dma_wait3A_432 = arith.constant 0 : i32
      %dma_wait3A_433 = arith.constant 0 : i32
      %dma_wait3A_434 = tpu.memref_slice %arg9[%dma_wait3A_432, %dma_wait3A_433] : memref<10000x16xf32, #tpu.memory_space<vmem_shared>> -> memref<10000x16xf32, #tpu.memory_space<vmem_shared>>
      %dma_wait3A_435 = tpu.memref_slice %arg17[%dma_wait3A_430] : memref<5x!tpu.dma_semaphore, #tpu.memory_space<semaphore_mem>> -> memref<1x!tpu.dma_semaphore, #tpu.memory_space<semaphore_mem>>
      %dma_wait3A_436 = tpu.memref_squeeze %dma_wait3A_435 : memref<1x!tpu.dma_semaphore, #tpu.memory_space<semaphore_mem>> -> memref<!tpu.dma_semaphore, #tpu.memory_space<semaphore_mem>>
      tpu.wait_indirect_dma semaphore(%dma_wait3A_436 : memref<!tpu.dma_semaphore, #tpu.memory_space<semaphore_mem>>) src(%arg14 : memref<40x16xf32, #tpu.memory_space<vmem>>) dst(%dma_wait3A_434 : memref<10000x16xf32, #tpu.memory_space<vmem_shared>>)
      %add3A_437 = arith.constant 1 : i32
      %add3A_438 = arith.addi %mul3A_109, %add3A_437 : i32
      %lt3A_439 = arith.constant 50 : i32
      %lt3A_440 = arith.cmpi slt, %add3A_438, %lt3A_439 : i32
      %convert_element_type3A_441 = arith.extui %lt3A_440 : i1 to i32
      %cond3A_442 = arith.constant 0 : i32
      %cond3A_443 = arith.cmpi ne, %convert_element_type3A_441, %cond3A_442 : i32
      scf.if %cond3A_443 {
        %add3A_846 = arith.constant 5 : i32
        %add3A_847 = arith.addi %add3A_413, %add3A_846 : i32
        %dma_start3A_848 = arith.constant 3 : i32
        %dma_start3A_849 = arith.constant 3 : i32
        %dma_start3A_850 = arith.constant 0 : i32
        %dma_start3A_851 = arith.constant 0 : i32
        %dma_start3A_852 = tpu.memref_slice %arg13[%dma_start3A_848, %dma_start3A_850, %dma_start3A_851] : memref<5x40x128xf32, #tpu.memory_space<vmem>> -> memref<1x40x128xf32, #tpu.memory_space<vmem>>
        %dma_start3A_853 = tpu.memref_squeeze %dma_start3A_852 : memref<1x40x128xf32, #tpu.memory_space<vmem>> -> memref<40x128xf32, #tpu.memory_space<vmem>>
        %dma_start3A_854 = arith.constant 120 : i32
        %dma_start3A_855 = tpu.memref_slice %arg11[%dma_start3A_854] : memref<200xi32, #tpu.memory_space<vmem>> -> memref<40xi32, #tpu.memory_space<vmem>>
        %dma_start3A_856 = arith.constant 0 : i32
        %dma_start3A_857 = arith.constant 0 : i32
        %dma_start3A_858 = tpu.memref_slice %arg2[%dma_start3A_856, %dma_start3A_857] : memref<10000x128xf32, #tpu.memory_space<hbm>> -> memref<10000x128xf32, #tpu.memory_space<hbm>>
        %dma_start3A_859 = tpu.memref_slice %arg15[%dma_start3A_849] : memref<5x!tpu.dma_semaphore, #tpu.memory_space<semaphore_mem>> -> memref<1x!tpu.dma_semaphore, #tpu.memory_space<semaphore_mem>>
        %dma_start3A_860 = tpu.memref_squeeze %dma_start3A_859 : memref<1x!tpu.dma_semaphore, #tpu.memory_space<semaphore_mem>> -> memref<!tpu.dma_semaphore, #tpu.memory_space<semaphore_mem>>
        tpu.enqueue_indirect_dma source(%dma_start3A_858 : memref<10000x128xf32, #tpu.memory_space<hbm>>) target(%dma_start3A_853 : memref<40x128xf32, #tpu.memory_space<vmem>>) offsets(%dma_start3A_855 : memref<40xi32, #tpu.memory_space<vmem>>) semaphore(%dma_start3A_860 : memref<!tpu.dma_semaphore, #tpu.memory_space<semaphore_mem>>)
      } else {
      }
      %add3A_444 = arith.constant 4 : i32
      %add3A_445 = arith.addi %mul3A_111, %add3A_444 : i32
      %mul3A_446 = arith.constant 40 : i32
      %mul3A_447 = arith.muli %add3A_445, %mul3A_446 : i32
      %dma_wait3A_448 = arith.constant 4 : i32
      %dma_wait3A_449 = arith.constant 4 : i32
      %dma_wait3A_450 = arith.constant 0 : i32
      %dma_wait3A_451 = arith.constant 0 : i32
      %dma_wait3A_452 = tpu.memref_slice %arg13[%dma_wait3A_448, %dma_wait3A_450, %dma_wait3A_451] : memref<5x40x128xf32, #tpu.memory_space<vmem>> -> memref<1x40x128xf32, #tpu.memory_space<vmem>>
      %dma_wait3A_453 = tpu.memref_squeeze %dma_wait3A_452 : memref<1x40x128xf32, #tpu.memory_space<vmem>> -> memref<40x128xf32, #tpu.memory_space<vmem>>
      %dma_wait3A_454 = tpu.memref_slice %arg12[%mul3A_447] : memref<10000xi32, #tpu.memory_space<vmem>> -> memref<40xi32, #tpu.memory_space<vmem>>
      %dma_wait3A_455 = arith.constant 0 : i32
      %dma_wait3A_456 = arith.constant 0 : i32
      %dma_wait3A_457 = tpu.memref_slice %arg8[%dma_wait3A_455, %dma_wait3A_456] : memref<10000x128xf32, #tpu.memory_space<vmem_shared>> -> memref<10000x128xf32, #tpu.memory_space<vmem_shared>>
      %dma_wait3A_458 = tpu.memref_slice %arg16[%dma_wait3A_449] : memref<5x!tpu.dma_semaphore, #tpu.memory_space<semaphore_mem>> -> memref<1x!tpu.dma_semaphore, #tpu.memory_space<semaphore_mem>>
      %dma_wait3A_459 = tpu.memref_squeeze %dma_wait3A_458 : memref<1x!tpu.dma_semaphore, #tpu.memory_space<semaphore_mem>> -> memref<!tpu.dma_semaphore, #tpu.memory_space<semaphore_mem>>
      tpu.wait_indirect_dma semaphore(%dma_wait3A_459 : memref<!tpu.dma_semaphore, #tpu.memory_space<semaphore_mem>>) src(%dma_wait3A_453 : memref<40x128xf32, #tpu.memory_space<vmem>>) dst(%dma_wait3A_457 : memref<10000x128xf32, #tpu.memory_space<vmem_shared>>)
      %mul3A_460 = arith.constant 40 : i32
      %mul3A_461 = arith.muli %add3A_445, %mul3A_460 : i32
      %dma_wait3A_462 = arith.constant 4 : i32
      %dma_wait3A_463 = tpu.memref_slice %arg12[%mul3A_461] : memref<10000xi32, #tpu.memory_space<vmem>> -> memref<40xi32, #tpu.memory_space<vmem>>
      %dma_wait3A_464 = arith.constant 0 : i32
      %dma_wait3A_465 = arith.constant 0 : i32
      %dma_wait3A_466 = tpu.memref_slice %arg9[%dma_wait3A_464, %dma_wait3A_465] : memref<10000x16xf32, #tpu.memory_space<vmem_shared>> -> memref<10000x16xf32, #tpu.memory_space<vmem_shared>>
      %dma_wait3A_467 = tpu.memref_slice %arg17[%dma_wait3A_462] : memref<5x!tpu.dma_semaphore, #tpu.memory_space<semaphore_mem>> -> memref<1x!tpu.dma_semaphore, #tpu.memory_space<semaphore_mem>>
      %dma_wait3A_468 = tpu.memref_squeeze %dma_wait3A_467 : memref<1x!tpu.dma_semaphore, #tpu.memory_space<semaphore_mem>> -> memref<!tpu.dma_semaphore, #tpu.memory_space<semaphore_mem>>
      tpu.wait_indirect_dma semaphore(%dma_wait3A_468 : memref<!tpu.dma_semaphore, #tpu.memory_space<semaphore_mem>>) src(%arg14 : memref<40x16xf32, #tpu.memory_space<vmem>>) dst(%dma_wait3A_466 : memref<10000x16xf32, #tpu.memory_space<vmem_shared>>)
      %add3A_469 = arith.constant 1 : i32
      %add3A_470 = arith.addi %mul3A_109, %add3A_469 : i32
      %lt3A_471 = arith.constant 50 : i32
      %lt3A_472 = arith.cmpi slt, %add3A_470, %lt3A_471 : i32
      %convert_element_type3A_473 = arith.extui %lt3A_472 : i1 to i32
      %cond3A_474 = arith.constant 0 : i32
      %cond3A_475 = arith.cmpi ne, %convert_element_type3A_473, %cond3A_474 : i32
      scf.if %cond3A_475 {
        %add3A_846 = arith.constant 5 : i32
        %add3A_847 = arith.addi %add3A_445, %add3A_846 : i32
        %dma_start3A_848 = arith.constant 4 : i32
        %dma_start3A_849 = arith.constant 4 : i32
        %dma_start3A_850 = arith.constant 0 : i32
        %dma_start3A_851 = arith.constant 0 : i32
        %dma_start3A_852 = tpu.memref_slice %arg13[%dma_start3A_848, %dma_start3A_850, %dma_start3A_851] : memref<5x40x128xf32, #tpu.memory_space<vmem>> -> memref<1x40x128xf32, #tpu.memory_space<vmem>>
        %dma_start3A_853 = tpu.memref_squeeze %dma_start3A_852 : memref<1x40x128xf32, #tpu.memory_space<vmem>> -> memref<40x128xf32, #tpu.memory_space<vmem>>
        %dma_start3A_854 = arith.constant 160 : i32
        %dma_start3A_855 = tpu.memref_slice %arg11[%dma_start3A_854] : memref<200xi32, #tpu.memory_space<vmem>> -> memref<40xi32, #tpu.memory_space<vmem>>
        %dma_start3A_856 = arith.constant 0 : i32
        %dma_start3A_857 = arith.constant 0 : i32
        %dma_start3A_858 = tpu.memref_slice %arg2[%dma_start3A_856, %dma_start3A_857] : memref<10000x128xf32, #tpu.memory_space<hbm>> -> memref<10000x128xf32, #tpu.memory_space<hbm>>
        %dma_start3A_859 = tpu.memref_slice %arg15[%dma_start3A_849] : memref<5x!tpu.dma_semaphore, #tpu.memory_space<semaphore_mem>> -> memref<1x!tpu.dma_semaphore, #tpu.memory_space<semaphore_mem>>
        %dma_start3A_860 = tpu.memref_squeeze %dma_start3A_859 : memref<1x!tpu.dma_semaphore, #tpu.memory_space<semaphore_mem>> -> memref<!tpu.dma_semaphore, #tpu.memory_space<semaphore_mem>>
        tpu.enqueue_indirect_dma source(%dma_start3A_858 : memref<10000x128xf32, #tpu.memory_space<hbm>>) target(%dma_start3A_853 : memref<40x128xf32, #tpu.memory_space<vmem>>) offsets(%dma_start3A_855 : memref<40xi32, #tpu.memory_space<vmem>>) semaphore(%dma_start3A_860 : memref<!tpu.dma_semaphore, #tpu.memory_space<semaphore_mem>>)
      } else {
      }
      %mul3A_476 = arith.constant 2 : i32
      %mul3A_477 = arith.muli %mul3A_476, %scan3A_107 : i32
      %add3A_478 = arith.constant 1 : i32
      %add3A_479 = arith.addi %mul3A_477, %add3A_478 : i32
      %mul3A_480 = arith.constant 5 : i32
      %mul3A_481 = arith.muli %add3A_479, %mul3A_480 : i32
      %add3A_482 = arith.constant 0 : i32
      %add3A_483 = arith.addi %mul3A_481, %add3A_482 : i32
      %dma_wait3A_484 = arith.constant 0 : i32
      %dma_wait3A_485 = arith.constant 0 : i32
      %dma_wait3A_486 = arith.constant 0 : i32
      %dma_wait3A_487 = arith.constant 0 : i32
      %dma_wait3A_488 = tpu.memref_slice %arg13[%dma_wait3A_484, %dma_wait3A_486, %dma_wait3A_487] : memref<5x40x128xf32, #tpu.memory_space<vmem>> -> memref<1x40x128xf32, #tpu.memory_space<vmem>>
      %dma_wait3A_489 = tpu.memref_squeeze %dma_wait3A_488 : memref<1x40x128xf32, #tpu.memory_space<vmem>> -> memref<40x128xf32, #tpu.memory_space<vmem>>
      %dma_wait3A_490 = arith.constant 0 : i32
      %dma_wait3A_491 = tpu.memref_slice %arg11[%dma_wait3A_490] : memref<200xi32, #tpu.memory_space<vmem>> -> memref<40xi32, #tpu.memory_space<vmem>>
      %dma_wait3A_492 = arith.constant 0 : i32
      %dma_wait3A_493 = arith.constant 0 : i32
      %dma_wait3A_494 = tpu.memref_slice %arg2[%dma_wait3A_492, %dma_wait3A_493] : memref<10000x128xf32, #tpu.memory_space<hbm>> -> memref<10000x128xf32, #tpu.memory_space<hbm>>
      %dma_wait3A_495 = tpu.memref_slice %arg15[%dma_wait3A_485] : memref<5x!tpu.dma_semaphore, #tpu.memory_space<semaphore_mem>> -> memref<1x!tpu.dma_semaphore, #tpu.memory_space<semaphore_mem>>
      %dma_wait3A_496 = tpu.memref_squeeze %dma_wait3A_495 : memref<1x!tpu.dma_semaphore, #tpu.memory_space<semaphore_mem>> -> memref<!tpu.dma_semaphore, #tpu.memory_space<semaphore_mem>>
      tpu.wait_indirect_dma semaphore(%dma_wait3A_496 : memref<!tpu.dma_semaphore, #tpu.memory_space<semaphore_mem>>) src(%dma_wait3A_494 : memref<10000x128xf32, #tpu.memory_space<hbm>>) dst(%dma_wait3A_489 : memref<40x128xf32, #tpu.memory_space<vmem>>)
      %mul3A_497 = arith.constant 40 : i32
      %mul3A_498 = arith.muli %add3A_483, %mul3A_497 : i32
      %dma_start3A_499 = arith.constant 0 : i32
      %dma_start3A_500 = arith.constant 0 : i32
      %dma_start3A_501 = arith.constant 0 : i32
      %dma_start3A_502 = arith.constant 0 : i32
      %dma_start3A_503 = tpu.memref_slice %arg13[%dma_start3A_499, %dma_start3A_501, %dma_start3A_502] : memref<5x40x128xf32, #tpu.memory_space<vmem>> -> memref<1x40x128xf32, #tpu.memory_space<vmem>>
      %dma_start3A_504 = tpu.memref_squeeze %dma_start3A_503 : memref<1x40x128xf32, #tpu.memory_space<vmem>> -> memref<40x128xf32, #tpu.memory_space<vmem>>
      %dma_start3A_505 = tpu.memref_slice %arg12[%mul3A_498] : memref<10000xi32, #tpu.memory_space<vmem>> -> memref<40xi32, #tpu.memory_space<vmem>>
      %dma_start3A_506 = arith.constant 0 : i32
      %dma_start3A_507 = arith.constant 0 : i32
      %dma_start3A_508 = tpu.memref_slice %arg8[%dma_start3A_506, %dma_start3A_507] : memref<10000x128xf32, #tpu.memory_space<vmem_shared>> -> memref<10000x128xf32, #tpu.memory_space<vmem_shared>>
      %dma_start3A_509 = tpu.memref_slice %arg16[%dma_start3A_500] : memref<5x!tpu.dma_semaphore, #tpu.memory_space<semaphore_mem>> -> memref<1x!tpu.dma_semaphore, #tpu.memory_space<semaphore_mem>>
      %dma_start3A_510 = tpu.memref_squeeze %dma_start3A_509 : memref<1x!tpu.dma_semaphore, #tpu.memory_space<semaphore_mem>> -> memref<!tpu.dma_semaphore, #tpu.memory_space<semaphore_mem>>
      tpu.enqueue_indirect_dma source(%dma_start3A_504 : memref<40x128xf32, #tpu.memory_space<vmem>>) target(%dma_start3A_508 : memref<10000x128xf32, #tpu.memory_space<vmem_shared>>) offsets(%dma_start3A_505 : memref<40xi32, #tpu.memory_space<vmem>>) semaphore(%dma_start3A_510 : memref<!tpu.dma_semaphore, #tpu.memory_space<semaphore_mem>>) {add = true}
      %mul3A_511 = arith.constant 40 : i32
      %mul3A_512 = arith.muli %add3A_483, %mul3A_511 : i32
      %dma_start3A_513 = arith.constant 0 : i32
      %dma_start3A_514 = tpu.memref_slice %arg12[%mul3A_512] : memref<10000xi32, #tpu.memory_space<vmem>> -> memref<40xi32, #tpu.memory_space<vmem>>
      %dma_start3A_515 = arith.constant 0 : i32
      %dma_start3A_516 = arith.constant 0 : i32
      %dma_start3A_517 = tpu.memref_slice %arg9[%dma_start3A_515, %dma_start3A_516] : memref<10000x16xf32, #tpu.memory_space<vmem_shared>> -> memref<10000x16xf32, #tpu.memory_space<vmem_shared>>
      %dma_start3A_518 = tpu.memref_slice %arg17[%dma_start3A_513] : memref<5x!tpu.dma_semaphore, #tpu.memory_space<semaphore_mem>> -> memref<1x!tpu.dma_semaphore, #tpu.memory_space<semaphore_mem>>
      %dma_start3A_519 = tpu.memref_squeeze %dma_start3A_518 : memref<1x!tpu.dma_semaphore, #tpu.memory_space<semaphore_mem>> -> memref<!tpu.dma_semaphore, #tpu.memory_space<semaphore_mem>>
      tpu.enqueue_indirect_dma source(%arg14 : memref<40x16xf32, #tpu.memory_space<vmem>>) target(%dma_start3A_517 : memref<10000x16xf32, #tpu.memory_space<vmem_shared>>) offsets(%dma_start3A_514 : memref<40xi32, #tpu.memory_space<vmem>>) semaphore(%dma_start3A_519 : memref<!tpu.dma_semaphore, #tpu.memory_space<semaphore_mem>>) {add = true}
      %add3A_520 = arith.constant 1 : i32
      %add3A_521 = arith.addi %mul3A_481, %add3A_520 : i32
      %dma_wait3A_522 = arith.constant 1 : i32
      %dma_wait3A_523 = arith.constant 1 : i32
      %dma_wait3A_524 = arith.constant 0 : i32
      %dma_wait3A_525 = arith.constant 0 : i32
      %dma_wait3A_526 = tpu.memref_slice %arg13[%dma_wait3A_522, %dma_wait3A_524, %dma_wait3A_525] : memref<5x40x128xf32, #tpu.memory_space<vmem>> -> memref<1x40x128xf32, #tpu.memory_space<vmem>>
      %dma_wait3A_527 = tpu.memref_squeeze %dma_wait3A_526 : memref<1x40x128xf32, #tpu.memory_space<vmem>> -> memref<40x128xf32, #tpu.memory_space<vmem>>
      %dma_wait3A_528 = arith.constant 40 : i32
      %dma_wait3A_529 = tpu.memref_slice %arg11[%dma_wait3A_528] : memref<200xi32, #tpu.memory_space<vmem>> -> memref<40xi32, #tpu.memory_space<vmem>>
      %dma_wait3A_530 = arith.constant 0 : i32
      %dma_wait3A_531 = arith.constant 0 : i32
      %dma_wait3A_532 = tpu.memref_slice %arg2[%dma_wait3A_530, %dma_wait3A_531] : memref<10000x128xf32, #tpu.memory_space<hbm>> -> memref<10000x128xf32, #tpu.memory_space<hbm>>
      %dma_wait3A_533 = tpu.memref_slice %arg15[%dma_wait3A_523] : memref<5x!tpu.dma_semaphore, #tpu.memory_space<semaphore_mem>> -> memref<1x!tpu.dma_semaphore, #tpu.memory_space<semaphore_mem>>
      %dma_wait3A_534 = tpu.memref_squeeze %dma_wait3A_533 : memref<1x!tpu.dma_semaphore, #tpu.memory_space<semaphore_mem>> -> memref<!tpu.dma_semaphore, #tpu.memory_space<semaphore_mem>>
      tpu.wait_indirect_dma semaphore(%dma_wait3A_534 : memref<!tpu.dma_semaphore, #tpu.memory_space<semaphore_mem>>) src(%dma_wait3A_532 : memref<10000x128xf32, #tpu.memory_space<hbm>>) dst(%dma_wait3A_527 : memref<40x128xf32, #tpu.memory_space<vmem>>)
      %mul3A_535 = arith.constant 40 : i32
      %mul3A_536 = arith.muli %add3A_521, %mul3A_535 : i32
      %dma_start3A_537 = arith.constant 1 : i32
      %dma_start3A_538 = arith.constant 1 : i32
      %dma_start3A_539 = arith.constant 0 : i32
      %dma_start3A_540 = arith.constant 0 : i32
      %dma_start3A_541 = tpu.memref_slice %arg13[%dma_start3A_537, %dma_start3A_539, %dma_start3A_540] : memref<5x40x128xf32, #tpu.memory_space<vmem>> -> memref<1x40x128xf32, #tpu.memory_space<vmem>>
      %dma_start3A_542 = tpu.memref_squeeze %dma_start3A_541 : memref<1x40x128xf32, #tpu.memory_space<vmem>> -> memref<40x128xf32, #tpu.memory_space<vmem>>
      %dma_start3A_543 = tpu.memref_slice %arg12[%mul3A_536] : memref<10000xi32, #tpu.memory_space<vmem>> -> memref<40xi32, #tpu.memory_space<vmem>>
      %dma_start3A_544 = arith.constant 0 : i32
      %dma_start3A_545 = arith.constant 0 : i32
      %dma_start3A_546 = tpu.memref_slice %arg8[%dma_start3A_544, %dma_start3A_545] : memref<10000x128xf32, #tpu.memory_space<vmem_shared>> -> memref<10000x128xf32, #tpu.memory_space<vmem_shared>>
      %dma_start3A_547 = tpu.memref_slice %arg16[%dma_start3A_538] : memref<5x!tpu.dma_semaphore, #tpu.memory_space<semaphore_mem>> -> memref<1x!tpu.dma_semaphore, #tpu.memory_space<semaphore_mem>>
      %dma_start3A_548 = tpu.memref_squeeze %dma_start3A_547 : memref<1x!tpu.dma_semaphore, #tpu.memory_space<semaphore_mem>> -> memref<!tpu.dma_semaphore, #tpu.memory_space<semaphore_mem>>
      tpu.enqueue_indirect_dma source(%dma_start3A_542 : memref<40x128xf32, #tpu.memory_space<vmem>>) target(%dma_start3A_546 : memref<10000x128xf32, #tpu.memory_space<vmem_shared>>) offsets(%dma_start3A_543 : memref<40xi32, #tpu.memory_space<vmem>>) semaphore(%dma_start3A_548 : memref<!tpu.dma_semaphore, #tpu.memory_space<semaphore_mem>>) {add = true}
      %mul3A_549 = arith.constant 40 : i32
      %mul3A_550 = arith.muli %add3A_521, %mul3A_549 : i32
      %dma_start3A_551 = arith.constant 1 : i32
      %dma_start3A_552 = tpu.memref_slice %arg12[%mul3A_550] : memref<10000xi32, #tpu.memory_space<vmem>> -> memref<40xi32, #tpu.memory_space<vmem>>
      %dma_start3A_553 = arith.constant 0 : i32
      %dma_start3A_554 = arith.constant 0 : i32
      %dma_start3A_555 = tpu.memref_slice %arg9[%dma_start3A_553, %dma_start3A_554] : memref<10000x16xf32, #tpu.memory_space<vmem_shared>> -> memref<10000x16xf32, #tpu.memory_space<vmem_shared>>
      %dma_start3A_556 = tpu.memref_slice %arg17[%dma_start3A_551] : memref<5x!tpu.dma_semaphore, #tpu.memory_space<semaphore_mem>> -> memref<1x!tpu.dma_semaphore, #tpu.memory_space<semaphore_mem>>
      %dma_start3A_557 = tpu.memref_squeeze %dma_start3A_556 : memref<1x!tpu.dma_semaphore, #tpu.memory_space<semaphore_mem>> -> memref<!tpu.dma_semaphore, #tpu.memory_space<semaphore_mem>>
      tpu.enqueue_indirect_dma source(%arg14 : memref<40x16xf32, #tpu.memory_space<vmem>>) target(%dma_start3A_555 : memref<10000x16xf32, #tpu.memory_space<vmem_shared>>) offsets(%dma_start3A_552 : memref<40xi32, #tpu.memory_space<vmem>>) semaphore(%dma_start3A_557 : memref<!tpu.dma_semaphore, #tpu.memory_space<semaphore_mem>>) {add = true}
      %add3A_558 = arith.constant 2 : i32
      %add3A_559 = arith.addi %mul3A_481, %add3A_558 : i32
      %dma_wait3A_560 = arith.constant 2 : i32
      %dma_wait3A_561 = arith.constant 2 : i32
      %dma_wait3A_562 = arith.constant 0 : i32
      %dma_wait3A_563 = arith.constant 0 : i32
      %dma_wait3A_564 = tpu.memref_slice %arg13[%dma_wait3A_560, %dma_wait3A_562, %dma_wait3A_563] : memref<5x40x128xf32, #tpu.memory_space<vmem>> -> memref<1x40x128xf32, #tpu.memory_space<vmem>>
      %dma_wait3A_565 = tpu.memref_squeeze %dma_wait3A_564 : memref<1x40x128xf32, #tpu.memory_space<vmem>> -> memref<40x128xf32, #tpu.memory_space<vmem>>
      %dma_wait3A_566 = arith.constant 80 : i32
      %dma_wait3A_567 = tpu.memref_slice %arg11[%dma_wait3A_566] : memref<200xi32, #tpu.memory_space<vmem>> -> memref<40xi32, #tpu.memory_space<vmem>>
      %dma_wait3A_568 = arith.constant 0 : i32
      %dma_wait3A_569 = arith.constant 0 : i32
      %dma_wait3A_570 = tpu.memref_slice %arg2[%dma_wait3A_568, %dma_wait3A_569] : memref<10000x128xf32, #tpu.memory_space<hbm>> -> memref<10000x128xf32, #tpu.memory_space<hbm>>
      %dma_wait3A_571 = tpu.memref_slice %arg15[%dma_wait3A_561] : memref<5x!tpu.dma_semaphore, #tpu.memory_space<semaphore_mem>> -> memref<1x!tpu.dma_semaphore, #tpu.memory_space<semaphore_mem>>
      %dma_wait3A_572 = tpu.memref_squeeze %dma_wait3A_571 : memref<1x!tpu.dma_semaphore, #tpu.memory_space<semaphore_mem>> -> memref<!tpu.dma_semaphore, #tpu.memory_space<semaphore_mem>>
      tpu.wait_indirect_dma semaphore(%dma_wait3A_572 : memref<!tpu.dma_semaphore, #tpu.memory_space<semaphore_mem>>) src(%dma_wait3A_570 : memref<10000x128xf32, #tpu.memory_space<hbm>>) dst(%dma_wait3A_565 : memref<40x128xf32, #tpu.memory_space<vmem>>)
      %mul3A_573 = arith.constant 40 : i32
      %mul3A_574 = arith.muli %add3A_559, %mul3A_573 : i32
      %dma_start3A_575 = arith.constant 2 : i32
      %dma_start3A_576 = arith.constant 2 : i32
      %dma_start3A_577 = arith.constant 0 : i32
      %dma_start3A_578 = arith.constant 0 : i32
      %dma_start3A_579 = tpu.memref_slice %arg13[%dma_start3A_575, %dma_start3A_577, %dma_start3A_578] : memref<5x40x128xf32, #tpu.memory_space<vmem>> -> memref<1x40x128xf32, #tpu.memory_space<vmem>>
      %dma_start3A_580 = tpu.memref_squeeze %dma_start3A_579 : memref<1x40x128xf32, #tpu.memory_space<vmem>> -> memref<40x128xf32, #tpu.memory_space<vmem>>
      %dma_start3A_581 = tpu.memref_slice %arg12[%mul3A_574] : memref<10000xi32, #tpu.memory_space<vmem>> -> memref<40xi32, #tpu.memory_space<vmem>>
      %dma_start3A_582 = arith.constant 0 : i32
      %dma_start3A_583 = arith.constant 0 : i32
      %dma_start3A_584 = tpu.memref_slice %arg8[%dma_start3A_582, %dma_start3A_583] : memref<10000x128xf32, #tpu.memory_space<vmem_shared>> -> memref<10000x128xf32, #tpu.memory_space<vmem_shared>>
      %dma_start3A_585 = tpu.memref_slice %arg16[%dma_start3A_576] : memref<5x!tpu.dma_semaphore, #tpu.memory_space<semaphore_mem>> -> memref<1x!tpu.dma_semaphore, #tpu.memory_space<semaphore_mem>>
      %dma_start3A_586 = tpu.memref_squeeze %dma_start3A_585 : memref<1x!tpu.dma_semaphore, #tpu.memory_space<semaphore_mem>> -> memref<!tpu.dma_semaphore, #tpu.memory_space<semaphore_mem>>
      tpu.enqueue_indirect_dma source(%dma_start3A_580 : memref<40x128xf32, #tpu.memory_space<vmem>>) target(%dma_start3A_584 : memref<10000x128xf32, #tpu.memory_space<vmem_shared>>) offsets(%dma_start3A_581 : memref<40xi32, #tpu.memory_space<vmem>>) semaphore(%dma_start3A_586 : memref<!tpu.dma_semaphore, #tpu.memory_space<semaphore_mem>>) {add = true}
      %mul3A_587 = arith.constant 40 : i32
      %mul3A_588 = arith.muli %add3A_559, %mul3A_587 : i32
      %dma_start3A_589 = arith.constant 2 : i32
      %dma_start3A_590 = tpu.memref_slice %arg12[%mul3A_588] : memref<10000xi32, #tpu.memory_space<vmem>> -> memref<40xi32, #tpu.memory_space<vmem>>
      %dma_start3A_591 = arith.constant 0 : i32
      %dma_start3A_592 = arith.constant 0 : i32
      %dma_start3A_593 = tpu.memref_slice %arg9[%dma_start3A_591, %dma_start3A_592] : memref<10000x16xf32, #tpu.memory_space<vmem_shared>> -> memref<10000x16xf32, #tpu.memory_space<vmem_shared>>
      %dma_start3A_594 = tpu.memref_slice %arg17[%dma_start3A_589] : memref<5x!tpu.dma_semaphore, #tpu.memory_space<semaphore_mem>> -> memref<1x!tpu.dma_semaphore, #tpu.memory_space<semaphore_mem>>
      %dma_start3A_595 = tpu.memref_squeeze %dma_start3A_594 : memref<1x!tpu.dma_semaphore, #tpu.memory_space<semaphore_mem>> -> memref<!tpu.dma_semaphore, #tpu.memory_space<semaphore_mem>>
      tpu.enqueue_indirect_dma source(%arg14 : memref<40x16xf32, #tpu.memory_space<vmem>>) target(%dma_start3A_593 : memref<10000x16xf32, #tpu.memory_space<vmem_shared>>) offsets(%dma_start3A_590 : memref<40xi32, #tpu.memory_space<vmem>>) semaphore(%dma_start3A_595 : memref<!tpu.dma_semaphore, #tpu.memory_space<semaphore_mem>>) {add = true}
      %add3A_596 = arith.constant 3 : i32
      %add3A_597 = arith.addi %mul3A_481, %add3A_596 : i32
      %dma_wait3A_598 = arith.constant 3 : i32
      %dma_wait3A_599 = arith.constant 3 : i32
      %dma_wait3A_600 = arith.constant 0 : i32
      %dma_wait3A_601 = arith.constant 0 : i32
      %dma_wait3A_602 = tpu.memref_slice %arg13[%dma_wait3A_598, %dma_wait3A_600, %dma_wait3A_601] : memref<5x40x128xf32, #tpu.memory_space<vmem>> -> memref<1x40x128xf32, #tpu.memory_space<vmem>>
      %dma_wait3A_603 = tpu.memref_squeeze %dma_wait3A_602 : memref<1x40x128xf32, #tpu.memory_space<vmem>> -> memref<40x128xf32, #tpu.memory_space<vmem>>
      %dma_wait3A_604 = arith.constant 120 : i32
      %dma_wait3A_605 = tpu.memref_slice %arg11[%dma_wait3A_604] : memref<200xi32, #tpu.memory_space<vmem>> -> memref<40xi32, #tpu.memory_space<vmem>>
      %dma_wait3A_606 = arith.constant 0 : i32
      %dma_wait3A_607 = arith.constant 0 : i32
      %dma_wait3A_608 = tpu.memref_slice %arg2[%dma_wait3A_606, %dma_wait3A_607] : memref<10000x128xf32, #tpu.memory_space<hbm>> -> memref<10000x128xf32, #tpu.memory_space<hbm>>
      %dma_wait3A_609 = tpu.memref_slice %arg15[%dma_wait3A_599] : memref<5x!tpu.dma_semaphore, #tpu.memory_space<semaphore_mem>> -> memref<1x!tpu.dma_semaphore, #tpu.memory_space<semaphore_mem>>
      %dma_wait3A_610 = tpu.memref_squeeze %dma_wait3A_609 : memref<1x!tpu.dma_semaphore, #tpu.memory_space<semaphore_mem>> -> memref<!tpu.dma_semaphore, #tpu.memory_space<semaphore_mem>>
      tpu.wait_indirect_dma semaphore(%dma_wait3A_610 : memref<!tpu.dma_semaphore, #tpu.memory_space<semaphore_mem>>) src(%dma_wait3A_608 : memref<10000x128xf32, #tpu.memory_space<hbm>>) dst(%dma_wait3A_603 : memref<40x128xf32, #tpu.memory_space<vmem>>)
      %mul3A_611 = arith.constant 40 : i32
      %mul3A_612 = arith.muli %add3A_597, %mul3A_611 : i32
      %dma_start3A_613 = arith.constant 3 : i32
      %dma_start3A_614 = arith.constant 3 : i32
      %dma_start3A_615 = arith.constant 0 : i32
      %dma_start3A_616 = arith.constant 0 : i32
      %dma_start3A_617 = tpu.memref_slice %arg13[%dma_start3A_613, %dma_start3A_615, %dma_start3A_616] : memref<5x40x128xf32, #tpu.memory_space<vmem>> -> memref<1x40x128xf32, #tpu.memory_space<vmem>>
      %dma_start3A_618 = tpu.memref_squeeze %dma_start3A_617 : memref<1x40x128xf32, #tpu.memory_space<vmem>> -> memref<40x128xf32, #tpu.memory_space<vmem>>
      %dma_start3A_619 = tpu.memref_slice %arg12[%mul3A_612] : memref<10000xi32, #tpu.memory_space<vmem>> -> memref<40xi32, #tpu.memory_space<vmem>>
      %dma_start3A_620 = arith.constant 0 : i32
      %dma_start3A_621 = arith.constant 0 : i32
      %dma_start3A_622 = tpu.memref_slice %arg8[%dma_start3A_620, %dma_start3A_621] : memref<10000x128xf32, #tpu.memory_space<vmem_shared>> -> memref<10000x128xf32, #tpu.memory_space<vmem_shared>>
      %dma_start3A_623 = tpu.memref_slice %arg16[%dma_start3A_614] : memref<5x!tpu.dma_semaphore, #tpu.memory_space<semaphore_mem>> -> memref<1x!tpu.dma_semaphore, #tpu.memory_space<semaphore_mem>>
      %dma_start3A_624 = tpu.memref_squeeze %dma_start3A_623 : memref<1x!tpu.dma_semaphore, #tpu.memory_space<semaphore_mem>> -> memref<!tpu.dma_semaphore, #tpu.memory_space<semaphore_mem>>
      tpu.enqueue_indirect_dma source(%dma_start3A_618 : memref<40x128xf32, #tpu.memory_space<vmem>>) target(%dma_start3A_622 : memref<10000x128xf32, #tpu.memory_space<vmem_shared>>) offsets(%dma_start3A_619 : memref<40xi32, #tpu.memory_space<vmem>>) semaphore(%dma_start3A_624 : memref<!tpu.dma_semaphore, #tpu.memory_space<semaphore_mem>>) {add = true}
      %mul3A_625 = arith.constant 40 : i32
      %mul3A_626 = arith.muli %add3A_597, %mul3A_625 : i32
      %dma_start3A_627 = arith.constant 3 : i32
      %dma_start3A_628 = tpu.memref_slice %arg12[%mul3A_626] : memref<10000xi32, #tpu.memory_space<vmem>> -> memref<40xi32, #tpu.memory_space<vmem>>
      %dma_start3A_629 = arith.constant 0 : i32
      %dma_start3A_630 = arith.constant 0 : i32
      %dma_start3A_631 = tpu.memref_slice %arg9[%dma_start3A_629, %dma_start3A_630] : memref<10000x16xf32, #tpu.memory_space<vmem_shared>> -> memref<10000x16xf32, #tpu.memory_space<vmem_shared>>
      %dma_start3A_632 = tpu.memref_slice %arg17[%dma_start3A_627] : memref<5x!tpu.dma_semaphore, #tpu.memory_space<semaphore_mem>> -> memref<1x!tpu.dma_semaphore, #tpu.memory_space<semaphore_mem>>
      %dma_start3A_633 = tpu.memref_squeeze %dma_start3A_632 : memref<1x!tpu.dma_semaphore, #tpu.memory_space<semaphore_mem>> -> memref<!tpu.dma_semaphore, #tpu.memory_space<semaphore_mem>>
      tpu.enqueue_indirect_dma source(%arg14 : memref<40x16xf32, #tpu.memory_space<vmem>>) target(%dma_start3A_631 : memref<10000x16xf32, #tpu.memory_space<vmem_shared>>) offsets(%dma_start3A_628 : memref<40xi32, #tpu.memory_space<vmem>>) semaphore(%dma_start3A_633 : memref<!tpu.dma_semaphore, #tpu.memory_space<semaphore_mem>>) {add = true}
      %add3A_634 = arith.constant 4 : i32
      %add3A_635 = arith.addi %mul3A_481, %add3A_634 : i32
      %dma_wait3A_636 = arith.constant 4 : i32
      %dma_wait3A_637 = arith.constant 4 : i32
      %dma_wait3A_638 = arith.constant 0 : i32
      %dma_wait3A_639 = arith.constant 0 : i32
      %dma_wait3A_640 = tpu.memref_slice %arg13[%dma_wait3A_636, %dma_wait3A_638, %dma_wait3A_639] : memref<5x40x128xf32, #tpu.memory_space<vmem>> -> memref<1x40x128xf32, #tpu.memory_space<vmem>>
      %dma_wait3A_641 = tpu.memref_squeeze %dma_wait3A_640 : memref<1x40x128xf32, #tpu.memory_space<vmem>> -> memref<40x128xf32, #tpu.memory_space<vmem>>
      %dma_wait3A_642 = arith.constant 160 : i32
      %dma_wait3A_643 = tpu.memref_slice %arg11[%dma_wait3A_642] : memref<200xi32, #tpu.memory_space<vmem>> -> memref<40xi32, #tpu.memory_space<vmem>>
      %dma_wait3A_644 = arith.constant 0 : i32
      %dma_wait3A_645 = arith.constant 0 : i32
      %dma_wait3A_646 = tpu.memref_slice %arg2[%dma_wait3A_644, %dma_wait3A_645] : memref<10000x128xf32, #tpu.memory_space<hbm>> -> memref<10000x128xf32, #tpu.memory_space<hbm>>
      %dma_wait3A_647 = tpu.memref_slice %arg15[%dma_wait3A_637] : memref<5x!tpu.dma_semaphore, #tpu.memory_space<semaphore_mem>> -> memref<1x!tpu.dma_semaphore, #tpu.memory_space<semaphore_mem>>
      %dma_wait3A_648 = tpu.memref_squeeze %dma_wait3A_647 : memref<1x!tpu.dma_semaphore, #tpu.memory_space<semaphore_mem>> -> memref<!tpu.dma_semaphore, #tpu.memory_space<semaphore_mem>>
      tpu.wait_indirect_dma semaphore(%dma_wait3A_648 : memref<!tpu.dma_semaphore, #tpu.memory_space<semaphore_mem>>) src(%dma_wait3A_646 : memref<10000x128xf32, #tpu.memory_space<hbm>>) dst(%dma_wait3A_641 : memref<40x128xf32, #tpu.memory_space<vmem>>)
      %mul3A_649 = arith.constant 40 : i32
      %mul3A_650 = arith.muli %add3A_635, %mul3A_649 : i32
      %dma_start3A_651 = arith.constant 4 : i32
      %dma_start3A_652 = arith.constant 4 : i32
      %dma_start3A_653 = arith.constant 0 : i32
      %dma_start3A_654 = arith.constant 0 : i32
      %dma_start3A_655 = tpu.memref_slice %arg13[%dma_start3A_651, %dma_start3A_653, %dma_start3A_654] : memref<5x40x128xf32, #tpu.memory_space<vmem>> -> memref<1x40x128xf32, #tpu.memory_space<vmem>>
      %dma_start3A_656 = tpu.memref_squeeze %dma_start3A_655 : memref<1x40x128xf32, #tpu.memory_space<vmem>> -> memref<40x128xf32, #tpu.memory_space<vmem>>
      %dma_start3A_657 = tpu.memref_slice %arg12[%mul3A_650] : memref<10000xi32, #tpu.memory_space<vmem>> -> memref<40xi32, #tpu.memory_space<vmem>>
      %dma_start3A_658 = arith.constant 0 : i32
      %dma_start3A_659 = arith.constant 0 : i32
      %dma_start3A_660 = tpu.memref_slice %arg8[%dma_start3A_658, %dma_start3A_659] : memref<10000x128xf32, #tpu.memory_space<vmem_shared>> -> memref<10000x128xf32, #tpu.memory_space<vmem_shared>>
      %dma_start3A_661 = tpu.memref_slice %arg16[%dma_start3A_652] : memref<5x!tpu.dma_semaphore, #tpu.memory_space<semaphore_mem>> -> memref<1x!tpu.dma_semaphore, #tpu.memory_space<semaphore_mem>>
      %dma_start3A_662 = tpu.memref_squeeze %dma_start3A_661 : memref<1x!tpu.dma_semaphore, #tpu.memory_space<semaphore_mem>> -> memref<!tpu.dma_semaphore, #tpu.memory_space<semaphore_mem>>
      tpu.enqueue_indirect_dma source(%dma_start3A_656 : memref<40x128xf32, #tpu.memory_space<vmem>>) target(%dma_start3A_660 : memref<10000x128xf32, #tpu.memory_space<vmem_shared>>) offsets(%dma_start3A_657 : memref<40xi32, #tpu.memory_space<vmem>>) semaphore(%dma_start3A_662 : memref<!tpu.dma_semaphore, #tpu.memory_space<semaphore_mem>>) {add = true}
      %mul3A_663 = arith.constant 40 : i32
      %mul3A_664 = arith.muli %add3A_635, %mul3A_663 : i32
      %dma_start3A_665 = arith.constant 4 : i32
      %dma_start3A_666 = tpu.memref_slice %arg12[%mul3A_664] : memref<10000xi32, #tpu.memory_space<vmem>> -> memref<40xi32, #tpu.memory_space<vmem>>
      %dma_start3A_667 = arith.constant 0 : i32
      %dma_start3A_668 = arith.constant 0 : i32
      %dma_start3A_669 = tpu.memref_slice %arg9[%dma_start3A_667, %dma_start3A_668] : memref<10000x16xf32, #tpu.memory_space<vmem_shared>> -> memref<10000x16xf32, #tpu.memory_space<vmem_shared>>
      %dma_start3A_670 = tpu.memref_slice %arg17[%dma_start3A_665] : memref<5x!tpu.dma_semaphore, #tpu.memory_space<semaphore_mem>> -> memref<1x!tpu.dma_semaphore, #tpu.memory_space<semaphore_mem>>
      %dma_start3A_671 = tpu.memref_squeeze %dma_start3A_670 : memref<1x!tpu.dma_semaphore, #tpu.memory_space<semaphore_mem>> -> memref<!tpu.dma_semaphore, #tpu.memory_space<semaphore_mem>>
      tpu.enqueue_indirect_dma source(%arg14 : memref<40x16xf32, #tpu.memory_space<vmem>>) target(%dma_start3A_669 : memref<10000x16xf32, #tpu.memory_space<vmem_shared>>) offsets(%dma_start3A_666 : memref<40xi32, #tpu.memory_space<vmem>>) semaphore(%dma_start3A_671 : memref<!tpu.dma_semaphore, #tpu.memory_space<semaphore_mem>>) {add = true}
      %add3A_672 = arith.constant 2 : i32
      %add3A_673 = arith.addi %add3A_479, %add3A_672 : i32
      %lt3A_674 = arith.constant 50 : i32
      %lt3A_675 = arith.cmpi slt, %add3A_673, %lt3A_674 : i32
      %convert_element_type3A_676 = arith.extui %lt3A_675 : i1 to i32
      %cond3A_677 = arith.constant 0 : i32
      %cond3A_678 = arith.cmpi ne, %convert_element_type3A_676, %cond3A_677 : i32
      scf.if %cond3A_678 {
        %add3A_846 = arith.constant 2 : i32
        %add3A_847 = arith.addi %add3A_479, %add3A_846 : i32
        %mul3A_848 = arith.constant 200 : i32
        %mul3A_849 = arith.muli %add3A_847, %mul3A_848 : i32
        %add3A_850 = arith.addi %mul3A_10, %mul3A_849 : i32
        %dma_start3A_851 = arith.constant 0 : i32
        %dma_start3A_852 = tpu.memref_slice %arg3[%dma_start3A_851, %add3A_850] : memref<2x320000xi32, #tpu.memory_space<hbm>> -> memref<1x200xi32, #tpu.memory_space<hbm>>
        %dma_start3A_853 = tpu.memref_squeeze %dma_start3A_852 : memref<1x200xi32, #tpu.memory_space<hbm>> -> memref<200xi32, #tpu.memory_space<hbm>>
        %dma_start3A_854 = tpu.memref_slice %arg3[%dma_start3A_851, %add3A_850] : memref<2x320000xi32, #tpu.memory_space<hbm>> -> memref<1x200xi32, #tpu.memory_space<hbm>>
        %dma_start3A_855 = tpu.memref_squeeze %dma_start3A_854 : memref<1x200xi32, #tpu.memory_space<hbm>> -> memref<200xi32, #tpu.memory_space<hbm>>
        tpu.enqueue_dma source(%dma_start3A_855 : memref<200xi32, #tpu.memory_space<hbm>>) target(%arg11 : memref<200xi32, #tpu.memory_space<vmem>>) target_semaphore(%arg19 : memref<!tpu.dma_semaphore, #tpu.memory_space<semaphore_mem>>)
      } else {
      }
      %add3A_679 = arith.constant 1 : i32
      %add3A_680 = arith.addi %add3A_479, %add3A_679 : i32
      %lt3A_681 = arith.constant 50 : i32
      %lt3A_682 = arith.cmpi slt, %add3A_680, %lt3A_681 : i32
      %convert_element_type3A_683 = arith.extui %lt3A_682 : i1 to i32
      %cond3A_684 = arith.constant 0 : i32
      %cond3A_685 = arith.cmpi ne, %convert_element_type3A_683, %cond3A_684 : i32
      scf.if %cond3A_685 {
        %add3A_846 = arith.constant 1 : i32
        %add3A_847 = arith.addi %add3A_479, %add3A_846 : i32
        %mul3A_848 = arith.constant 200 : i32
        %mul3A_849 = arith.muli %add3A_847, %mul3A_848 : i32
        %add3A_850 = arith.addi %mul3A_10, %mul3A_849 : i32
        %dma_wait3A_851 = arith.constant 0 : i32
        %dma_wait3A_852 = tpu.memref_slice %arg3[%dma_wait3A_851, %add3A_850] : memref<2x320000xi32, #tpu.memory_space<hbm>> -> memref<1x200xi32, #tpu.memory_space<hbm>>
        %dma_wait3A_853 = tpu.memref_squeeze %dma_wait3A_852 : memref<1x200xi32, #tpu.memory_space<hbm>> -> memref<200xi32, #tpu.memory_space<hbm>>
        %dma_wait3A_854 = tpu.memref_slice %arg3[%dma_wait3A_851, %add3A_850] : memref<2x320000xi32, #tpu.memory_space<hbm>> -> memref<1x200xi32, #tpu.memory_space<hbm>>
        %dma_wait3A_855 = tpu.memref_squeeze %dma_wait3A_854 : memref<1x200xi32, #tpu.memory_space<hbm>> -> memref<200xi32, #tpu.memory_space<hbm>>
        tpu.wait_dma2 semaphore(%arg18 : memref<!tpu.dma_semaphore, #tpu.memory_space<semaphore_mem>>) src(%dma_wait3A_855 : memref<200xi32, #tpu.memory_space<hbm>>) dst(%arg10 : memref<200xi32, #tpu.memory_space<vmem>>)
      } else {
      }
      %add3A_686 = arith.constant 0 : i32
      %add3A_687 = arith.addi %mul3A_481, %add3A_686 : i32
      %mul3A_688 = arith.constant 40 : i32
      %mul3A_689 = arith.muli %add3A_687, %mul3A_688 : i32
      %dma_wait3A_690 = arith.constant 0 : i32
      %dma_wait3A_691 = arith.constant 0 : i32
      %dma_wait3A_692 = arith.constant 0 : i32
      %dma_wait3A_693 = arith.constant 0 : i32
      %dma_wait3A_694 = tpu.memref_slice %arg13[%dma_wait3A_690, %dma_wait3A_692, %dma_wait3A_693] : memref<5x40x128xf32, #tpu.memory_space<vmem>> -> memref<1x40x128xf32, #tpu.memory_space<vmem>>
      %dma_wait3A_695 = tpu.memref_squeeze %dma_wait3A_694 : memref<1x40x128xf32, #tpu.memory_space<vmem>> -> memref<40x128xf32, #tpu.memory_space<vmem>>
      %dma_wait3A_696 = tpu.memref_slice %arg12[%mul3A_689] : memref<10000xi32, #tpu.memory_space<vmem>> -> memref<40xi32, #tpu.memory_space<vmem>>
      %dma_wait3A_697 = arith.constant 0 : i32
      %dma_wait3A_698 = arith.constant 0 : i32
      %dma_wait3A_699 = tpu.memref_slice %arg8[%dma_wait3A_697, %dma_wait3A_698] : memref<10000x128xf32, #tpu.memory_space<vmem_shared>> -> memref<10000x128xf32, #tpu.memory_space<vmem_shared>>
      %dma_wait3A_700 = tpu.memref_slice %arg16[%dma_wait3A_691] : memref<5x!tpu.dma_semaphore, #tpu.memory_space<semaphore_mem>> -> memref<1x!tpu.dma_semaphore, #tpu.memory_space<semaphore_mem>>
      %dma_wait3A_701 = tpu.memref_squeeze %dma_wait3A_700 : memref<1x!tpu.dma_semaphore, #tpu.memory_space<semaphore_mem>> -> memref<!tpu.dma_semaphore, #tpu.memory_space<semaphore_mem>>
      tpu.wait_indirect_dma semaphore(%dma_wait3A_701 : memref<!tpu.dma_semaphore, #tpu.memory_space<semaphore_mem>>) src(%dma_wait3A_695 : memref<40x128xf32, #tpu.memory_space<vmem>>) dst(%dma_wait3A_699 : memref<10000x128xf32, #tpu.memory_space<vmem_shared>>)
      %mul3A_702 = arith.constant 40 : i32
      %mul3A_703 = arith.muli %add3A_687, %mul3A_702 : i32
      %dma_wait3A_704 = arith.constant 0 : i32
      %dma_wait3A_705 = tpu.memref_slice %arg12[%mul3A_703] : memref<10000xi32, #tpu.memory_space<vmem>> -> memref<40xi32, #tpu.memory_space<vmem>>
      %dma_wait3A_706 = arith.constant 0 : i32
      %dma_wait3A_707 = arith.constant 0 : i32
      %dma_wait3A_708 = tpu.memref_slice %arg9[%dma_wait3A_706, %dma_wait3A_707] : memref<10000x16xf32, #tpu.memory_space<vmem_shared>> -> memref<10000x16xf32, #tpu.memory_space<vmem_shared>>
      %dma_wait3A_709 = tpu.memref_slice %arg17[%dma_wait3A_704] : memref<5x!tpu.dma_semaphore, #tpu.memory_space<semaphore_mem>> -> memref<1x!tpu.dma_semaphore, #tpu.memory_space<semaphore_mem>>
      %dma_wait3A_710 = tpu.memref_squeeze %dma_wait3A_709 : memref<1x!tpu.dma_semaphore, #tpu.memory_space<semaphore_mem>> -> memref<!tpu.dma_semaphore, #tpu.memory_space<semaphore_mem>>
      tpu.wait_indirect_dma semaphore(%dma_wait3A_710 : memref<!tpu.dma_semaphore, #tpu.memory_space<semaphore_mem>>) src(%arg14 : memref<40x16xf32, #tpu.memory_space<vmem>>) dst(%dma_wait3A_708 : memref<10000x16xf32, #tpu.memory_space<vmem_shared>>)
      %add3A_711 = arith.constant 1 : i32
      %add3A_712 = arith.addi %add3A_479, %add3A_711 : i32
      %lt3A_713 = arith.constant 50 : i32
      %lt3A_714 = arith.cmpi slt, %add3A_712, %lt3A_713 : i32
      %convert_element_type3A_715 = arith.extui %lt3A_714 : i1 to i32
      %cond3A_716 = arith.constant 0 : i32
      %cond3A_717 = arith.cmpi ne, %convert_element_type3A_715, %cond3A_716 : i32
      scf.if %cond3A_717 {
        %add3A_846 = arith.constant 5 : i32
        %add3A_847 = arith.addi %add3A_687, %add3A_846 : i32
        %dma_start3A_848 = arith.constant 0 : i32
        %dma_start3A_849 = arith.constant 0 : i32
        %dma_start3A_850 = arith.constant 0 : i32
        %dma_start3A_851 = arith.constant 0 : i32
        %dma_start3A_852 = tpu.memref_slice %arg13[%dma_start3A_848, %dma_start3A_850, %dma_start3A_851] : memref<5x40x128xf32, #tpu.memory_space<vmem>> -> memref<1x40x128xf32, #tpu.memory_space<vmem>>
        %dma_start3A_853 = tpu.memref_squeeze %dma_start3A_852 : memref<1x40x128xf32, #tpu.memory_space<vmem>> -> memref<40x128xf32, #tpu.memory_space<vmem>>
        %dma_start3A_854 = arith.constant 0 : i32
        %dma_start3A_855 = tpu.memref_slice %arg10[%dma_start3A_854] : memref<200xi32, #tpu.memory_space<vmem>> -> memref<40xi32, #tpu.memory_space<vmem>>
        %dma_start3A_856 = arith.constant 0 : i32
        %dma_start3A_857 = arith.constant 0 : i32
        %dma_start3A_858 = tpu.memref_slice %arg2[%dma_start3A_856, %dma_start3A_857] : memref<10000x128xf32, #tpu.memory_space<hbm>> -> memref<10000x128xf32, #tpu.memory_space<hbm>>
        %dma_start3A_859 = tpu.memref_slice %arg15[%dma_start3A_849] : memref<5x!tpu.dma_semaphore, #tpu.memory_space<semaphore_mem>> -> memref<1x!tpu.dma_semaphore, #tpu.memory_space<semaphore_mem>>
        %dma_start3A_860 = tpu.memref_squeeze %dma_start3A_859 : memref<1x!tpu.dma_semaphore, #tpu.memory_space<semaphore_mem>> -> memref<!tpu.dma_semaphore, #tpu.memory_space<semaphore_mem>>
        tpu.enqueue_indirect_dma source(%dma_start3A_858 : memref<10000x128xf32, #tpu.memory_space<hbm>>) target(%dma_start3A_853 : memref<40x128xf32, #tpu.memory_space<vmem>>) offsets(%dma_start3A_855 : memref<40xi32, #tpu.memory_space<vmem>>) semaphore(%dma_start3A_860 : memref<!tpu.dma_semaphore, #tpu.memory_space<semaphore_mem>>)
      } else {
      }
      %add3A_718 = arith.constant 1 : i32
      %add3A_719 = arith.addi %mul3A_481, %add3A_718 : i32
      %mul3A_720 = arith.constant 40 : i32
      %mul3A_721 = arith.muli %add3A_719, %mul3A_720 : i32
      %dma_wait3A_722 = arith.constant 1 : i32
      %dma_wait3A_723 = arith.constant 1 : i32
      %dma_wait3A_724 = arith.constant 0 : i32
      %dma_wait3A_725 = arith.constant 0 : i32
      %dma_wait3A_726 = tpu.memref_slice %arg13[%dma_wait3A_722, %dma_wait3A_724, %dma_wait3A_725] : memref<5x40x128xf32, #tpu.memory_space<vmem>> -> memref<1x40x128xf32, #tpu.memory_space<vmem>>
      %dma_wait3A_727 = tpu.memref_squeeze %dma_wait3A_726 : memref<1x40x128xf32, #tpu.memory_space<vmem>> -> memref<40x128xf32, #tpu.memory_space<vmem>>
      %dma_wait3A_728 = tpu.memref_slice %arg12[%mul3A_721] : memref<10000xi32, #tpu.memory_space<vmem>> -> memref<40xi32, #tpu.memory_space<vmem>>
      %dma_wait3A_729 = arith.constant 0 : i32
      %dma_wait3A_730 = arith.constant 0 : i32
      %dma_wait3A_731 = tpu.memref_slice %arg8[%dma_wait3A_729, %dma_wait3A_730] : memref<10000x128xf32, #tpu.memory_space<vmem_shared>> -> memref<10000x128xf32, #tpu.memory_space<vmem_shared>>
      %dma_wait3A_732 = tpu.memref_slice %arg16[%dma_wait3A_723] : memref<5x!tpu.dma_semaphore, #tpu.memory_space<semaphore_mem>> -> memref<1x!tpu.dma_semaphore, #tpu.memory_space<semaphore_mem>>
      %dma_wait3A_733 = tpu.memref_squeeze %dma_wait3A_732 : memref<1x!tpu.dma_semaphore, #tpu.memory_space<semaphore_mem>> -> memref<!tpu.dma_semaphore, #tpu.memory_space<semaphore_mem>>
      tpu.wait_indirect_dma semaphore(%dma_wait3A_733 : memref<!tpu.dma_semaphore, #tpu.memory_space<semaphore_mem>>) src(%dma_wait3A_727 : memref<40x128xf32, #tpu.memory_space<vmem>>) dst(%dma_wait3A_731 : memref<10000x128xf32, #tpu.memory_space<vmem_shared>>)
      %mul3A_734 = arith.constant 40 : i32
      %mul3A_735 = arith.muli %add3A_719, %mul3A_734 : i32
      %dma_wait3A_736 = arith.constant 1 : i32
      %dma_wait3A_737 = tpu.memref_slice %arg12[%mul3A_735] : memref<10000xi32, #tpu.memory_space<vmem>> -> memref<40xi32, #tpu.memory_space<vmem>>
      %dma_wait3A_738 = arith.constant 0 : i32
      %dma_wait3A_739 = arith.constant 0 : i32
      %dma_wait3A_740 = tpu.memref_slice %arg9[%dma_wait3A_738, %dma_wait3A_739] : memref<10000x16xf32, #tpu.memory_space<vmem_shared>> -> memref<10000x16xf32, #tpu.memory_space<vmem_shared>>
      %dma_wait3A_741 = tpu.memref_slice %arg17[%dma_wait3A_736] : memref<5x!tpu.dma_semaphore, #tpu.memory_space<semaphore_mem>> -> memref<1x!tpu.dma_semaphore, #tpu.memory_space<semaphore_mem>>
      %dma_wait3A_742 = tpu.memref_squeeze %dma_wait3A_741 : memref<1x!tpu.dma_semaphore, #tpu.memory_space<semaphore_mem>> -> memref<!tpu.dma_semaphore, #tpu.memory_space<semaphore_mem>>
      tpu.wait_indirect_dma semaphore(%dma_wait3A_742 : memref<!tpu.dma_semaphore, #tpu.memory_space<semaphore_mem>>) src(%arg14 : memref<40x16xf32, #tpu.memory_space<vmem>>) dst(%dma_wait3A_740 : memref<10000x16xf32, #tpu.memory_space<vmem_shared>>)
      %add3A_743 = arith.constant 1 : i32
      %add3A_744 = arith.addi %add3A_479, %add3A_743 : i32
      %lt3A_745 = arith.constant 50 : i32
      %lt3A_746 = arith.cmpi slt, %add3A_744, %lt3A_745 : i32
      %convert_element_type3A_747 = arith.extui %lt3A_746 : i1 to i32
      %cond3A_748 = arith.constant 0 : i32
      %cond3A_749 = arith.cmpi ne, %convert_element_type3A_747, %cond3A_748 : i32
      scf.if %cond3A_749 {
        %add3A_846 = arith.constant 5 : i32
        %add3A_847 = arith.addi %add3A_719, %add3A_846 : i32
        %dma_start3A_848 = arith.constant 1 : i32
        %dma_start3A_849 = arith.constant 1 : i32
        %dma_start3A_850 = arith.constant 0 : i32
        %dma_start3A_851 = arith.constant 0 : i32
        %dma_start3A_852 = tpu.memref_slice %arg13[%dma_start3A_848, %dma_start3A_850, %dma_start3A_851] : memref<5x40x128xf32, #tpu.memory_space<vmem>> -> memref<1x40x128xf32, #tpu.memory_space<vmem>>
        %dma_start3A_853 = tpu.memref_squeeze %dma_start3A_852 : memref<1x40x128xf32, #tpu.memory_space<vmem>> -> memref<40x128xf32, #tpu.memory_space<vmem>>
        %dma_start3A_854 = arith.constant 40 : i32
        %dma_start3A_855 = tpu.memref_slice %arg10[%dma_start3A_854] : memref<200xi32, #tpu.memory_space<vmem>> -> memref<40xi32, #tpu.memory_space<vmem>>
        %dma_start3A_856 = arith.constant 0 : i32
        %dma_start3A_857 = arith.constant 0 : i32
        %dma_start3A_858 = tpu.memref_slice %arg2[%dma_start3A_856, %dma_start3A_857] : memref<10000x128xf32, #tpu.memory_space<hbm>> -> memref<10000x128xf32, #tpu.memory_space<hbm>>
        %dma_start3A_859 = tpu.memref_slice %arg15[%dma_start3A_849] : memref<5x!tpu.dma_semaphore, #tpu.memory_space<semaphore_mem>> -> memref<1x!tpu.dma_semaphore, #tpu.memory_space<semaphore_mem>>
        %dma_start3A_860 = tpu.memref_squeeze %dma_start3A_859 : memref<1x!tpu.dma_semaphore, #tpu.memory_space<semaphore_mem>> -> memref<!tpu.dma_semaphore, #tpu.memory_space<semaphore_mem>>
        tpu.enqueue_indirect_dma source(%dma_start3A_858 : memref<10000x128xf32, #tpu.memory_space<hbm>>) target(%dma_start3A_853 : memref<40x128xf32, #tpu.memory_space<vmem>>) offsets(%dma_start3A_855 : memref<40xi32, #tpu.memory_space<vmem>>) semaphore(%dma_start3A_860 : memref<!tpu.dma_semaphore, #tpu.memory_space<semaphore_mem>>)
      } else {
      }
      %add3A_750 = arith.constant 2 : i32
      %add3A_751 = arith.addi %mul3A_481, %add3A_750 : i32
      %mul3A_752 = arith.constant 40 : i32
      %mul3A_753 = arith.muli %add3A_751, %mul3A_752 : i32
      %dma_wait3A_754 = arith.constant 2 : i32
      %dma_wait3A_755 = arith.constant 2 : i32
      %dma_wait3A_756 = arith.constant 0 : i32
      %dma_wait3A_757 = arith.constant 0 : i32
      %dma_wait3A_758 = tpu.memref_slice %arg13[%dma_wait3A_754, %dma_wait3A_756, %dma_wait3A_757] : memref<5x40x128xf32, #tpu.memory_space<vmem>> -> memref<1x40x128xf32, #tpu.memory_space<vmem>>
      %dma_wait3A_759 = tpu.memref_squeeze %dma_wait3A_758 : memref<1x40x128xf32, #tpu.memory_space<vmem>> -> memref<40x128xf32, #tpu.memory_space<vmem>>
      %dma_wait3A_760 = tpu.memref_slice %arg12[%mul3A_753] : memref<10000xi32, #tpu.memory_space<vmem>> -> memref<40xi32, #tpu.memory_space<vmem>>
      %dma_wait3A_761 = arith.constant 0 : i32
      %dma_wait3A_762 = arith.constant 0 : i32
      %dma_wait3A_763 = tpu.memref_slice %arg8[%dma_wait3A_761, %dma_wait3A_762] : memref<10000x128xf32, #tpu.memory_space<vmem_shared>> -> memref<10000x128xf32, #tpu.memory_space<vmem_shared>>
      %dma_wait3A_764 = tpu.memref_slice %arg16[%dma_wait3A_755] : memref<5x!tpu.dma_semaphore, #tpu.memory_space<semaphore_mem>> -> memref<1x!tpu.dma_semaphore, #tpu.memory_space<semaphore_mem>>
      %dma_wait3A_765 = tpu.memref_squeeze %dma_wait3A_764 : memref<1x!tpu.dma_semaphore, #tpu.memory_space<semaphore_mem>> -> memref<!tpu.dma_semaphore, #tpu.memory_space<semaphore_mem>>
      tpu.wait_indirect_dma semaphore(%dma_wait3A_765 : memref<!tpu.dma_semaphore, #tpu.memory_space<semaphore_mem>>) src(%dma_wait3A_759 : memref<40x128xf32, #tpu.memory_space<vmem>>) dst(%dma_wait3A_763 : memref<10000x128xf32, #tpu.memory_space<vmem_shared>>)
      %mul3A_766 = arith.constant 40 : i32
      %mul3A_767 = arith.muli %add3A_751, %mul3A_766 : i32
      %dma_wait3A_768 = arith.constant 2 : i32
      %dma_wait3A_769 = tpu.memref_slice %arg12[%mul3A_767] : memref<10000xi32, #tpu.memory_space<vmem>> -> memref<40xi32, #tpu.memory_space<vmem>>
      %dma_wait3A_770 = arith.constant 0 : i32
      %dma_wait3A_771 = arith.constant 0 : i32
      %dma_wait3A_772 = tpu.memref_slice %arg9[%dma_wait3A_770, %dma_wait3A_771] : memref<10000x16xf32, #tpu.memory_space<vmem_shared>> -> memref<10000x16xf32, #tpu.memory_space<vmem_shared>>
      %dma_wait3A_773 = tpu.memref_slice %arg17[%dma_wait3A_768] : memref<5x!tpu.dma_semaphore, #tpu.memory_space<semaphore_mem>> -> memref<1x!tpu.dma_semaphore, #tpu.memory_space<semaphore_mem>>
      %dma_wait3A_774 = tpu.memref_squeeze %dma_wait3A_773 : memref<1x!tpu.dma_semaphore, #tpu.memory_space<semaphore_mem>> -> memref<!tpu.dma_semaphore, #tpu.memory_space<semaphore_mem>>
      tpu.wait_indirect_dma semaphore(%dma_wait3A_774 : memref<!tpu.dma_semaphore, #tpu.memory_space<semaphore_mem>>) src(%arg14 : memref<40x16xf32, #tpu.memory_space<vmem>>) dst(%dma_wait3A_772 : memref<10000x16xf32, #tpu.memory_space<vmem_shared>>)
      %add3A_775 = arith.constant 1 : i32
      %add3A_776 = arith.addi %add3A_479, %add3A_775 : i32
      %lt3A_777 = arith.constant 50 : i32
      %lt3A_778 = arith.cmpi slt, %add3A_776, %lt3A_777 : i32
      %convert_element_type3A_779 = arith.extui %lt3A_778 : i1 to i32
      %cond3A_780 = arith.constant 0 : i32
      %cond3A_781 = arith.cmpi ne, %convert_element_type3A_779, %cond3A_780 : i32
      scf.if %cond3A_781 {
        %add3A_846 = arith.constant 5 : i32
        %add3A_847 = arith.addi %add3A_751, %add3A_846 : i32
        %dma_start3A_848 = arith.constant 2 : i32
        %dma_start3A_849 = arith.constant 2 : i32
        %dma_start3A_850 = arith.constant 0 : i32
        %dma_start3A_851 = arith.constant 0 : i32
        %dma_start3A_852 = tpu.memref_slice %arg13[%dma_start3A_848, %dma_start3A_850, %dma_start3A_851] : memref<5x40x128xf32, #tpu.memory_space<vmem>> -> memref<1x40x128xf32, #tpu.memory_space<vmem>>
        %dma_start3A_853 = tpu.memref_squeeze %dma_start3A_852 : memref<1x40x128xf32, #tpu.memory_space<vmem>> -> memref<40x128xf32, #tpu.memory_space<vmem>>
        %dma_start3A_854 = arith.constant 80 : i32
        %dma_start3A_855 = tpu.memref_slice %arg10[%dma_start3A_854] : memref<200xi32, #tpu.memory_space<vmem>> -> memref<40xi32, #tpu.memory_space<vmem>>
        %dma_start3A_856 = arith.constant 0 : i32
        %dma_start3A_857 = arith.constant 0 : i32
        %dma_start3A_858 = tpu.memref_slice %arg2[%dma_start3A_856, %dma_start3A_857] : memref<10000x128xf32, #tpu.memory_space<hbm>> -> memref<10000x128xf32, #tpu.memory_space<hbm>>
        %dma_start3A_859 = tpu.memref_slice %arg15[%dma_start3A_849] : memref<5x!tpu.dma_semaphore, #tpu.memory_space<semaphore_mem>> -> memref<1x!tpu.dma_semaphore, #tpu.memory_space<semaphore_mem>>
        %dma_start3A_860 = tpu.memref_squeeze %dma_start3A_859 : memref<1x!tpu.dma_semaphore, #tpu.memory_space<semaphore_mem>> -> memref<!tpu.dma_semaphore, #tpu.memory_space<semaphore_mem>>
        tpu.enqueue_indirect_dma source(%dma_start3A_858 : memref<10000x128xf32, #tpu.memory_space<hbm>>) target(%dma_start3A_853 : memref<40x128xf32, #tpu.memory_space<vmem>>) offsets(%dma_start3A_855 : memref<40xi32, #tpu.memory_space<vmem>>) semaphore(%dma_start3A_860 : memref<!tpu.dma_semaphore, #tpu.memory_space<semaphore_mem>>)
      } else {
      }
      %add3A_782 = arith.constant 3 : i32
      %add3A_783 = arith.addi %mul3A_481, %add3A_782 : i32
      %mul3A_784 = arith.constant 40 : i32
      %mul3A_785 = arith.muli %add3A_783, %mul3A_784 : i32
      %dma_wait3A_786 = arith.constant 3 : i32
      %dma_wait3A_787 = arith.constant 3 : i32
      %dma_wait3A_788 = arith.constant 0 : i32
      %dma_wait3A_789 = arith.constant 0 : i32
      %dma_wait3A_790 = tpu.memref_slice %arg13[%dma_wait3A_786, %dma_wait3A_788, %dma_wait3A_789] : memref<5x40x128xf32, #tpu.memory_space<vmem>> -> memref<1x40x128xf32, #tpu.memory_space<vmem>>
      %dma_wait3A_791 = tpu.memref_squeeze %dma_wait3A_790 : memref<1x40x128xf32, #tpu.memory_space<vmem>> -> memref<40x128xf32, #tpu.memory_space<vmem>>
      %dma_wait3A_792 = tpu.memref_slice %arg12[%mul3A_785] : memref<10000xi32, #tpu.memory_space<vmem>> -> memref<40xi32, #tpu.memory_space<vmem>>
      %dma_wait3A_793 = arith.constant 0 : i32
      %dma_wait3A_794 = arith.constant 0 : i32
      %dma_wait3A_795 = tpu.memref_slice %arg8[%dma_wait3A_793, %dma_wait3A_794] : memref<10000x128xf32, #tpu.memory_space<vmem_shared>> -> memref<10000x128xf32, #tpu.memory_space<vmem_shared>>
      %dma_wait3A_796 = tpu.memref_slice %arg16[%dma_wait3A_787] : memref<5x!tpu.dma_semaphore, #tpu.memory_space<semaphore_mem>> -> memref<1x!tpu.dma_semaphore, #tpu.memory_space<semaphore_mem>>
      %dma_wait3A_797 = tpu.memref_squeeze %dma_wait3A_796 : memref<1x!tpu.dma_semaphore, #tpu.memory_space<semaphore_mem>> -> memref<!tpu.dma_semaphore, #tpu.memory_space<semaphore_mem>>
      tpu.wait_indirect_dma semaphore(%dma_wait3A_797 : memref<!tpu.dma_semaphore, #tpu.memory_space<semaphore_mem>>) src(%dma_wait3A_791 : memref<40x128xf32, #tpu.memory_space<vmem>>) dst(%dma_wait3A_795 : memref<10000x128xf32, #tpu.memory_space<vmem_shared>>)
      %mul3A_798 = arith.constant 40 : i32
      %mul3A_799 = arith.muli %add3A_783, %mul3A_798 : i32
      %dma_wait3A_800 = arith.constant 3 : i32
      %dma_wait3A_801 = tpu.memref_slice %arg12[%mul3A_799] : memref<10000xi32, #tpu.memory_space<vmem>> -> memref<40xi32, #tpu.memory_space<vmem>>
      %dma_wait3A_802 = arith.constant 0 : i32
      %dma_wait3A_803 = arith.constant 0 : i32
      %dma_wait3A_804 = tpu.memref_slice %arg9[%dma_wait3A_802, %dma_wait3A_803] : memref<10000x16xf32, #tpu.memory_space<vmem_shared>> -> memref<10000x16xf32, #tpu.memory_space<vmem_shared>>
      %dma_wait3A_805 = tpu.memref_slice %arg17[%dma_wait3A_800] : memref<5x!tpu.dma_semaphore, #tpu.memory_space<semaphore_mem>> -> memref<1x!tpu.dma_semaphore, #tpu.memory_space<semaphore_mem>>
      %dma_wait3A_806 = tpu.memref_squeeze %dma_wait3A_805 : memref<1x!tpu.dma_semaphore, #tpu.memory_space<semaphore_mem>> -> memref<!tpu.dma_semaphore, #tpu.memory_space<semaphore_mem>>
      tpu.wait_indirect_dma semaphore(%dma_wait3A_806 : memref<!tpu.dma_semaphore, #tpu.memory_space<semaphore_mem>>) src(%arg14 : memref<40x16xf32, #tpu.memory_space<vmem>>) dst(%dma_wait3A_804 : memref<10000x16xf32, #tpu.memory_space<vmem_shared>>)
      %add3A_807 = arith.constant 1 : i32
      %add3A_808 = arith.addi %add3A_479, %add3A_807 : i32
      %lt3A_809 = arith.constant 50 : i32
      %lt3A_810 = arith.cmpi slt, %add3A_808, %lt3A_809 : i32
      %convert_element_type3A_811 = arith.extui %lt3A_810 : i1 to i32
      %cond3A_812 = arith.constant 0 : i32
      %cond3A_813 = arith.cmpi ne, %convert_element_type3A_811, %cond3A_812 : i32
      scf.if %cond3A_813 {
        %add3A_846 = arith.constant 5 : i32
        %add3A_847 = arith.addi %add3A_783, %add3A_846 : i32
        %dma_start3A_848 = arith.constant 3 : i32
        %dma_start3A_849 = arith.constant 3 : i32
        %dma_start3A_850 = arith.constant 0 : i32
        %dma_start3A_851 = arith.constant 0 : i32
        %dma_start3A_852 = tpu.memref_slice %arg13[%dma_start3A_848, %dma_start3A_850, %dma_start3A_851] : memref<5x40x128xf32, #tpu.memory_space<vmem>> -> memref<1x40x128xf32, #tpu.memory_space<vmem>>
        %dma_start3A_853 = tpu.memref_squeeze %dma_start3A_852 : memref<1x40x128xf32, #tpu.memory_space<vmem>> -> memref<40x128xf32, #tpu.memory_space<vmem>>
        %dma_start3A_854 = arith.constant 120 : i32
        %dma_start3A_855 = tpu.memref_slice %arg10[%dma_start3A_854] : memref<200xi32, #tpu.memory_space<vmem>> -> memref<40xi32, #tpu.memory_space<vmem>>
        %dma_start3A_856 = arith.constant 0 : i32
        %dma_start3A_857 = arith.constant 0 : i32
        %dma_start3A_858 = tpu.memref_slice %arg2[%dma_start3A_856, %dma_start3A_857] : memref<10000x128xf32, #tpu.memory_space<hbm>> -> memref<10000x128xf32, #tpu.memory_space<hbm>>
        %dma_start3A_859 = tpu.memref_slice %arg15[%dma_start3A_849] : memref<5x!tpu.dma_semaphore, #tpu.memory_space<semaphore_mem>> -> memref<1x!tpu.dma_semaphore, #tpu.memory_space<semaphore_mem>>
        %dma_start3A_860 = tpu.memref_squeeze %dma_start3A_859 : memref<1x!tpu.dma_semaphore, #tpu.memory_space<semaphore_mem>> -> memref<!tpu.dma_semaphore, #tpu.memory_space<semaphore_mem>>
        tpu.enqueue_indirect_dma source(%dma_start3A_858 : memref<10000x128xf32, #tpu.memory_space<hbm>>) target(%dma_start3A_853 : memref<40x128xf32, #tpu.memory_space<vmem>>) offsets(%dma_start3A_855 : memref<40xi32, #tpu.memory_space<vmem>>) semaphore(%dma_start3A_860 : memref<!tpu.dma_semaphore, #tpu.memory_space<semaphore_mem>>)
      } else {
      }
      %add3A_814 = arith.constant 4 : i32
      %add3A_815 = arith.addi %mul3A_481, %add3A_814 : i32
      %mul3A_816 = arith.constant 40 : i32
      %mul3A_817 = arith.muli %add3A_815, %mul3A_816 : i32
      %dma_wait3A_818 = arith.constant 4 : i32
      %dma_wait3A_819 = arith.constant 4 : i32
      %dma_wait3A_820 = arith.constant 0 : i32
      %dma_wait3A_821 = arith.constant 0 : i32
      %dma_wait3A_822 = tpu.memref_slice %arg13[%dma_wait3A_818, %dma_wait3A_820, %dma_wait3A_821] : memref<5x40x128xf32, #tpu.memory_space<vmem>> -> memref<1x40x128xf32, #tpu.memory_space<vmem>>
      %dma_wait3A_823 = tpu.memref_squeeze %dma_wait3A_822 : memref<1x40x128xf32, #tpu.memory_space<vmem>> -> memref<40x128xf32, #tpu.memory_space<vmem>>
      %dma_wait3A_824 = tpu.memref_slice %arg12[%mul3A_817] : memref<10000xi32, #tpu.memory_space<vmem>> -> memref<40xi32, #tpu.memory_space<vmem>>
      %dma_wait3A_825 = arith.constant 0 : i32
      %dma_wait3A_826 = arith.constant 0 : i32
      %dma_wait3A_827 = tpu.memref_slice %arg8[%dma_wait3A_825, %dma_wait3A_826] : memref<10000x128xf32, #tpu.memory_space<vmem_shared>> -> memref<10000x128xf32, #tpu.memory_space<vmem_shared>>
      %dma_wait3A_828 = tpu.memref_slice %arg16[%dma_wait3A_819] : memref<5x!tpu.dma_semaphore, #tpu.memory_space<semaphore_mem>> -> memref<1x!tpu.dma_semaphore, #tpu.memory_space<semaphore_mem>>
      %dma_wait3A_829 = tpu.memref_squeeze %dma_wait3A_828 : memref<1x!tpu.dma_semaphore, #tpu.memory_space<semaphore_mem>> -> memref<!tpu.dma_semaphore, #tpu.memory_space<semaphore_mem>>
      tpu.wait_indirect_dma semaphore(%dma_wait3A_829 : memref<!tpu.dma_semaphore, #tpu.memory_space<semaphore_mem>>) src(%dma_wait3A_823 : memref<40x128xf32, #tpu.memory_space<vmem>>) dst(%dma_wait3A_827 : memref<10000x128xf32, #tpu.memory_space<vmem_shared>>)
      %mul3A_830 = arith.constant 40 : i32
      %mul3A_831 = arith.muli %add3A_815, %mul3A_830 : i32
      %dma_wait3A_832 = arith.constant 4 : i32
      %dma_wait3A_833 = tpu.memref_slice %arg12[%mul3A_831] : memref<10000xi32, #tpu.memory_space<vmem>> -> memref<40xi32, #tpu.memory_space<vmem>>
      %dma_wait3A_834 = arith.constant 0 : i32
      %dma_wait3A_835 = arith.constant 0 : i32
      %dma_wait3A_836 = tpu.memref_slice %arg9[%dma_wait3A_834, %dma_wait3A_835] : memref<10000x16xf32, #tpu.memory_space<vmem_shared>> -> memref<10000x16xf32, #tpu.memory_space<vmem_shared>>
      %dma_wait3A_837 = tpu.memref_slice %arg17[%dma_wait3A_832] : memref<5x!tpu.dma_semaphore, #tpu.memory_space<semaphore_mem>> -> memref<1x!tpu.dma_semaphore, #tpu.memory_space<semaphore_mem>>
      %dma_wait3A_838 = tpu.memref_squeeze %dma_wait3A_837 : memref<1x!tpu.dma_semaphore, #tpu.memory_space<semaphore_mem>> -> memref<!tpu.dma_semaphore, #tpu.memory_space<semaphore_mem>>
      tpu.wait_indirect_dma semaphore(%dma_wait3A_838 : memref<!tpu.dma_semaphore, #tpu.memory_space<semaphore_mem>>) src(%arg14 : memref<40x16xf32, #tpu.memory_space<vmem>>) dst(%dma_wait3A_836 : memref<10000x16xf32, #tpu.memory_space<vmem_shared>>)
      %add3A_839 = arith.constant 1 : i32
      %add3A_840 = arith.addi %add3A_479, %add3A_839 : i32
      %lt3A_841 = arith.constant 50 : i32
      %lt3A_842 = arith.cmpi slt, %add3A_840, %lt3A_841 : i32
      %convert_element_type3A_843 = arith.extui %lt3A_842 : i1 to i32
      %cond3A_844 = arith.constant 0 : i32
      %cond3A_845 = arith.cmpi ne, %convert_element_type3A_843, %cond3A_844 : i32
      scf.if %cond3A_845 {
        %add3A_846 = arith.constant 5 : i32
        %add3A_847 = arith.addi %add3A_815, %add3A_846 : i32
        %dma_start3A_848 = arith.constant 4 : i32
        %dma_start3A_849 = arith.constant 4 : i32
        %dma_start3A_850 = arith.constant 0 : i32
        %dma_start3A_851 = arith.constant 0 : i32
        %dma_start3A_852 = tpu.memref_slice %arg13[%dma_start3A_848, %dma_start3A_850, %dma_start3A_851] : memref<5x40x128xf32, #tpu.memory_space<vmem>> -> memref<1x40x128xf32, #tpu.memory_space<vmem>>
        %dma_start3A_853 = tpu.memref_squeeze %dma_start3A_852 : memref<1x40x128xf32, #tpu.memory_space<vmem>> -> memref<40x128xf32, #tpu.memory_space<vmem>>
        %dma_start3A_854 = arith.constant 160 : i32
        %dma_start3A_855 = tpu.memref_slice %arg10[%dma_start3A_854] : memref<200xi32, #tpu.memory_space<vmem>> -> memref<40xi32, #tpu.memory_space<vmem>>
        %dma_start3A_856 = arith.constant 0 : i32
        %dma_start3A_857 = arith.constant 0 : i32
        %dma_start3A_858 = tpu.memref_slice %arg2[%dma_start3A_856, %dma_start3A_857] : memref<10000x128xf32, #tpu.memory_space<hbm>> -> memref<10000x128xf32, #tpu.memory_space<hbm>>
        %dma_start3A_859 = tpu.memref_slice %arg15[%dma_start3A_849] : memref<5x!tpu.dma_semaphore, #tpu.memory_space<semaphore_mem>> -> memref<1x!tpu.dma_semaphore, #tpu.memory_space<semaphore_mem>>
        %dma_start3A_860 = tpu.memref_squeeze %dma_start3A_859 : memref<1x!tpu.dma_semaphore, #tpu.memory_space<semaphore_mem>> -> memref<!tpu.dma_semaphore, #tpu.memory_space<semaphore_mem>>
        tpu.enqueue_indirect_dma source(%dma_start3A_858 : memref<10000x128xf32, #tpu.memory_space<hbm>>) target(%dma_start3A_853 : memref<40x128xf32, #tpu.memory_space<vmem>>) offsets(%dma_start3A_855 : memref<40xi32, #tpu.memory_space<vmem>>) semaphore(%dma_start3A_860 : memref<!tpu.dma_semaphore, #tpu.memory_space<semaphore_mem>>)
      } else {
      }
    }
    %scan3A_100 = arith.constant 25 : i32
    %barrier3A_101 = arith.constant 0 : index
    tpu.barrier barrier_id(%barrier3A_101)
    %lt3A_102 = arith.constant 5 : i32
    %lt3A_103 = arith.cmpi slt, %arg1, %lt3A_102 : i32
    %convert_element_type3A_104 = arith.extui %lt3A_103 : i1 to i32
    %cond3A_105 = arith.constant 0 : i32
    %cond3A_106 = arith.cmpi ne, %convert_element_type3A_104, %cond3A_105 : i32
    scf.if %cond3A_106 {
      %mul3A_107 = arith.constant 2000 : i32
      %mul3A_108 = arith.muli %arg1, %mul3A_107 : i32
      %mul3A_109 = arith.constant 10000 : i32
      %mul3A_110 = arith.muli %arg0, %mul3A_109 : i32
      %add3A_111 = arith.addi %mul3A_110, %mul3A_108 : i32
      "tpu.region"() ({
        %run_scoped3A_115 = tpu.sem_alloc : memref<!tpu.dma_semaphore, #tpu.memory_space<semaphore_mem>>
        %dma_start3A_116 = arith.constant 0 : i32
        %dma_start3A_117 = tpu.memref_slice %arg6[%add3A_111, %dma_start3A_116] : memref<20000x128xf32, #tpu.memory_space<hbm>> -> memref<2000x128xf32, #tpu.memory_space<hbm>>
        %dma_start3A_118 = arith.constant 0 : i32
        %dma_start3A_119 = tpu.memref_slice %arg8[%mul3A_108, %dma_start3A_118] : memref<10000x128xf32, #tpu.memory_space<vmem_shared>> -> memref<2000x128xf32, #tpu.memory_space<vmem_shared>>
        tpu.enqueue_dma source(%dma_start3A_119 : memref<2000x128xf32, #tpu.memory_space<vmem_shared>>) target(%dma_start3A_117 : memref<2000x128xf32, #tpu.memory_space<hbm>>) target_semaphore(%run_scoped3A_115 : memref<!tpu.dma_semaphore, #tpu.memory_space<semaphore_mem>>)
        %dma_wait3A_120 = arith.constant 0 : i32
        %dma_wait3A_121 = tpu.memref_slice %arg6[%add3A_111, %dma_wait3A_120] : memref<20000x128xf32, #tpu.memory_space<hbm>> -> memref<2000x128xf32, #tpu.memory_space<hbm>>
        %dma_wait3A_122 = arith.constant 0 : i32
        %dma_wait3A_123 = tpu.memref_slice %arg8[%mul3A_108, %dma_wait3A_122] : memref<10000x128xf32, #tpu.memory_space<vmem_shared>> -> memref<2000x128xf32, #tpu.memory_space<vmem_shared>>
        tpu.wait_dma2 semaphore(%run_scoped3A_115 : memref<!tpu.dma_semaphore, #tpu.memory_space<semaphore_mem>>) src(%dma_wait3A_123 : memref<2000x128xf32, #tpu.memory_space<vmem_shared>>) dst(%dma_wait3A_121 : memref<2000x128xf32, #tpu.memory_space<hbm>>)
        tpu.yield
      }) : () -> ()
      %mul3A_112 = arith.constant 10000 : i32
      %mul3A_113 = arith.muli %arg0, %mul3A_112 : i32
      %add3A_114 = arith.addi %mul3A_113, %mul3A_108 : i32
      "tpu.region"() ({
        %run_scoped3A_115 = tpu.sem_alloc : memref<!tpu.dma_semaphore, #tpu.memory_space<semaphore_mem>>
        %dma_start3A_116 = arith.constant 0 : i32
        %dma_start3A_117 = tpu.memref_slice %arg7[%add3A_114, %dma_start3A_116] : memref<20000x16xf32, #tpu.memory_space<hbm>> -> memref<2000x16xf32, #tpu.memory_space<hbm>>
        %dma_start3A_118 = arith.constant 0 : i32
        %dma_start3A_119 = tpu.memref_slice %arg9[%mul3A_108, %dma_start3A_118] : memref<10000x16xf32, #tpu.memory_space<vmem_shared>> -> memref<2000x16xf32, #tpu.memory_space<vmem_shared>>
        tpu.enqueue_dma source(%dma_start3A_119 : memref<2000x16xf32, #tpu.memory_space<vmem_shared>>) target(%dma_start3A_117 : memref<2000x16xf32, #tpu.memory_space<hbm>>) target_semaphore(%run_scoped3A_115 : memref<!tpu.dma_semaphore, #tpu.memory_space<semaphore_mem>>)
        %dma_wait3A_120 = arith.constant 0 : i32
        %dma_wait3A_121 = tpu.memref_slice %arg7[%add3A_114, %dma_wait3A_120] : memref<20000x16xf32, #tpu.memory_space<hbm>> -> memref<2000x16xf32, #tpu.memory_space<hbm>>
        %dma_wait3A_122 = arith.constant 0 : i32
        %dma_wait3A_123 = tpu.memref_slice %arg9[%mul3A_108, %dma_wait3A_122] : memref<10000x16xf32, #tpu.memory_space<vmem_shared>> -> memref<2000x16xf32, #tpu.memory_space<vmem_shared>>
        tpu.wait_dma2 semaphore(%run_scoped3A_115 : memref<!tpu.dma_semaphore, #tpu.memory_space<semaphore_mem>>) src(%dma_wait3A_123 : memref<2000x16xf32, #tpu.memory_space<vmem_shared>>) dst(%dma_wait3A_121 : memref<2000x16xf32, #tpu.memory_space<hbm>>)
        tpu.yield
      }) : () -> ()
    } else {
    }
    return
  }
}

#map = affine_map<(d0, d1) -> (0, 0)>
module attributes {stable_mosaic.version = 14 : i64} {
  func.func @_sc_agg64_body(%arg0: i32, %arg1: i32, %arg2: memref<10000x64xbf16, #tpu.memory_space<hbm>>, %arg3: memref<2x320000xi32, #tpu.memory_space<hbm>>, %arg4: memref<2000x64xbf16, #tpu.memory_space<hbm>>, %arg5: memref<20000x64xbf16, #tpu.memory_space<hbm>>, %arg6: memref<10000x64xbf16, #tpu.memory_space<vmem_shared>>, %arg7: memref<10000xi32, #tpu.memory_space<vmem>>, %arg8: memref<10000xi32, #tpu.memory_space<vmem>>, %arg9: memref<5x80x64xbf16, #tpu.memory_space<vmem>>, %arg10: memref<5x!tpu.dma_semaphore, #tpu.memory_space<semaphore_mem>>, %arg11: memref<5x!tpu.dma_semaphore, #tpu.memory_space<semaphore_mem>>) attributes {dimension_semantics = [#tpu.dimension_semantics<core_parallel>, #tpu.dimension_semantics<subcore_parallel>], iteration_bounds = array<i64: 2, 16>, scalar_prefetch = 0 : i64, scratch_operands = 6 : i64, tpu.core_type = #tpu.core_type<sc_vector_subcore>, window_params = [{transform_indices = #map}, {transform_indices = #map}, {transform_indices = #map}, {transform_indices = #map}]} {
    %mul3A = arith.constant 2 : i32
    %mul3A_0 = arith.muli %arg1, %mul3A : i32
    %add3A = arith.addi %mul3A_0, %arg0 : i32
    %lt3A = arith.constant 5 : i32
    %lt3A_1 = arith.cmpi slt, %arg1, %lt3A : i32
    %convert_element_type3A = arith.extui %lt3A_1 : i1 to i32
    %cond3A = arith.constant 0 : i32
    %cond3A_2 = arith.cmpi ne, %convert_element_type3A, %cond3A : i32
    scf.if %cond3A_2 {
      %mul3A_81 = arith.constant 2000 : i32
      %mul3A_82 = arith.muli %arg1, %mul3A_81 : i32
      "tpu.region"() ({
        %run_scoped3A_83 = tpu.sem_alloc : memref<!tpu.dma_semaphore, #tpu.memory_space<semaphore_mem>>
        %dma_start3A_84 = arith.constant 0 : i32
        %dma_start3A_85 = tpu.memref_slice %arg6[%mul3A_82, %dma_start3A_84] : memref<10000x64xbf16, #tpu.memory_space<vmem_shared>> -> memref<2000x64xbf16, #tpu.memory_space<vmem_shared>>
        tpu.enqueue_dma source(%arg4 : memref<2000x64xbf16, #tpu.memory_space<hbm>>) target(%dma_start3A_85 : memref<2000x64xbf16, #tpu.memory_space<vmem_shared>>) target_semaphore(%run_scoped3A_83 : memref<!tpu.dma_semaphore, #tpu.memory_space<semaphore_mem>>)
        %dma_wait3A = arith.constant 0 : i32
        %dma_wait3A_86 = tpu.memref_slice %arg6[%mul3A_82, %dma_wait3A] : memref<10000x64xbf16, #tpu.memory_space<vmem_shared>> -> memref<2000x64xbf16, #tpu.memory_space<vmem_shared>>
        tpu.wait_dma2 semaphore(%run_scoped3A_83 : memref<!tpu.dma_semaphore, #tpu.memory_space<semaphore_mem>>) src(%arg4 : memref<2000x64xbf16, #tpu.memory_space<hbm>>) dst(%dma_wait3A_86 : memref<2000x64xbf16, #tpu.memory_space<vmem_shared>>)
        tpu.yield
      }) : () -> ()
    } else {
    }
    %barrier3A = arith.constant 0 : index
    tpu.barrier barrier_id(%barrier3A)
    %mul3A_3 = arith.constant 10000 : i32
    %mul3A_4 = arith.muli %add3A, %mul3A_3 : i32
    %run_scoped3A = arith.constant 0 : i32
    "tpu.region"() ({
      %run_scoped3A_81 = tpu.sem_alloc : memref<!tpu.dma_semaphore, #tpu.memory_space<semaphore_mem>>
      %dma_start3A_82 = tpu.memref_slice %arg3[%run_scoped3A, %mul3A_4] : memref<2x320000xi32, #tpu.memory_space<hbm>> -> memref<1x10000xi32, #tpu.memory_space<hbm>>
      %dma_start3A_83 = tpu.memref_squeeze %dma_start3A_82 : memref<1x10000xi32, #tpu.memory_space<hbm>> -> memref<10000xi32, #tpu.memory_space<hbm>>
      %dma_start3A_84 = tpu.memref_slice %arg3[%run_scoped3A, %mul3A_4] : memref<2x320000xi32, #tpu.memory_space<hbm>> -> memref<1x10000xi32, #tpu.memory_space<hbm>>
      %dma_start3A_85 = tpu.memref_squeeze %dma_start3A_84 : memref<1x10000xi32, #tpu.memory_space<hbm>> -> memref<10000xi32, #tpu.memory_space<hbm>>
      tpu.enqueue_dma source(%dma_start3A_85 : memref<10000xi32, #tpu.memory_space<hbm>>) target(%arg7 : memref<10000xi32, #tpu.memory_space<vmem>>) target_semaphore(%run_scoped3A_81 : memref<!tpu.dma_semaphore, #tpu.memory_space<semaphore_mem>>)
      %dma_wait3A = tpu.memref_slice %arg3[%run_scoped3A, %mul3A_4] : memref<2x320000xi32, #tpu.memory_space<hbm>> -> memref<1x10000xi32, #tpu.memory_space<hbm>>
      %dma_wait3A_86 = tpu.memref_squeeze %dma_wait3A : memref<1x10000xi32, #tpu.memory_space<hbm>> -> memref<10000xi32, #tpu.memory_space<hbm>>
      %dma_wait3A_87 = tpu.memref_slice %arg3[%run_scoped3A, %mul3A_4] : memref<2x320000xi32, #tpu.memory_space<hbm>> -> memref<1x10000xi32, #tpu.memory_space<hbm>>
      %dma_wait3A_88 = tpu.memref_squeeze %dma_wait3A_87 : memref<1x10000xi32, #tpu.memory_space<hbm>> -> memref<10000xi32, #tpu.memory_space<hbm>>
      tpu.wait_dma2 semaphore(%run_scoped3A_81 : memref<!tpu.dma_semaphore, #tpu.memory_space<semaphore_mem>>) src(%dma_wait3A_88 : memref<10000xi32, #tpu.memory_space<hbm>>) dst(%arg7 : memref<10000xi32, #tpu.memory_space<vmem>>)
      tpu.yield
    }) : () -> ()
    %run_scoped3A_5 = arith.constant 1 : i32
    "tpu.region"() ({
      %run_scoped3A_81 = tpu.sem_alloc : memref<!tpu.dma_semaphore, #tpu.memory_space<semaphore_mem>>
      %dma_start3A_82 = tpu.memref_slice %arg3[%run_scoped3A_5, %mul3A_4] : memref<2x320000xi32, #tpu.memory_space<hbm>> -> memref<1x10000xi32, #tpu.memory_space<hbm>>
      %dma_start3A_83 = tpu.memref_squeeze %dma_start3A_82 : memref<1x10000xi32, #tpu.memory_space<hbm>> -> memref<10000xi32, #tpu.memory_space<hbm>>
      %dma_start3A_84 = tpu.memref_slice %arg3[%run_scoped3A_5, %mul3A_4] : memref<2x320000xi32, #tpu.memory_space<hbm>> -> memref<1x10000xi32, #tpu.memory_space<hbm>>
      %dma_start3A_85 = tpu.memref_squeeze %dma_start3A_84 : memref<1x10000xi32, #tpu.memory_space<hbm>> -> memref<10000xi32, #tpu.memory_space<hbm>>
      tpu.enqueue_dma source(%dma_start3A_85 : memref<10000xi32, #tpu.memory_space<hbm>>) target(%arg8 : memref<10000xi32, #tpu.memory_space<vmem>>) target_semaphore(%run_scoped3A_81 : memref<!tpu.dma_semaphore, #tpu.memory_space<semaphore_mem>>)
      %dma_wait3A = tpu.memref_slice %arg3[%run_scoped3A_5, %mul3A_4] : memref<2x320000xi32, #tpu.memory_space<hbm>> -> memref<1x10000xi32, #tpu.memory_space<hbm>>
      %dma_wait3A_86 = tpu.memref_squeeze %dma_wait3A : memref<1x10000xi32, #tpu.memory_space<hbm>> -> memref<10000xi32, #tpu.memory_space<hbm>>
      %dma_wait3A_87 = tpu.memref_slice %arg3[%run_scoped3A_5, %mul3A_4] : memref<2x320000xi32, #tpu.memory_space<hbm>> -> memref<1x10000xi32, #tpu.memory_space<hbm>>
      %dma_wait3A_88 = tpu.memref_squeeze %dma_wait3A_87 : memref<1x10000xi32, #tpu.memory_space<hbm>> -> memref<10000xi32, #tpu.memory_space<hbm>>
      tpu.wait_dma2 semaphore(%run_scoped3A_81 : memref<!tpu.dma_semaphore, #tpu.memory_space<semaphore_mem>>) src(%dma_wait3A_88 : memref<10000xi32, #tpu.memory_space<hbm>>) dst(%arg8 : memref<10000xi32, #tpu.memory_space<vmem>>)
      tpu.yield
    }) : () -> ()
    %dma_start3A = arith.constant 0 : i32
    %dma_start3A_6 = arith.constant 0 : i32
    %dma_start3A_7 = arith.constant 0 : i32
    %dma_start3A_8 = arith.constant 0 : i32
    %dma_start3A_9 = tpu.memref_slice %arg9[%dma_start3A, %dma_start3A_7, %dma_start3A_8] : memref<5x80x64xbf16, #tpu.memory_space<vmem>> -> memref<1x80x64xbf16, #tpu.memory_space<vmem>>
    %dma_start3A_10 = tpu.memref_squeeze %dma_start3A_9 : memref<1x80x64xbf16, #tpu.memory_space<vmem>> -> memref<80x64xbf16, #tpu.memory_space<vmem>>
    %dma_start3A_11 = arith.constant 0 : i32
    %dma_start3A_12 = tpu.memref_slice %arg7[%dma_start3A_11] : memref<10000xi32, #tpu.memory_space<vmem>> -> memref<80xi32, #tpu.memory_space<vmem>>
    %dma_start3A_13 = arith.constant 0 : i32
    %dma_start3A_14 = arith.constant 0 : i32
    %dma_start3A_15 = tpu.memref_slice %arg2[%dma_start3A_13, %dma_start3A_14] : memref<10000x64xbf16, #tpu.memory_space<hbm>> -> memref<10000x64xbf16, #tpu.memory_space<hbm>>
    %dma_start3A_16 = tpu.memref_slice %arg10[%dma_start3A_6] : memref<5x!tpu.dma_semaphore, #tpu.memory_space<semaphore_mem>> -> memref<1x!tpu.dma_semaphore, #tpu.memory_space<semaphore_mem>>
    %dma_start3A_17 = tpu.memref_squeeze %dma_start3A_16 : memref<1x!tpu.dma_semaphore, #tpu.memory_space<semaphore_mem>> -> memref<!tpu.dma_semaphore, #tpu.memory_space<semaphore_mem>>
    tpu.enqueue_indirect_dma source(%dma_start3A_15 : memref<10000x64xbf16, #tpu.memory_space<hbm>>) target(%dma_start3A_10 : memref<80x64xbf16, #tpu.memory_space<vmem>>) offsets(%dma_start3A_12 : memref<80xi32, #tpu.memory_space<vmem>>) semaphore(%dma_start3A_17 : memref<!tpu.dma_semaphore, #tpu.memory_space<semaphore_mem>>)
    %dma_start3A_18 = arith.constant 1 : i32
    %dma_start3A_19 = arith.constant 1 : i32
    %dma_start3A_20 = arith.constant 0 : i32
    %dma_start3A_21 = arith.constant 0 : i32
    %dma_start3A_22 = tpu.memref_slice %arg9[%dma_start3A_18, %dma_start3A_20, %dma_start3A_21] : memref<5x80x64xbf16, #tpu.memory_space<vmem>> -> memref<1x80x64xbf16, #tpu.memory_space<vmem>>
    %dma_start3A_23 = tpu.memref_squeeze %dma_start3A_22 : memref<1x80x64xbf16, #tpu.memory_space<vmem>> -> memref<80x64xbf16, #tpu.memory_space<vmem>>
    %dma_start3A_24 = arith.constant 80 : i32
    %dma_start3A_25 = tpu.memref_slice %arg7[%dma_start3A_24] : memref<10000xi32, #tpu.memory_space<vmem>> -> memref<80xi32, #tpu.memory_space<vmem>>
    %dma_start3A_26 = arith.constant 0 : i32
    %dma_start3A_27 = arith.constant 0 : i32
    %dma_start3A_28 = tpu.memref_slice %arg2[%dma_start3A_26, %dma_start3A_27] : memref<10000x64xbf16, #tpu.memory_space<hbm>> -> memref<10000x64xbf16, #tpu.memory_space<hbm>>
    %dma_start3A_29 = tpu.memref_slice %arg10[%dma_start3A_19] : memref<5x!tpu.dma_semaphore, #tpu.memory_space<semaphore_mem>> -> memref<1x!tpu.dma_semaphore, #tpu.memory_space<semaphore_mem>>
    %dma_start3A_30 = tpu.memref_squeeze %dma_start3A_29 : memref<1x!tpu.dma_semaphore, #tpu.memory_space<semaphore_mem>> -> memref<!tpu.dma_semaphore, #tpu.memory_space<semaphore_mem>>
    tpu.enqueue_indirect_dma source(%dma_start3A_28 : memref<10000x64xbf16, #tpu.memory_space<hbm>>) target(%dma_start3A_23 : memref<80x64xbf16, #tpu.memory_space<vmem>>) offsets(%dma_start3A_25 : memref<80xi32, #tpu.memory_space<vmem>>) semaphore(%dma_start3A_30 : memref<!tpu.dma_semaphore, #tpu.memory_space<semaphore_mem>>)
    %dma_start3A_31 = arith.constant 2 : i32
    %dma_start3A_32 = arith.constant 2 : i32
    %dma_start3A_33 = arith.constant 0 : i32
    %dma_start3A_34 = arith.constant 0 : i32
    %dma_start3A_35 = tpu.memref_slice %arg9[%dma_start3A_31, %dma_start3A_33, %dma_start3A_34] : memref<5x80x64xbf16, #tpu.memory_space<vmem>> -> memref<1x80x64xbf16, #tpu.memory_space<vmem>>
    %dma_start3A_36 = tpu.memref_squeeze %dma_start3A_35 : memref<1x80x64xbf16, #tpu.memory_space<vmem>> -> memref<80x64xbf16, #tpu.memory_space<vmem>>
    %dma_start3A_37 = arith.constant 160 : i32
    %dma_start3A_38 = tpu.memref_slice %arg7[%dma_start3A_37] : memref<10000xi32, #tpu.memory_space<vmem>> -> memref<80xi32, #tpu.memory_space<vmem>>
    %dma_start3A_39 = arith.constant 0 : i32
    %dma_start3A_40 = arith.constant 0 : i32
    %dma_start3A_41 = tpu.memref_slice %arg2[%dma_start3A_39, %dma_start3A_40] : memref<10000x64xbf16, #tpu.memory_space<hbm>> -> memref<10000x64xbf16, #tpu.memory_space<hbm>>
    %dma_start3A_42 = tpu.memref_slice %arg10[%dma_start3A_32] : memref<5x!tpu.dma_semaphore, #tpu.memory_space<semaphore_mem>> -> memref<1x!tpu.dma_semaphore, #tpu.memory_space<semaphore_mem>>
    %dma_start3A_43 = tpu.memref_squeeze %dma_start3A_42 : memref<1x!tpu.dma_semaphore, #tpu.memory_space<semaphore_mem>> -> memref<!tpu.dma_semaphore, #tpu.memory_space<semaphore_mem>>
    tpu.enqueue_indirect_dma source(%dma_start3A_41 : memref<10000x64xbf16, #tpu.memory_space<hbm>>) target(%dma_start3A_36 : memref<80x64xbf16, #tpu.memory_space<vmem>>) offsets(%dma_start3A_38 : memref<80xi32, #tpu.memory_space<vmem>>) semaphore(%dma_start3A_43 : memref<!tpu.dma_semaphore, #tpu.memory_space<semaphore_mem>>)
    %dma_start3A_44 = arith.constant 3 : i32
    %dma_start3A_45 = arith.constant 3 : i32
    %dma_start3A_46 = arith.constant 0 : i32
    %dma_start3A_47 = arith.constant 0 : i32
    %dma_start3A_48 = tpu.memref_slice %arg9[%dma_start3A_44, %dma_start3A_46, %dma_start3A_47] : memref<5x80x64xbf16, #tpu.memory_space<vmem>> -> memref<1x80x64xbf16, #tpu.memory_space<vmem>>
    %dma_start3A_49 = tpu.memref_squeeze %dma_start3A_48 : memref<1x80x64xbf16, #tpu.memory_space<vmem>> -> memref<80x64xbf16, #tpu.memory_space<vmem>>
    %dma_start3A_50 = arith.constant 240 : i32
    %dma_start3A_51 = tpu.memref_slice %arg7[%dma_start3A_50] : memref<10000xi32, #tpu.memory_space<vmem>> -> memref<80xi32, #tpu.memory_space<vmem>>
    %dma_start3A_52 = arith.constant 0 : i32
    %dma_start3A_53 = arith.constant 0 : i32
    %dma_start3A_54 = tpu.memref_slice %arg2[%dma_start3A_52, %dma_start3A_53] : memref<10000x64xbf16, #tpu.memory_space<hbm>> -> memref<10000x64xbf16, #tpu.memory_space<hbm>>
    %dma_start3A_55 = tpu.memref_slice %arg10[%dma_start3A_45] : memref<5x!tpu.dma_semaphore, #tpu.memory_space<semaphore_mem>> -> memref<1x!tpu.dma_semaphore, #tpu.memory_space<semaphore_mem>>
    %dma_start3A_56 = tpu.memref_squeeze %dma_start3A_55 : memref<1x!tpu.dma_semaphore, #tpu.memory_space<semaphore_mem>> -> memref<!tpu.dma_semaphore, #tpu.memory_space<semaphore_mem>>
    tpu.enqueue_indirect_dma source(%dma_start3A_54 : memref<10000x64xbf16, #tpu.memory_space<hbm>>) target(%dma_start3A_49 : memref<80x64xbf16, #tpu.memory_space<vmem>>) offsets(%dma_start3A_51 : memref<80xi32, #tpu.memory_space<vmem>>) semaphore(%dma_start3A_56 : memref<!tpu.dma_semaphore, #tpu.memory_space<semaphore_mem>>)
    %dma_start3A_57 = arith.constant 4 : i32
    %dma_start3A_58 = arith.constant 4 : i32
    %dma_start3A_59 = arith.constant 0 : i32
    %dma_start3A_60 = arith.constant 0 : i32
    %dma_start3A_61 = tpu.memref_slice %arg9[%dma_start3A_57, %dma_start3A_59, %dma_start3A_60] : memref<5x80x64xbf16, #tpu.memory_space<vmem>> -> memref<1x80x64xbf16, #tpu.memory_space<vmem>>
    %dma_start3A_62 = tpu.memref_squeeze %dma_start3A_61 : memref<1x80x64xbf16, #tpu.memory_space<vmem>> -> memref<80x64xbf16, #tpu.memory_space<vmem>>
    %dma_start3A_63 = arith.constant 320 : i32
    %dma_start3A_64 = tpu.memref_slice %arg7[%dma_start3A_63] : memref<10000xi32, #tpu.memory_space<vmem>> -> memref<80xi32, #tpu.memory_space<vmem>>
    %dma_start3A_65 = arith.constant 0 : i32
    %dma_start3A_66 = arith.constant 0 : i32
    %dma_start3A_67 = tpu.memref_slice %arg2[%dma_start3A_65, %dma_start3A_66] : memref<10000x64xbf16, #tpu.memory_space<hbm>> -> memref<10000x64xbf16, #tpu.memory_space<hbm>>
    %dma_start3A_68 = tpu.memref_slice %arg10[%dma_start3A_58] : memref<5x!tpu.dma_semaphore, #tpu.memory_space<semaphore_mem>> -> memref<1x!tpu.dma_semaphore, #tpu.memory_space<semaphore_mem>>
    %dma_start3A_69 = tpu.memref_squeeze %dma_start3A_68 : memref<1x!tpu.dma_semaphore, #tpu.memory_space<semaphore_mem>> -> memref<!tpu.dma_semaphore, #tpu.memory_space<semaphore_mem>>
    tpu.enqueue_indirect_dma source(%dma_start3A_67 : memref<10000x64xbf16, #tpu.memory_space<hbm>>) target(%dma_start3A_62 : memref<80x64xbf16, #tpu.memory_space<vmem>>) offsets(%dma_start3A_64 : memref<80xi32, #tpu.memory_space<vmem>>) semaphore(%dma_start3A_69 : memref<!tpu.dma_semaphore, #tpu.memory_space<semaphore_mem>>)
    %scan3A = arith.constant 0 : i32
    %scan3A_70 = arith.constant 0 : i32
    %scan3A_71 = arith.constant 25 : i32
    %scan3A_72 = arith.addi %scan3A_70, %scan3A_71 : i32
    %scan3A_73 = arith.constant 1 : i32
    scf.for %scan3A_81 = %scan3A_70 to %scan3A_72 step %scan3A_73  : i32 {
      %mul3A_82 = arith.constant 5 : i32
      %mul3A_83 = arith.muli %scan3A_81, %mul3A_82 : i32
      %add3A_84 = arith.constant 0 : i32
      %add3A_85 = arith.addi %mul3A_83, %add3A_84 : i32
      %mul3A_86 = arith.constant 80 : i32
      %mul3A_87 = arith.muli %add3A_85, %mul3A_86 : i32
      %dma_wait3A = arith.constant 0 : i32
      %dma_wait3A_88 = arith.constant 0 : i32
      %dma_wait3A_89 = arith.constant 0 : i32
      %dma_wait3A_90 = arith.constant 0 : i32
      %dma_wait3A_91 = tpu.memref_slice %arg9[%dma_wait3A, %dma_wait3A_89, %dma_wait3A_90] : memref<5x80x64xbf16, #tpu.memory_space<vmem>> -> memref<1x80x64xbf16, #tpu.memory_space<vmem>>
      %dma_wait3A_92 = tpu.memref_squeeze %dma_wait3A_91 : memref<1x80x64xbf16, #tpu.memory_space<vmem>> -> memref<80x64xbf16, #tpu.memory_space<vmem>>
      %dma_wait3A_93 = tpu.memref_slice %arg7[%mul3A_87] : memref<10000xi32, #tpu.memory_space<vmem>> -> memref<80xi32, #tpu.memory_space<vmem>>
      %dma_wait3A_94 = arith.constant 0 : i32
      %dma_wait3A_95 = arith.constant 0 : i32
      %dma_wait3A_96 = tpu.memref_slice %arg2[%dma_wait3A_94, %dma_wait3A_95] : memref<10000x64xbf16, #tpu.memory_space<hbm>> -> memref<10000x64xbf16, #tpu.memory_space<hbm>>
      %dma_wait3A_97 = tpu.memref_slice %arg10[%dma_wait3A_88] : memref<5x!tpu.dma_semaphore, #tpu.memory_space<semaphore_mem>> -> memref<1x!tpu.dma_semaphore, #tpu.memory_space<semaphore_mem>>
      %dma_wait3A_98 = tpu.memref_squeeze %dma_wait3A_97 : memref<1x!tpu.dma_semaphore, #tpu.memory_space<semaphore_mem>> -> memref<!tpu.dma_semaphore, #tpu.memory_space<semaphore_mem>>
      tpu.wait_indirect_dma semaphore(%dma_wait3A_98 : memref<!tpu.dma_semaphore, #tpu.memory_space<semaphore_mem>>) src(%dma_wait3A_96 : memref<10000x64xbf16, #tpu.memory_space<hbm>>) dst(%dma_wait3A_92 : memref<80x64xbf16, #tpu.memory_space<vmem>>)
      %add3A_99 = arith.constant 0 : i32
      %add3A_100 = arith.addi %mul3A_83, %add3A_99 : i32
      %mul3A_101 = arith.constant 80 : i32
      %mul3A_102 = arith.muli %add3A_100, %mul3A_101 : i32
      %dma_start3A_103 = arith.constant 0 : i32
      %dma_start3A_104 = arith.constant 0 : i32
      %dma_start3A_105 = arith.constant 0 : i32
      %dma_start3A_106 = arith.constant 0 : i32
      %dma_start3A_107 = tpu.memref_slice %arg9[%dma_start3A_103, %dma_start3A_105, %dma_start3A_106] : memref<5x80x64xbf16, #tpu.memory_space<vmem>> -> memref<1x80x64xbf16, #tpu.memory_space<vmem>>
      %dma_start3A_108 = tpu.memref_squeeze %dma_start3A_107 : memref<1x80x64xbf16, #tpu.memory_space<vmem>> -> memref<80x64xbf16, #tpu.memory_space<vmem>>
      %dma_start3A_109 = tpu.memref_slice %arg8[%mul3A_102] : memref<10000xi32, #tpu.memory_space<vmem>> -> memref<80xi32, #tpu.memory_space<vmem>>
      %dma_start3A_110 = arith.constant 0 : i32
      %dma_start3A_111 = arith.constant 0 : i32
      %dma_start3A_112 = tpu.memref_slice %arg6[%dma_start3A_110, %dma_start3A_111] : memref<10000x64xbf16, #tpu.memory_space<vmem_shared>> -> memref<10000x64xbf16, #tpu.memory_space<vmem_shared>>
      %dma_start3A_113 = tpu.memref_slice %arg11[%dma_start3A_104] : memref<5x!tpu.dma_semaphore, #tpu.memory_space<semaphore_mem>> -> memref<1x!tpu.dma_semaphore, #tpu.memory_space<semaphore_mem>>
      %dma_start3A_114 = tpu.memref_squeeze %dma_start3A_113 : memref<1x!tpu.dma_semaphore, #tpu.memory_space<semaphore_mem>> -> memref<!tpu.dma_semaphore, #tpu.memory_space<semaphore_mem>>
      tpu.enqueue_indirect_dma source(%dma_start3A_108 : memref<80x64xbf16, #tpu.memory_space<vmem>>) target(%dma_start3A_112 : memref<10000x64xbf16, #tpu.memory_space<vmem_shared>>) offsets(%dma_start3A_109 : memref<80xi32, #tpu.memory_space<vmem>>) semaphore(%dma_start3A_114 : memref<!tpu.dma_semaphore, #tpu.memory_space<semaphore_mem>>) {add = true}
      %add3A_115 = arith.constant 1 : i32
      %add3A_116 = arith.addi %mul3A_83, %add3A_115 : i32
      %mul3A_117 = arith.constant 80 : i32
      %mul3A_118 = arith.muli %add3A_116, %mul3A_117 : i32
      %dma_wait3A_119 = arith.constant 1 : i32
      %dma_wait3A_120 = arith.constant 1 : i32
      %dma_wait3A_121 = arith.constant 0 : i32
      %dma_wait3A_122 = arith.constant 0 : i32
      %dma_wait3A_123 = tpu.memref_slice %arg9[%dma_wait3A_119, %dma_wait3A_121, %dma_wait3A_122] : memref<5x80x64xbf16, #tpu.memory_space<vmem>> -> memref<1x80x64xbf16, #tpu.memory_space<vmem>>
      %dma_wait3A_124 = tpu.memref_squeeze %dma_wait3A_123 : memref<1x80x64xbf16, #tpu.memory_space<vmem>> -> memref<80x64xbf16, #tpu.memory_space<vmem>>
      %dma_wait3A_125 = tpu.memref_slice %arg7[%mul3A_118] : memref<10000xi32, #tpu.memory_space<vmem>> -> memref<80xi32, #tpu.memory_space<vmem>>
      %dma_wait3A_126 = arith.constant 0 : i32
      %dma_wait3A_127 = arith.constant 0 : i32
      %dma_wait3A_128 = tpu.memref_slice %arg2[%dma_wait3A_126, %dma_wait3A_127] : memref<10000x64xbf16, #tpu.memory_space<hbm>> -> memref<10000x64xbf16, #tpu.memory_space<hbm>>
      %dma_wait3A_129 = tpu.memref_slice %arg10[%dma_wait3A_120] : memref<5x!tpu.dma_semaphore, #tpu.memory_space<semaphore_mem>> -> memref<1x!tpu.dma_semaphore, #tpu.memory_space<semaphore_mem>>
      %dma_wait3A_130 = tpu.memref_squeeze %dma_wait3A_129 : memref<1x!tpu.dma_semaphore, #tpu.memory_space<semaphore_mem>> -> memref<!tpu.dma_semaphore, #tpu.memory_space<semaphore_mem>>
      tpu.wait_indirect_dma semaphore(%dma_wait3A_130 : memref<!tpu.dma_semaphore, #tpu.memory_space<semaphore_mem>>) src(%dma_wait3A_128 : memref<10000x64xbf16, #tpu.memory_space<hbm>>) dst(%dma_wait3A_124 : memref<80x64xbf16, #tpu.memory_space<vmem>>)
      %add3A_131 = arith.constant 1 : i32
      %add3A_132 = arith.addi %mul3A_83, %add3A_131 : i32
      %mul3A_133 = arith.constant 80 : i32
      %mul3A_134 = arith.muli %add3A_132, %mul3A_133 : i32
      %dma_start3A_135 = arith.constant 1 : i32
      %dma_start3A_136 = arith.constant 1 : i32
      %dma_start3A_137 = arith.constant 0 : i32
      %dma_start3A_138 = arith.constant 0 : i32
      %dma_start3A_139 = tpu.memref_slice %arg9[%dma_start3A_135, %dma_start3A_137, %dma_start3A_138] : memref<5x80x64xbf16, #tpu.memory_space<vmem>> -> memref<1x80x64xbf16, #tpu.memory_space<vmem>>
      %dma_start3A_140 = tpu.memref_squeeze %dma_start3A_139 : memref<1x80x64xbf16, #tpu.memory_space<vmem>> -> memref<80x64xbf16, #tpu.memory_space<vmem>>
      %dma_start3A_141 = tpu.memref_slice %arg8[%mul3A_134] : memref<10000xi32, #tpu.memory_space<vmem>> -> memref<80xi32, #tpu.memory_space<vmem>>
      %dma_start3A_142 = arith.constant 0 : i32
      %dma_start3A_143 = arith.constant 0 : i32
      %dma_start3A_144 = tpu.memref_slice %arg6[%dma_start3A_142, %dma_start3A_143] : memref<10000x64xbf16, #tpu.memory_space<vmem_shared>> -> memref<10000x64xbf16, #tpu.memory_space<vmem_shared>>
      %dma_start3A_145 = tpu.memref_slice %arg11[%dma_start3A_136] : memref<5x!tpu.dma_semaphore, #tpu.memory_space<semaphore_mem>> -> memref<1x!tpu.dma_semaphore, #tpu.memory_space<semaphore_mem>>
      %dma_start3A_146 = tpu.memref_squeeze %dma_start3A_145 : memref<1x!tpu.dma_semaphore, #tpu.memory_space<semaphore_mem>> -> memref<!tpu.dma_semaphore, #tpu.memory_space<semaphore_mem>>
      tpu.enqueue_indirect_dma source(%dma_start3A_140 : memref<80x64xbf16, #tpu.memory_space<vmem>>) target(%dma_start3A_144 : memref<10000x64xbf16, #tpu.memory_space<vmem_shared>>) offsets(%dma_start3A_141 : memref<80xi32, #tpu.memory_space<vmem>>) semaphore(%dma_start3A_146 : memref<!tpu.dma_semaphore, #tpu.memory_space<semaphore_mem>>) {add = true}
      %add3A_147 = arith.constant 2 : i32
      %add3A_148 = arith.addi %mul3A_83, %add3A_147 : i32
      %mul3A_149 = arith.constant 80 : i32
      %mul3A_150 = arith.muli %add3A_148, %mul3A_149 : i32
      %dma_wait3A_151 = arith.constant 2 : i32
      %dma_wait3A_152 = arith.constant 2 : i32
      %dma_wait3A_153 = arith.constant 0 : i32
      %dma_wait3A_154 = arith.constant 0 : i32
      %dma_wait3A_155 = tpu.memref_slice %arg9[%dma_wait3A_151, %dma_wait3A_153, %dma_wait3A_154] : memref<5x80x64xbf16, #tpu.memory_space<vmem>> -> memref<1x80x64xbf16, #tpu.memory_space<vmem>>
      %dma_wait3A_156 = tpu.memref_squeeze %dma_wait3A_155 : memref<1x80x64xbf16, #tpu.memory_space<vmem>> -> memref<80x64xbf16, #tpu.memory_space<vmem>>
      %dma_wait3A_157 = tpu.memref_slice %arg7[%mul3A_150] : memref<10000xi32, #tpu.memory_space<vmem>> -> memref<80xi32, #tpu.memory_space<vmem>>
      %dma_wait3A_158 = arith.constant 0 : i32
      %dma_wait3A_159 = arith.constant 0 : i32
      %dma_wait3A_160 = tpu.memref_slice %arg2[%dma_wait3A_158, %dma_wait3A_159] : memref<10000x64xbf16, #tpu.memory_space<hbm>> -> memref<10000x64xbf16, #tpu.memory_space<hbm>>
      %dma_wait3A_161 = tpu.memref_slice %arg10[%dma_wait3A_152] : memref<5x!tpu.dma_semaphore, #tpu.memory_space<semaphore_mem>> -> memref<1x!tpu.dma_semaphore, #tpu.memory_space<semaphore_mem>>
      %dma_wait3A_162 = tpu.memref_squeeze %dma_wait3A_161 : memref<1x!tpu.dma_semaphore, #tpu.memory_space<semaphore_mem>> -> memref<!tpu.dma_semaphore, #tpu.memory_space<semaphore_mem>>
      tpu.wait_indirect_dma semaphore(%dma_wait3A_162 : memref<!tpu.dma_semaphore, #tpu.memory_space<semaphore_mem>>) src(%dma_wait3A_160 : memref<10000x64xbf16, #tpu.memory_space<hbm>>) dst(%dma_wait3A_156 : memref<80x64xbf16, #tpu.memory_space<vmem>>)
      %add3A_163 = arith.constant 2 : i32
      %add3A_164 = arith.addi %mul3A_83, %add3A_163 : i32
      %mul3A_165 = arith.constant 80 : i32
      %mul3A_166 = arith.muli %add3A_164, %mul3A_165 : i32
      %dma_start3A_167 = arith.constant 2 : i32
      %dma_start3A_168 = arith.constant 2 : i32
      %dma_start3A_169 = arith.constant 0 : i32
      %dma_start3A_170 = arith.constant 0 : i32
      %dma_start3A_171 = tpu.memref_slice %arg9[%dma_start3A_167, %dma_start3A_169, %dma_start3A_170] : memref<5x80x64xbf16, #tpu.memory_space<vmem>> -> memref<1x80x64xbf16, #tpu.memory_space<vmem>>
      %dma_start3A_172 = tpu.memref_squeeze %dma_start3A_171 : memref<1x80x64xbf16, #tpu.memory_space<vmem>> -> memref<80x64xbf16, #tpu.memory_space<vmem>>
      %dma_start3A_173 = tpu.memref_slice %arg8[%mul3A_166] : memref<10000xi32, #tpu.memory_space<vmem>> -> memref<80xi32, #tpu.memory_space<vmem>>
      %dma_start3A_174 = arith.constant 0 : i32
      %dma_start3A_175 = arith.constant 0 : i32
      %dma_start3A_176 = tpu.memref_slice %arg6[%dma_start3A_174, %dma_start3A_175] : memref<10000x64xbf16, #tpu.memory_space<vmem_shared>> -> memref<10000x64xbf16, #tpu.memory_space<vmem_shared>>
      %dma_start3A_177 = tpu.memref_slice %arg11[%dma_start3A_168] : memref<5x!tpu.dma_semaphore, #tpu.memory_space<semaphore_mem>> -> memref<1x!tpu.dma_semaphore, #tpu.memory_space<semaphore_mem>>
      %dma_start3A_178 = tpu.memref_squeeze %dma_start3A_177 : memref<1x!tpu.dma_semaphore, #tpu.memory_space<semaphore_mem>> -> memref<!tpu.dma_semaphore, #tpu.memory_space<semaphore_mem>>
      tpu.enqueue_indirect_dma source(%dma_start3A_172 : memref<80x64xbf16, #tpu.memory_space<vmem>>) target(%dma_start3A_176 : memref<10000x64xbf16, #tpu.memory_space<vmem_shared>>) offsets(%dma_start3A_173 : memref<80xi32, #tpu.memory_space<vmem>>) semaphore(%dma_start3A_178 : memref<!tpu.dma_semaphore, #tpu.memory_space<semaphore_mem>>) {add = true}
      %add3A_179 = arith.constant 3 : i32
      %add3A_180 = arith.addi %mul3A_83, %add3A_179 : i32
      %mul3A_181 = arith.constant 80 : i32
      %mul3A_182 = arith.muli %add3A_180, %mul3A_181 : i32
      %dma_wait3A_183 = arith.constant 3 : i32
      %dma_wait3A_184 = arith.constant 3 : i32
      %dma_wait3A_185 = arith.constant 0 : i32
      %dma_wait3A_186 = arith.constant 0 : i32
      %dma_wait3A_187 = tpu.memref_slice %arg9[%dma_wait3A_183, %dma_wait3A_185, %dma_wait3A_186] : memref<5x80x64xbf16, #tpu.memory_space<vmem>> -> memref<1x80x64xbf16, #tpu.memory_space<vmem>>
      %dma_wait3A_188 = tpu.memref_squeeze %dma_wait3A_187 : memref<1x80x64xbf16, #tpu.memory_space<vmem>> -> memref<80x64xbf16, #tpu.memory_space<vmem>>
      %dma_wait3A_189 = tpu.memref_slice %arg7[%mul3A_182] : memref<10000xi32, #tpu.memory_space<vmem>> -> memref<80xi32, #tpu.memory_space<vmem>>
      %dma_wait3A_190 = arith.constant 0 : i32
      %dma_wait3A_191 = arith.constant 0 : i32
      %dma_wait3A_192 = tpu.memref_slice %arg2[%dma_wait3A_190, %dma_wait3A_191] : memref<10000x64xbf16, #tpu.memory_space<hbm>> -> memref<10000x64xbf16, #tpu.memory_space<hbm>>
      %dma_wait3A_193 = tpu.memref_slice %arg10[%dma_wait3A_184] : memref<5x!tpu.dma_semaphore, #tpu.memory_space<semaphore_mem>> -> memref<1x!tpu.dma_semaphore, #tpu.memory_space<semaphore_mem>>
      %dma_wait3A_194 = tpu.memref_squeeze %dma_wait3A_193 : memref<1x!tpu.dma_semaphore, #tpu.memory_space<semaphore_mem>> -> memref<!tpu.dma_semaphore, #tpu.memory_space<semaphore_mem>>
      tpu.wait_indirect_dma semaphore(%dma_wait3A_194 : memref<!tpu.dma_semaphore, #tpu.memory_space<semaphore_mem>>) src(%dma_wait3A_192 : memref<10000x64xbf16, #tpu.memory_space<hbm>>) dst(%dma_wait3A_188 : memref<80x64xbf16, #tpu.memory_space<vmem>>)
      %add3A_195 = arith.constant 3 : i32
      %add3A_196 = arith.addi %mul3A_83, %add3A_195 : i32
      %mul3A_197 = arith.constant 80 : i32
      %mul3A_198 = arith.muli %add3A_196, %mul3A_197 : i32
      %dma_start3A_199 = arith.constant 3 : i32
      %dma_start3A_200 = arith.constant 3 : i32
      %dma_start3A_201 = arith.constant 0 : i32
      %dma_start3A_202 = arith.constant 0 : i32
      %dma_start3A_203 = tpu.memref_slice %arg9[%dma_start3A_199, %dma_start3A_201, %dma_start3A_202] : memref<5x80x64xbf16, #tpu.memory_space<vmem>> -> memref<1x80x64xbf16, #tpu.memory_space<vmem>>
      %dma_start3A_204 = tpu.memref_squeeze %dma_start3A_203 : memref<1x80x64xbf16, #tpu.memory_space<vmem>> -> memref<80x64xbf16, #tpu.memory_space<vmem>>
      %dma_start3A_205 = tpu.memref_slice %arg8[%mul3A_198] : memref<10000xi32, #tpu.memory_space<vmem>> -> memref<80xi32, #tpu.memory_space<vmem>>
      %dma_start3A_206 = arith.constant 0 : i32
      %dma_start3A_207 = arith.constant 0 : i32
      %dma_start3A_208 = tpu.memref_slice %arg6[%dma_start3A_206, %dma_start3A_207] : memref<10000x64xbf16, #tpu.memory_space<vmem_shared>> -> memref<10000x64xbf16, #tpu.memory_space<vmem_shared>>
      %dma_start3A_209 = tpu.memref_slice %arg11[%dma_start3A_200] : memref<5x!tpu.dma_semaphore, #tpu.memory_space<semaphore_mem>> -> memref<1x!tpu.dma_semaphore, #tpu.memory_space<semaphore_mem>>
      %dma_start3A_210 = tpu.memref_squeeze %dma_start3A_209 : memref<1x!tpu.dma_semaphore, #tpu.memory_space<semaphore_mem>> -> memref<!tpu.dma_semaphore, #tpu.memory_space<semaphore_mem>>
      tpu.enqueue_indirect_dma source(%dma_start3A_204 : memref<80x64xbf16, #tpu.memory_space<vmem>>) target(%dma_start3A_208 : memref<10000x64xbf16, #tpu.memory_space<vmem_shared>>) offsets(%dma_start3A_205 : memref<80xi32, #tpu.memory_space<vmem>>) semaphore(%dma_start3A_210 : memref<!tpu.dma_semaphore, #tpu.memory_space<semaphore_mem>>) {add = true}
      %add3A_211 = arith.constant 4 : i32
      %add3A_212 = arith.addi %mul3A_83, %add3A_211 : i32
      %mul3A_213 = arith.constant 80 : i32
      %mul3A_214 = arith.muli %add3A_212, %mul3A_213 : i32
      %dma_wait3A_215 = arith.constant 4 : i32
      %dma_wait3A_216 = arith.constant 4 : i32
      %dma_wait3A_217 = arith.constant 0 : i32
      %dma_wait3A_218 = arith.constant 0 : i32
      %dma_wait3A_219 = tpu.memref_slice %arg9[%dma_wait3A_215, %dma_wait3A_217, %dma_wait3A_218] : memref<5x80x64xbf16, #tpu.memory_space<vmem>> -> memref<1x80x64xbf16, #tpu.memory_space<vmem>>
      %dma_wait3A_220 = tpu.memref_squeeze %dma_wait3A_219 : memref<1x80x64xbf16, #tpu.memory_space<vmem>> -> memref<80x64xbf16, #tpu.memory_space<vmem>>
      %dma_wait3A_221 = tpu.memref_slice %arg7[%mul3A_214] : memref<10000xi32, #tpu.memory_space<vmem>> -> memref<80xi32, #tpu.memory_space<vmem>>
      %dma_wait3A_222 = arith.constant 0 : i32
      %dma_wait3A_223 = arith.constant 0 : i32
      %dma_wait3A_224 = tpu.memref_slice %arg2[%dma_wait3A_222, %dma_wait3A_223] : memref<10000x64xbf16, #tpu.memory_space<hbm>> -> memref<10000x64xbf16, #tpu.memory_space<hbm>>
      %dma_wait3A_225 = tpu.memref_slice %arg10[%dma_wait3A_216] : memref<5x!tpu.dma_semaphore, #tpu.memory_space<semaphore_mem>> -> memref<1x!tpu.dma_semaphore, #tpu.memory_space<semaphore_mem>>
      %dma_wait3A_226 = tpu.memref_squeeze %dma_wait3A_225 : memref<1x!tpu.dma_semaphore, #tpu.memory_space<semaphore_mem>> -> memref<!tpu.dma_semaphore, #tpu.memory_space<semaphore_mem>>
      tpu.wait_indirect_dma semaphore(%dma_wait3A_226 : memref<!tpu.dma_semaphore, #tpu.memory_space<semaphore_mem>>) src(%dma_wait3A_224 : memref<10000x64xbf16, #tpu.memory_space<hbm>>) dst(%dma_wait3A_220 : memref<80x64xbf16, #tpu.memory_space<vmem>>)
      %add3A_227 = arith.constant 4 : i32
      %add3A_228 = arith.addi %mul3A_83, %add3A_227 : i32
      %mul3A_229 = arith.constant 80 : i32
      %mul3A_230 = arith.muli %add3A_228, %mul3A_229 : i32
      %dma_start3A_231 = arith.constant 4 : i32
      %dma_start3A_232 = arith.constant 4 : i32
      %dma_start3A_233 = arith.constant 0 : i32
      %dma_start3A_234 = arith.constant 0 : i32
      %dma_start3A_235 = tpu.memref_slice %arg9[%dma_start3A_231, %dma_start3A_233, %dma_start3A_234] : memref<5x80x64xbf16, #tpu.memory_space<vmem>> -> memref<1x80x64xbf16, #tpu.memory_space<vmem>>
      %dma_start3A_236 = tpu.memref_squeeze %dma_start3A_235 : memref<1x80x64xbf16, #tpu.memory_space<vmem>> -> memref<80x64xbf16, #tpu.memory_space<vmem>>
      %dma_start3A_237 = tpu.memref_slice %arg8[%mul3A_230] : memref<10000xi32, #tpu.memory_space<vmem>> -> memref<80xi32, #tpu.memory_space<vmem>>
      %dma_start3A_238 = arith.constant 0 : i32
      %dma_start3A_239 = arith.constant 0 : i32
      %dma_start3A_240 = tpu.memref_slice %arg6[%dma_start3A_238, %dma_start3A_239] : memref<10000x64xbf16, #tpu.memory_space<vmem_shared>> -> memref<10000x64xbf16, #tpu.memory_space<vmem_shared>>
      %dma_start3A_241 = tpu.memref_slice %arg11[%dma_start3A_232] : memref<5x!tpu.dma_semaphore, #tpu.memory_space<semaphore_mem>> -> memref<1x!tpu.dma_semaphore, #tpu.memory_space<semaphore_mem>>
      %dma_start3A_242 = tpu.memref_squeeze %dma_start3A_241 : memref<1x!tpu.dma_semaphore, #tpu.memory_space<semaphore_mem>> -> memref<!tpu.dma_semaphore, #tpu.memory_space<semaphore_mem>>
      tpu.enqueue_indirect_dma source(%dma_start3A_236 : memref<80x64xbf16, #tpu.memory_space<vmem>>) target(%dma_start3A_240 : memref<10000x64xbf16, #tpu.memory_space<vmem_shared>>) offsets(%dma_start3A_237 : memref<80xi32, #tpu.memory_space<vmem>>) semaphore(%dma_start3A_242 : memref<!tpu.dma_semaphore, #tpu.memory_space<semaphore_mem>>) {add = true}
      %add3A_243 = arith.constant 0 : i32
      %add3A_244 = arith.addi %mul3A_83, %add3A_243 : i32
      %mul3A_245 = arith.constant 80 : i32
      %mul3A_246 = arith.muli %add3A_244, %mul3A_245 : i32
      %dma_wait3A_247 = arith.constant 0 : i32
      %dma_wait3A_248 = arith.constant 0 : i32
      %dma_wait3A_249 = arith.constant 0 : i32
      %dma_wait3A_250 = arith.constant 0 : i32
      %dma_wait3A_251 = tpu.memref_slice %arg9[%dma_wait3A_247, %dma_wait3A_249, %dma_wait3A_250] : memref<5x80x64xbf16, #tpu.memory_space<vmem>> -> memref<1x80x64xbf16, #tpu.memory_space<vmem>>
      %dma_wait3A_252 = tpu.memref_squeeze %dma_wait3A_251 : memref<1x80x64xbf16, #tpu.memory_space<vmem>> -> memref<80x64xbf16, #tpu.memory_space<vmem>>
      %dma_wait3A_253 = tpu.memref_slice %arg8[%mul3A_246] : memref<10000xi32, #tpu.memory_space<vmem>> -> memref<80xi32, #tpu.memory_space<vmem>>
      %dma_wait3A_254 = arith.constant 0 : i32
      %dma_wait3A_255 = arith.constant 0 : i32
      %dma_wait3A_256 = tpu.memref_slice %arg6[%dma_wait3A_254, %dma_wait3A_255] : memref<10000x64xbf16, #tpu.memory_space<vmem_shared>> -> memref<10000x64xbf16, #tpu.memory_space<vmem_shared>>
      %dma_wait3A_257 = tpu.memref_slice %arg11[%dma_wait3A_248] : memref<5x!tpu.dma_semaphore, #tpu.memory_space<semaphore_mem>> -> memref<1x!tpu.dma_semaphore, #tpu.memory_space<semaphore_mem>>
      %dma_wait3A_258 = tpu.memref_squeeze %dma_wait3A_257 : memref<1x!tpu.dma_semaphore, #tpu.memory_space<semaphore_mem>> -> memref<!tpu.dma_semaphore, #tpu.memory_space<semaphore_mem>>
      tpu.wait_indirect_dma semaphore(%dma_wait3A_258 : memref<!tpu.dma_semaphore, #tpu.memory_space<semaphore_mem>>) src(%dma_wait3A_252 : memref<80x64xbf16, #tpu.memory_space<vmem>>) dst(%dma_wait3A_256 : memref<10000x64xbf16, #tpu.memory_space<vmem_shared>>)
      %add3A_259 = arith.constant 1 : i32
      %add3A_260 = arith.addi %scan3A_81, %add3A_259 : i32
      %lt3A_261 = arith.constant 25 : i32
      %lt3A_262 = arith.cmpi slt, %add3A_260, %lt3A_261 : i32
      %convert_element_type3A_263 = arith.extui %lt3A_262 : i1 to i32
      %cond3A_264 = arith.constant 0 : i32
      %cond3A_265 = arith.cmpi ne, %convert_element_type3A_263, %cond3A_264 : i32
      scf.if %cond3A_265 {
        %add3A_358 = arith.constant 5 : i32
        %add3A_359 = arith.addi %mul3A_83, %add3A_358 : i32
        %add3A_360 = arith.constant 0 : i32
        %add3A_361 = arith.addi %add3A_359, %add3A_360 : i32
        %mul3A_362 = arith.constant 80 : i32
        %mul3A_363 = arith.muli %add3A_361, %mul3A_362 : i32
        %dma_start3A_364 = arith.constant 0 : i32
        %dma_start3A_365 = arith.constant 0 : i32
        %dma_start3A_366 = arith.constant 0 : i32
        %dma_start3A_367 = arith.constant 0 : i32
        %dma_start3A_368 = tpu.memref_slice %arg9[%dma_start3A_364, %dma_start3A_366, %dma_start3A_367] : memref<5x80x64xbf16, #tpu.memory_space<vmem>> -> memref<1x80x64xbf16, #tpu.memory_space<vmem>>
        %dma_start3A_369 = tpu.memref_squeeze %dma_start3A_368 : memref<1x80x64xbf16, #tpu.memory_space<vmem>> -> memref<80x64xbf16, #tpu.memory_space<vmem>>
        %dma_start3A_370 = tpu.memref_slice %arg7[%mul3A_363] : memref<10000xi32, #tpu.memory_space<vmem>> -> memref<80xi32, #tpu.memory_space<vmem>>
        %dma_start3A_371 = arith.constant 0 : i32
        %dma_start3A_372 = arith.constant 0 : i32
        %dma_start3A_373 = tpu.memref_slice %arg2[%dma_start3A_371, %dma_start3A_372] : memref<10000x64xbf16, #tpu.memory_space<hbm>> -> memref<10000x64xbf16, #tpu.memory_space<hbm>>
        %dma_start3A_374 = tpu.memref_slice %arg10[%dma_start3A_365] : memref<5x!tpu.dma_semaphore, #tpu.memory_space<semaphore_mem>> -> memref<1x!tpu.dma_semaphore, #tpu.memory_space<semaphore_mem>>
        %dma_start3A_375 = tpu.memref_squeeze %dma_start3A_374 : memref<1x!tpu.dma_semaphore, #tpu.memory_space<semaphore_mem>> -> memref<!tpu.dma_semaphore, #tpu.memory_space<semaphore_mem>>
        tpu.enqueue_indirect_dma source(%dma_start3A_373 : memref<10000x64xbf16, #tpu.memory_space<hbm>>) target(%dma_start3A_369 : memref<80x64xbf16, #tpu.memory_space<vmem>>) offsets(%dma_start3A_370 : memref<80xi32, #tpu.memory_space<vmem>>) semaphore(%dma_start3A_375 : memref<!tpu.dma_semaphore, #tpu.memory_space<semaphore_mem>>)
      } else {
      }
      %add3A_266 = arith.constant 1 : i32
      %add3A_267 = arith.addi %mul3A_83, %add3A_266 : i32
      %mul3A_268 = arith.constant 80 : i32
      %mul3A_269 = arith.muli %add3A_267, %mul3A_268 : i32
      %dma_wait3A_270 = arith.constant 1 : i32
      %dma_wait3A_271 = arith.constant 1 : i32
      %dma_wait3A_272 = arith.constant 0 : i32
      %dma_wait3A_273 = arith.constant 0 : i32
      %dma_wait3A_274 = tpu.memref_slice %arg9[%dma_wait3A_270, %dma_wait3A_272, %dma_wait3A_273] : memref<5x80x64xbf16, #tpu.memory_space<vmem>> -> memref<1x80x64xbf16, #tpu.memory_space<vmem>>
      %dma_wait3A_275 = tpu.memref_squeeze %dma_wait3A_274 : memref<1x80x64xbf16, #tpu.memory_space<vmem>> -> memref<80x64xbf16, #tpu.memory_space<vmem>>
      %dma_wait3A_276 = tpu.memref_slice %arg8[%mul3A_269] : memref<10000xi32, #tpu.memory_space<vmem>> -> memref<80xi32, #tpu.memory_space<vmem>>
      %dma_wait3A_277 = arith.constant 0 : i32
      %dma_wait3A_278 = arith.constant 0 : i32
      %dma_wait3A_279 = tpu.memref_slice %arg6[%dma_wait3A_277, %dma_wait3A_278] : memref<10000x64xbf16, #tpu.memory_space<vmem_shared>> -> memref<10000x64xbf16, #tpu.memory_space<vmem_shared>>
      %dma_wait3A_280 = tpu.memref_slice %arg11[%dma_wait3A_271] : memref<5x!tpu.dma_semaphore, #tpu.memory_space<semaphore_mem>> -> memref<1x!tpu.dma_semaphore, #tpu.memory_space<semaphore_mem>>
      %dma_wait3A_281 = tpu.memref_squeeze %dma_wait3A_280 : memref<1x!tpu.dma_semaphore, #tpu.memory_space<semaphore_mem>> -> memref<!tpu.dma_semaphore, #tpu.memory_space<semaphore_mem>>
      tpu.wait_indirect_dma semaphore(%dma_wait3A_281 : memref<!tpu.dma_semaphore, #tpu.memory_space<semaphore_mem>>) src(%dma_wait3A_275 : memref<80x64xbf16, #tpu.memory_space<vmem>>) dst(%dma_wait3A_279 : memref<10000x64xbf16, #tpu.memory_space<vmem_shared>>)
      %add3A_282 = arith.constant 1 : i32
      %add3A_283 = arith.addi %scan3A_81, %add3A_282 : i32
      %lt3A_284 = arith.constant 25 : i32
      %lt3A_285 = arith.cmpi slt, %add3A_283, %lt3A_284 : i32
      %convert_element_type3A_286 = arith.extui %lt3A_285 : i1 to i32
      %cond3A_287 = arith.constant 0 : i32
      %cond3A_288 = arith.cmpi ne, %convert_element_type3A_286, %cond3A_287 : i32
      scf.if %cond3A_288 {
        %add3A_358 = arith.constant 5 : i32
        %add3A_359 = arith.addi %mul3A_83, %add3A_358 : i32
        %add3A_360 = arith.constant 1 : i32
        %add3A_361 = arith.addi %add3A_359, %add3A_360 : i32
        %mul3A_362 = arith.constant 80 : i32
        %mul3A_363 = arith.muli %add3A_361, %mul3A_362 : i32
        %dma_start3A_364 = arith.constant 1 : i32
        %dma_start3A_365 = arith.constant 1 : i32
        %dma_start3A_366 = arith.constant 0 : i32
        %dma_start3A_367 = arith.constant 0 : i32
        %dma_start3A_368 = tpu.memref_slice %arg9[%dma_start3A_364, %dma_start3A_366, %dma_start3A_367] : memref<5x80x64xbf16, #tpu.memory_space<vmem>> -> memref<1x80x64xbf16, #tpu.memory_space<vmem>>
        %dma_start3A_369 = tpu.memref_squeeze %dma_start3A_368 : memref<1x80x64xbf16, #tpu.memory_space<vmem>> -> memref<80x64xbf16, #tpu.memory_space<vmem>>
        %dma_start3A_370 = tpu.memref_slice %arg7[%mul3A_363] : memref<10000xi32, #tpu.memory_space<vmem>> -> memref<80xi32, #tpu.memory_space<vmem>>
        %dma_start3A_371 = arith.constant 0 : i32
        %dma_start3A_372 = arith.constant 0 : i32
        %dma_start3A_373 = tpu.memref_slice %arg2[%dma_start3A_371, %dma_start3A_372] : memref<10000x64xbf16, #tpu.memory_space<hbm>> -> memref<10000x64xbf16, #tpu.memory_space<hbm>>
        %dma_start3A_374 = tpu.memref_slice %arg10[%dma_start3A_365] : memref<5x!tpu.dma_semaphore, #tpu.memory_space<semaphore_mem>> -> memref<1x!tpu.dma_semaphore, #tpu.memory_space<semaphore_mem>>
        %dma_start3A_375 = tpu.memref_squeeze %dma_start3A_374 : memref<1x!tpu.dma_semaphore, #tpu.memory_space<semaphore_mem>> -> memref<!tpu.dma_semaphore, #tpu.memory_space<semaphore_mem>>
        tpu.enqueue_indirect_dma source(%dma_start3A_373 : memref<10000x64xbf16, #tpu.memory_space<hbm>>) target(%dma_start3A_369 : memref<80x64xbf16, #tpu.memory_space<vmem>>) offsets(%dma_start3A_370 : memref<80xi32, #tpu.memory_space<vmem>>) semaphore(%dma_start3A_375 : memref<!tpu.dma_semaphore, #tpu.memory_space<semaphore_mem>>)
      } else {
      }
      %add3A_289 = arith.constant 2 : i32
      %add3A_290 = arith.addi %mul3A_83, %add3A_289 : i32
      %mul3A_291 = arith.constant 80 : i32
      %mul3A_292 = arith.muli %add3A_290, %mul3A_291 : i32
      %dma_wait3A_293 = arith.constant 2 : i32
      %dma_wait3A_294 = arith.constant 2 : i32
      %dma_wait3A_295 = arith.constant 0 : i32
      %dma_wait3A_296 = arith.constant 0 : i32
      %dma_wait3A_297 = tpu.memref_slice %arg9[%dma_wait3A_293, %dma_wait3A_295, %dma_wait3A_296] : memref<5x80x64xbf16, #tpu.memory_space<vmem>> -> memref<1x80x64xbf16, #tpu.memory_space<vmem>>
      %dma_wait3A_298 = tpu.memref_squeeze %dma_wait3A_297 : memref<1x80x64xbf16, #tpu.memory_space<vmem>> -> memref<80x64xbf16, #tpu.memory_space<vmem>>
      %dma_wait3A_299 = tpu.memref_slice %arg8[%mul3A_292] : memref<10000xi32, #tpu.memory_space<vmem>> -> memref<80xi32, #tpu.memory_space<vmem>>
      %dma_wait3A_300 = arith.constant 0 : i32
      %dma_wait3A_301 = arith.constant 0 : i32
      %dma_wait3A_302 = tpu.memref_slice %arg6[%dma_wait3A_300, %dma_wait3A_301] : memref<10000x64xbf16, #tpu.memory_space<vmem_shared>> -> memref<10000x64xbf16, #tpu.memory_space<vmem_shared>>
      %dma_wait3A_303 = tpu.memref_slice %arg11[%dma_wait3A_294] : memref<5x!tpu.dma_semaphore, #tpu.memory_space<semaphore_mem>> -> memref<1x!tpu.dma_semaphore, #tpu.memory_space<semaphore_mem>>
      %dma_wait3A_304 = tpu.memref_squeeze %dma_wait3A_303 : memref<1x!tpu.dma_semaphore, #tpu.memory_space<semaphore_mem>> -> memref<!tpu.dma_semaphore, #tpu.memory_space<semaphore_mem>>
      tpu.wait_indirect_dma semaphore(%dma_wait3A_304 : memref<!tpu.dma_semaphore, #tpu.memory_space<semaphore_mem>>) src(%dma_wait3A_298 : memref<80x64xbf16, #tpu.memory_space<vmem>>) dst(%dma_wait3A_302 : memref<10000x64xbf16, #tpu.memory_space<vmem_shared>>)
      %add3A_305 = arith.constant 1 : i32
      %add3A_306 = arith.addi %scan3A_81, %add3A_305 : i32
      %lt3A_307 = arith.constant 25 : i32
      %lt3A_308 = arith.cmpi slt, %add3A_306, %lt3A_307 : i32
      %convert_element_type3A_309 = arith.extui %lt3A_308 : i1 to i32
      %cond3A_310 = arith.constant 0 : i32
      %cond3A_311 = arith.cmpi ne, %convert_element_type3A_309, %cond3A_310 : i32
      scf.if %cond3A_311 {
        %add3A_358 = arith.constant 5 : i32
        %add3A_359 = arith.addi %mul3A_83, %add3A_358 : i32
        %add3A_360 = arith.constant 2 : i32
        %add3A_361 = arith.addi %add3A_359, %add3A_360 : i32
        %mul3A_362 = arith.constant 80 : i32
        %mul3A_363 = arith.muli %add3A_361, %mul3A_362 : i32
        %dma_start3A_364 = arith.constant 2 : i32
        %dma_start3A_365 = arith.constant 2 : i32
        %dma_start3A_366 = arith.constant 0 : i32
        %dma_start3A_367 = arith.constant 0 : i32
        %dma_start3A_368 = tpu.memref_slice %arg9[%dma_start3A_364, %dma_start3A_366, %dma_start3A_367] : memref<5x80x64xbf16, #tpu.memory_space<vmem>> -> memref<1x80x64xbf16, #tpu.memory_space<vmem>>
        %dma_start3A_369 = tpu.memref_squeeze %dma_start3A_368 : memref<1x80x64xbf16, #tpu.memory_space<vmem>> -> memref<80x64xbf16, #tpu.memory_space<vmem>>
        %dma_start3A_370 = tpu.memref_slice %arg7[%mul3A_363] : memref<10000xi32, #tpu.memory_space<vmem>> -> memref<80xi32, #tpu.memory_space<vmem>>
        %dma_start3A_371 = arith.constant 0 : i32
        %dma_start3A_372 = arith.constant 0 : i32
        %dma_start3A_373 = tpu.memref_slice %arg2[%dma_start3A_371, %dma_start3A_372] : memref<10000x64xbf16, #tpu.memory_space<hbm>> -> memref<10000x64xbf16, #tpu.memory_space<hbm>>
        %dma_start3A_374 = tpu.memref_slice %arg10[%dma_start3A_365] : memref<5x!tpu.dma_semaphore, #tpu.memory_space<semaphore_mem>> -> memref<1x!tpu.dma_semaphore, #tpu.memory_space<semaphore_mem>>
        %dma_start3A_375 = tpu.memref_squeeze %dma_start3A_374 : memref<1x!tpu.dma_semaphore, #tpu.memory_space<semaphore_mem>> -> memref<!tpu.dma_semaphore, #tpu.memory_space<semaphore_mem>>
        tpu.enqueue_indirect_dma source(%dma_start3A_373 : memref<10000x64xbf16, #tpu.memory_space<hbm>>) target(%dma_start3A_369 : memref<80x64xbf16, #tpu.memory_space<vmem>>) offsets(%dma_start3A_370 : memref<80xi32, #tpu.memory_space<vmem>>) semaphore(%dma_start3A_375 : memref<!tpu.dma_semaphore, #tpu.memory_space<semaphore_mem>>)
      } else {
      }
      %add3A_312 = arith.constant 3 : i32
      %add3A_313 = arith.addi %mul3A_83, %add3A_312 : i32
      %mul3A_314 = arith.constant 80 : i32
      %mul3A_315 = arith.muli %add3A_313, %mul3A_314 : i32
      %dma_wait3A_316 = arith.constant 3 : i32
      %dma_wait3A_317 = arith.constant 3 : i32
      %dma_wait3A_318 = arith.constant 0 : i32
      %dma_wait3A_319 = arith.constant 0 : i32
      %dma_wait3A_320 = tpu.memref_slice %arg9[%dma_wait3A_316, %dma_wait3A_318, %dma_wait3A_319] : memref<5x80x64xbf16, #tpu.memory_space<vmem>> -> memref<1x80x64xbf16, #tpu.memory_space<vmem>>
      %dma_wait3A_321 = tpu.memref_squeeze %dma_wait3A_320 : memref<1x80x64xbf16, #tpu.memory_space<vmem>> -> memref<80x64xbf16, #tpu.memory_space<vmem>>
      %dma_wait3A_322 = tpu.memref_slice %arg8[%mul3A_315] : memref<10000xi32, #tpu.memory_space<vmem>> -> memref<80xi32, #tpu.memory_space<vmem>>
      %dma_wait3A_323 = arith.constant 0 : i32
      %dma_wait3A_324 = arith.constant 0 : i32
      %dma_wait3A_325 = tpu.memref_slice %arg6[%dma_wait3A_323, %dma_wait3A_324] : memref<10000x64xbf16, #tpu.memory_space<vmem_shared>> -> memref<10000x64xbf16, #tpu.memory_space<vmem_shared>>
      %dma_wait3A_326 = tpu.memref_slice %arg11[%dma_wait3A_317] : memref<5x!tpu.dma_semaphore, #tpu.memory_space<semaphore_mem>> -> memref<1x!tpu.dma_semaphore, #tpu.memory_space<semaphore_mem>>
      %dma_wait3A_327 = tpu.memref_squeeze %dma_wait3A_326 : memref<1x!tpu.dma_semaphore, #tpu.memory_space<semaphore_mem>> -> memref<!tpu.dma_semaphore, #tpu.memory_space<semaphore_mem>>
      tpu.wait_indirect_dma semaphore(%dma_wait3A_327 : memref<!tpu.dma_semaphore, #tpu.memory_space<semaphore_mem>>) src(%dma_wait3A_321 : memref<80x64xbf16, #tpu.memory_space<vmem>>) dst(%dma_wait3A_325 : memref<10000x64xbf16, #tpu.memory_space<vmem_shared>>)
      %add3A_328 = arith.constant 1 : i32
      %add3A_329 = arith.addi %scan3A_81, %add3A_328 : i32
      %lt3A_330 = arith.constant 25 : i32
      %lt3A_331 = arith.cmpi slt, %add3A_329, %lt3A_330 : i32
      %convert_element_type3A_332 = arith.extui %lt3A_331 : i1 to i32
      %cond3A_333 = arith.constant 0 : i32
      %cond3A_334 = arith.cmpi ne, %convert_element_type3A_332, %cond3A_333 : i32
      scf.if %cond3A_334 {
        %add3A_358 = arith.constant 5 : i32
        %add3A_359 = arith.addi %mul3A_83, %add3A_358 : i32
        %add3A_360 = arith.constant 3 : i32
        %add3A_361 = arith.addi %add3A_359, %add3A_360 : i32
        %mul3A_362 = arith.constant 80 : i32
        %mul3A_363 = arith.muli %add3A_361, %mul3A_362 : i32
        %dma_start3A_364 = arith.constant 3 : i32
        %dma_start3A_365 = arith.constant 3 : i32
        %dma_start3A_366 = arith.constant 0 : i32
        %dma_start3A_367 = arith.constant 0 : i32
        %dma_start3A_368 = tpu.memref_slice %arg9[%dma_start3A_364, %dma_start3A_366, %dma_start3A_367] : memref<5x80x64xbf16, #tpu.memory_space<vmem>> -> memref<1x80x64xbf16, #tpu.memory_space<vmem>>
        %dma_start3A_369 = tpu.memref_squeeze %dma_start3A_368 : memref<1x80x64xbf16, #tpu.memory_space<vmem>> -> memref<80x64xbf16, #tpu.memory_space<vmem>>
        %dma_start3A_370 = tpu.memref_slice %arg7[%mul3A_363] : memref<10000xi32, #tpu.memory_space<vmem>> -> memref<80xi32, #tpu.memory_space<vmem>>
        %dma_start3A_371 = arith.constant 0 : i32
        %dma_start3A_372 = arith.constant 0 : i32
        %dma_start3A_373 = tpu.memref_slice %arg2[%dma_start3A_371, %dma_start3A_372] : memref<10000x64xbf16, #tpu.memory_space<hbm>> -> memref<10000x64xbf16, #tpu.memory_space<hbm>>
        %dma_start3A_374 = tpu.memref_slice %arg10[%dma_start3A_365] : memref<5x!tpu.dma_semaphore, #tpu.memory_space<semaphore_mem>> -> memref<1x!tpu.dma_semaphore, #tpu.memory_space<semaphore_mem>>
        %dma_start3A_375 = tpu.memref_squeeze %dma_start3A_374 : memref<1x!tpu.dma_semaphore, #tpu.memory_space<semaphore_mem>> -> memref<!tpu.dma_semaphore, #tpu.memory_space<semaphore_mem>>
        tpu.enqueue_indirect_dma source(%dma_start3A_373 : memref<10000x64xbf16, #tpu.memory_space<hbm>>) target(%dma_start3A_369 : memref<80x64xbf16, #tpu.memory_space<vmem>>) offsets(%dma_start3A_370 : memref<80xi32, #tpu.memory_space<vmem>>) semaphore(%dma_start3A_375 : memref<!tpu.dma_semaphore, #tpu.memory_space<semaphore_mem>>)
      } else {
      }
      %add3A_335 = arith.constant 4 : i32
      %add3A_336 = arith.addi %mul3A_83, %add3A_335 : i32
      %mul3A_337 = arith.constant 80 : i32
      %mul3A_338 = arith.muli %add3A_336, %mul3A_337 : i32
      %dma_wait3A_339 = arith.constant 4 : i32
      %dma_wait3A_340 = arith.constant 4 : i32
      %dma_wait3A_341 = arith.constant 0 : i32
      %dma_wait3A_342 = arith.constant 0 : i32
      %dma_wait3A_343 = tpu.memref_slice %arg9[%dma_wait3A_339, %dma_wait3A_341, %dma_wait3A_342] : memref<5x80x64xbf16, #tpu.memory_space<vmem>> -> memref<1x80x64xbf16, #tpu.memory_space<vmem>>
      %dma_wait3A_344 = tpu.memref_squeeze %dma_wait3A_343 : memref<1x80x64xbf16, #tpu.memory_space<vmem>> -> memref<80x64xbf16, #tpu.memory_space<vmem>>
      %dma_wait3A_345 = tpu.memref_slice %arg8[%mul3A_338] : memref<10000xi32, #tpu.memory_space<vmem>> -> memref<80xi32, #tpu.memory_space<vmem>>
      %dma_wait3A_346 = arith.constant 0 : i32
      %dma_wait3A_347 = arith.constant 0 : i32
      %dma_wait3A_348 = tpu.memref_slice %arg6[%dma_wait3A_346, %dma_wait3A_347] : memref<10000x64xbf16, #tpu.memory_space<vmem_shared>> -> memref<10000x64xbf16, #tpu.memory_space<vmem_shared>>
      %dma_wait3A_349 = tpu.memref_slice %arg11[%dma_wait3A_340] : memref<5x!tpu.dma_semaphore, #tpu.memory_space<semaphore_mem>> -> memref<1x!tpu.dma_semaphore, #tpu.memory_space<semaphore_mem>>
      %dma_wait3A_350 = tpu.memref_squeeze %dma_wait3A_349 : memref<1x!tpu.dma_semaphore, #tpu.memory_space<semaphore_mem>> -> memref<!tpu.dma_semaphore, #tpu.memory_space<semaphore_mem>>
      tpu.wait_indirect_dma semaphore(%dma_wait3A_350 : memref<!tpu.dma_semaphore, #tpu.memory_space<semaphore_mem>>) src(%dma_wait3A_344 : memref<80x64xbf16, #tpu.memory_space<vmem>>) dst(%dma_wait3A_348 : memref<10000x64xbf16, #tpu.memory_space<vmem_shared>>)
      %add3A_351 = arith.constant 1 : i32
      %add3A_352 = arith.addi %scan3A_81, %add3A_351 : i32
      %lt3A_353 = arith.constant 25 : i32
      %lt3A_354 = arith.cmpi slt, %add3A_352, %lt3A_353 : i32
      %convert_element_type3A_355 = arith.extui %lt3A_354 : i1 to i32
      %cond3A_356 = arith.constant 0 : i32
      %cond3A_357 = arith.cmpi ne, %convert_element_type3A_355, %cond3A_356 : i32
      scf.if %cond3A_357 {
        %add3A_358 = arith.constant 5 : i32
        %add3A_359 = arith.addi %mul3A_83, %add3A_358 : i32
        %add3A_360 = arith.constant 4 : i32
        %add3A_361 = arith.addi %add3A_359, %add3A_360 : i32
        %mul3A_362 = arith.constant 80 : i32
        %mul3A_363 = arith.muli %add3A_361, %mul3A_362 : i32
        %dma_start3A_364 = arith.constant 4 : i32
        %dma_start3A_365 = arith.constant 4 : i32
        %dma_start3A_366 = arith.constant 0 : i32
        %dma_start3A_367 = arith.constant 0 : i32
        %dma_start3A_368 = tpu.memref_slice %arg9[%dma_start3A_364, %dma_start3A_366, %dma_start3A_367] : memref<5x80x64xbf16, #tpu.memory_space<vmem>> -> memref<1x80x64xbf16, #tpu.memory_space<vmem>>
        %dma_start3A_369 = tpu.memref_squeeze %dma_start3A_368 : memref<1x80x64xbf16, #tpu.memory_space<vmem>> -> memref<80x64xbf16, #tpu.memory_space<vmem>>
        %dma_start3A_370 = tpu.memref_slice %arg7[%mul3A_363] : memref<10000xi32, #tpu.memory_space<vmem>> -> memref<80xi32, #tpu.memory_space<vmem>>
        %dma_start3A_371 = arith.constant 0 : i32
        %dma_start3A_372 = arith.constant 0 : i32
        %dma_start3A_373 = tpu.memref_slice %arg2[%dma_start3A_371, %dma_start3A_372] : memref<10000x64xbf16, #tpu.memory_space<hbm>> -> memref<10000x64xbf16, #tpu.memory_space<hbm>>
        %dma_start3A_374 = tpu.memref_slice %arg10[%dma_start3A_365] : memref<5x!tpu.dma_semaphore, #tpu.memory_space<semaphore_mem>> -> memref<1x!tpu.dma_semaphore, #tpu.memory_space<semaphore_mem>>
        %dma_start3A_375 = tpu.memref_squeeze %dma_start3A_374 : memref<1x!tpu.dma_semaphore, #tpu.memory_space<semaphore_mem>> -> memref<!tpu.dma_semaphore, #tpu.memory_space<semaphore_mem>>
        tpu.enqueue_indirect_dma source(%dma_start3A_373 : memref<10000x64xbf16, #tpu.memory_space<hbm>>) target(%dma_start3A_369 : memref<80x64xbf16, #tpu.memory_space<vmem>>) offsets(%dma_start3A_370 : memref<80xi32, #tpu.memory_space<vmem>>) semaphore(%dma_start3A_375 : memref<!tpu.dma_semaphore, #tpu.memory_space<semaphore_mem>>)
      } else {
      }
    }
    %scan3A_74 = arith.constant 25 : i32
    %barrier3A_75 = arith.constant 0 : index
    tpu.barrier barrier_id(%barrier3A_75)
    %lt3A_76 = arith.constant 5 : i32
    %lt3A_77 = arith.cmpi slt, %arg1, %lt3A_76 : i32
    %convert_element_type3A_78 = arith.extui %lt3A_77 : i1 to i32
    %cond3A_79 = arith.constant 0 : i32
    %cond3A_80 = arith.cmpi ne, %convert_element_type3A_78, %cond3A_79 : i32
    scf.if %cond3A_80 {
      %mul3A_81 = arith.constant 2000 : i32
      %mul3A_82 = arith.muli %arg1, %mul3A_81 : i32
      %mul3A_83 = arith.constant 10000 : i32
      %mul3A_84 = arith.muli %arg0, %mul3A_83 : i32
      %add3A_85 = arith.addi %mul3A_84, %mul3A_82 : i32
      "tpu.region"() ({
        %run_scoped3A_86 = tpu.sem_alloc : memref<!tpu.dma_semaphore, #tpu.memory_space<semaphore_mem>>
        %dma_start3A_87 = arith.constant 0 : i32
        %dma_start3A_88 = tpu.memref_slice %arg5[%add3A_85, %dma_start3A_87] : memref<20000x64xbf16, #tpu.memory_space<hbm>> -> memref<2000x64xbf16, #tpu.memory_space<hbm>>
        %dma_start3A_89 = arith.constant 0 : i32
        %dma_start3A_90 = tpu.memref_slice %arg6[%mul3A_82, %dma_start3A_89] : memref<10000x64xbf16, #tpu.memory_space<vmem_shared>> -> memref<2000x64xbf16, #tpu.memory_space<vmem_shared>>
        tpu.enqueue_dma source(%dma_start3A_90 : memref<2000x64xbf16, #tpu.memory_space<vmem_shared>>) target(%dma_start3A_88 : memref<2000x64xbf16, #tpu.memory_space<hbm>>) target_semaphore(%run_scoped3A_86 : memref<!tpu.dma_semaphore, #tpu.memory_space<semaphore_mem>>)
        %dma_wait3A = arith.constant 0 : i32
        %dma_wait3A_91 = tpu.memref_slice %arg5[%add3A_85, %dma_wait3A] : memref<20000x64xbf16, #tpu.memory_space<hbm>> -> memref<2000x64xbf16, #tpu.memory_space<hbm>>
        %dma_wait3A_92 = arith.constant 0 : i32
        %dma_wait3A_93 = tpu.memref_slice %arg6[%mul3A_82, %dma_wait3A_92] : memref<10000x64xbf16, #tpu.memory_space<vmem_shared>> -> memref<2000x64xbf16, #tpu.memory_space<vmem_shared>>
        tpu.wait_dma2 semaphore(%run_scoped3A_86 : memref<!tpu.dma_semaphore, #tpu.memory_space<semaphore_mem>>) src(%dma_wait3A_93 : memref<2000x64xbf16, #tpu.memory_space<vmem_shared>>) dst(%dma_wait3A_91 : memref<2000x64xbf16, #tpu.memory_space<hbm>>)
        tpu.yield
      }) : () -> ()
    } else {
    }
    return
  }
}

module attributes {stable_mosaic.version = 14 : i64} {
  func.func @_tc1_body(%arg0: memref<10000x128xf32, #tpu.memory_space<vmem>>, %arg1: memref<20000x128xf32, #tpu.memory_space<vmem>>, %arg2: memref<20000x16xf32, #tpu.memory_space<vmem>>, %arg3: memref<128x128xf32, #tpu.memory_space<vmem>>, %arg4: memref<1x128xf32, #tpu.memory_space<vmem>>, %arg5: memref<128x128xf32, #tpu.memory_space<vmem>>, %arg6: memref<64x128xf32, #tpu.memory_space<vmem>>, %arg7: memref<10000x128xf32, #tpu.memory_space<vmem>>, %arg8: memref<10000x64xbf16, #tpu.memory_space<vmem>>) attributes {dimension_semantics = [], scalar_prefetch = 0 : i64, scratch_operands = 0 : i64, tpu.core_type = #tpu.core_type<tc>} {
    %get3A = arith.constant 0 : index
    %get3A_0 = arith.constant 0 : index
    %get3A_1 = vector.load %arg2[%get3A, %get3A_0] : memref<20000x16xf32, #tpu.memory_space<vmem>>, vector<10000x16xf32>
    %get3A_2 = arith.constant 10000 : index
    %get3A_3 = arith.constant 0 : index
    %get3A_4 = vector.load %arg2[%get3A_2, %get3A_3] : memref<20000x16xf32, #tpu.memory_space<vmem>>, vector<10000x16xf32>
    %add3A = arith.addf %get3A_1, %get3A_4 : vector<10000x16xf32>
    %reduce_sum3A = arith.constant dense<0.000000e+00> : vector<10000xf32>
    %reduce_sum3A_5 = vector.multi_reduction <add>, %add3A, %reduce_sum3A [1] : vector<10000x16xf32> to vector<10000xf32>
    %mul3A = arith.constant 6.250000e-02 : f32
    %mul3A_6 = vector.broadcast %mul3A : f32 to vector<10000xf32>
    %mul3A_7 = arith.mulf %reduce_sum3A_5, %mul3A_6 : vector<10000xf32>
    %get3A_8 = arith.constant 0 : index
    %get3A_9 = arith.constant 0 : index
    %get3A_10 = vector.load %arg1[%get3A_8, %get3A_9] : memref<20000x128xf32, #tpu.memory_space<vmem>>, vector<10000x128xf32>
    %get3A_11 = arith.constant 10000 : index
    %get3A_12 = arith.constant 0 : index
    %get3A_13 = vector.load %arg1[%get3A_11, %get3A_12] : memref<20000x128xf32, #tpu.memory_space<vmem>>, vector<10000x128xf32>
    %add3A_14 = arith.addf %get3A_10, %get3A_13 : vector<10000x128xf32>
    %max3A = arith.constant 1.000000e+00 : f32
    %max3A_15 = vector.broadcast %max3A : f32 to vector<10000xf32>
    %max3A_16 = arith.maximumf %mul3A_7, %max3A_15 : vector<10000xf32>
    %broadcast_in_dim3A = vector.shape_cast %max3A_16 : vector<10000xf32> to vector<10000x1xf32>
    %div3A = vector.broadcast %broadcast_in_dim3A : vector<10000x1xf32> to vector<10000x128xf32>
    %div3A_17 = arith.divf %add3A_14, %div3A : vector<10000x128xf32>
    %get3A_18 = arith.constant 0 : index
    %get3A_19 = arith.constant 0 : index
    %get3A_20 = vector.load %arg3[%get3A_18, %get3A_19] : memref<128x128xf32, #tpu.memory_space<vmem>>, vector<128x128xf32>
    %dot_general3A = arith.constant dense<0.000000e+00> : vector<10000x128xf32>
    %dot_general3A_21 = tpu.matmul %div3A_17, %get3A_20, %dot_general3A {dimension_numbers = #tpu.dot_dimension_numbers<[1], [1], [0], [0], [0, 0, 1, 0], [], []>, transpose_lhs_hint = false} : vector<10000x128xf32>, vector<128x128xf32>, vector<10000x128xf32> -> vector<10000x128xf32>
    %get3A_22 = arith.constant 0 : index
    %get3A_23 = arith.constant 0 : index
    %get3A_24 = vector.load %arg4[%get3A_22, %get3A_23] : memref<1x128xf32, #tpu.memory_space<vmem>>, vector<1x128xf32>
    %add3A_25 = vector.broadcast %get3A_24 : vector<1x128xf32> to vector<10000x128xf32>
    %add3A_26 = arith.addf %dot_general3A_21, %add3A_25 : vector<10000x128xf32>
    %get3A_27 = arith.constant 0 : index
    %get3A_28 = arith.constant 0 : index
    %get3A_29 = vector.load %arg0[%get3A_27, %get3A_28] : memref<10000x128xf32, #tpu.memory_space<vmem>>, vector<10000x128xf32>
    %get3A_30 = arith.constant 0 : index
    %get3A_31 = arith.constant 0 : index
    %get3A_32 = vector.load %arg5[%get3A_30, %get3A_31] : memref<128x128xf32, #tpu.memory_space<vmem>>, vector<128x128xf32>
    %dot_general3A_33 = arith.constant dense<0.000000e+00> : vector<10000x128xf32>
    %dot_general3A_34 = tpu.matmul %get3A_29, %get3A_32, %dot_general3A_33 {dimension_numbers = #tpu.dot_dimension_numbers<[1], [1], [0], [0], [0, 0, 1, 0], [], []>, transpose_lhs_hint = false} : vector<10000x128xf32>, vector<128x128xf32>, vector<10000x128xf32> -> vector<10000x128xf32>
    %add3A_35 = arith.addf %add3A_26, %dot_general3A_34 : vector<10000x128xf32>
    %max3A_36 = arith.constant 0.000000e+00 : f32
    %max3A_37 = vector.broadcast %max3A_36 : f32 to vector<10000x128xf32>
    %max3A_38 = arith.maximumf %add3A_35, %max3A_37 : vector<10000x128xf32>
    %swap3A = arith.constant 0 : index
    %swap3A_39 = arith.constant 0 : index
    %swap3A_40 = vector.load %arg7[%swap3A, %swap3A_39] : memref<10000x128xf32, #tpu.memory_space<vmem>>, vector<10000x128xf32>
    tpu.vector_store %arg7[%swap3A, %swap3A_39], %max3A_38 {strides = array<i32>} : memref<10000x128xf32, #tpu.memory_space<vmem>>, vector<10000x128xf32>,
    %get3A_41 = arith.constant 0 : index
    %get3A_42 = arith.constant 0 : index
    %get3A_43 = vector.load %arg6[%get3A_41, %get3A_42] : memref<64x128xf32, #tpu.memory_space<vmem>>, vector<64x128xf32>
    %dot_general3A_44 = arith.constant dense<0.000000e+00> : vector<10000x64xf32>
    %dot_general3A_45 = tpu.matmul %max3A_38, %get3A_43, %dot_general3A_44 {dimension_numbers = #tpu.dot_dimension_numbers<[1], [1], [0], [0], [0, 0, 1, 0], [], []>, transpose_lhs_hint = false} : vector<10000x128xf32>, vector<64x128xf32>, vector<10000x64xf32> -> vector<10000x64xf32>
    %convert_element_type3A = arith.truncf %dot_general3A_45 : vector<10000x64xf32> to vector<10000x64xbf16>
    %swap3A_46 = arith.constant 0 : index
    %swap3A_47 = arith.constant 0 : index
    %swap3A_48 = vector.load %arg8[%swap3A_46, %swap3A_47] : memref<10000x64xbf16, #tpu.memory_space<vmem>>, vector<10000x64xbf16>
    tpu.vector_store %arg8[%swap3A_46, %swap3A_47], %convert_element_type3A {strides = array<i32>} : memref<10000x64xbf16, #tpu.memory_space<vmem>>, vector<10000x64xbf16>,
    return
  }
}

module attributes {stable_mosaic.version = 14 : i64} {
  func.func @_tc2_body(%arg0: memref<20000x64xbf16, #tpu.memory_space<vmem>>, %arg1: memref<20000x16xf32, #tpu.memory_space<vmem>>, %arg2: memref<10000x128xf32, #tpu.memory_space<vmem>>, %arg3: memref<64x128xf32, #tpu.memory_space<vmem>>, %arg4: memref<1x64xf32, #tpu.memory_space<vmem>>, %arg5: memref<10000x64xf32, #tpu.memory_space<vmem>>) attributes {dimension_semantics = [], scalar_prefetch = 0 : i64, scratch_operands = 0 : i64, tpu.core_type = #tpu.core_type<tc>} {
    %get3A = arith.constant 0 : index
    %get3A_0 = arith.constant 0 : index
    %get3A_1 = vector.load %arg1[%get3A, %get3A_0] : memref<20000x16xf32, #tpu.memory_space<vmem>>, vector<10000x16xf32>
    %get3A_2 = arith.constant 10000 : index
    %get3A_3 = arith.constant 0 : index
    %get3A_4 = vector.load %arg1[%get3A_2, %get3A_3] : memref<20000x16xf32, #tpu.memory_space<vmem>>, vector<10000x16xf32>
    %add3A = arith.addf %get3A_1, %get3A_4 : vector<10000x16xf32>
    %reduce_sum3A = arith.constant dense<0.000000e+00> : vector<10000xf32>
    %reduce_sum3A_5 = vector.multi_reduction <add>, %add3A, %reduce_sum3A [1] : vector<10000x16xf32> to vector<10000xf32>
    %mul3A = arith.constant 6.250000e-02 : f32
    %mul3A_6 = vector.broadcast %mul3A : f32 to vector<10000xf32>
    %mul3A_7 = arith.mulf %reduce_sum3A_5, %mul3A_6 : vector<10000xf32>
    %get3A_8 = arith.constant 0 : index
    %get3A_9 = arith.constant 0 : index
    %get3A_10 = vector.load %arg0[%get3A_8, %get3A_9] : memref<20000x64xbf16, #tpu.memory_space<vmem>>, vector<10000x64xbf16>
    %convert_element_type3A = arith.extf %get3A_10 : vector<10000x64xbf16> to vector<10000x64xf32>
    %get3A_11 = arith.constant 10000 : index
    %get3A_12 = arith.constant 0 : index
    %get3A_13 = vector.load %arg0[%get3A_11, %get3A_12] : memref<20000x64xbf16, #tpu.memory_space<vmem>>, vector<10000x64xbf16>
    %convert_element_type3A_14 = arith.extf %get3A_13 : vector<10000x64xbf16> to vector<10000x64xf32>
    %add3A_15 = arith.addf %convert_element_type3A, %convert_element_type3A_14 : vector<10000x64xf32>
    %max3A = arith.constant 1.000000e+00 : f32
    %max3A_16 = vector.broadcast %max3A : f32 to vector<10000xf32>
    %max3A_17 = arith.maximumf %mul3A_7, %max3A_16 : vector<10000xf32>
    %broadcast_in_dim3A = vector.shape_cast %max3A_17 : vector<10000xf32> to vector<10000x1xf32>
    %div3A = vector.broadcast %broadcast_in_dim3A : vector<10000x1xf32> to vector<10000x64xf32>
    %div3A_18 = arith.divf %add3A_15, %div3A : vector<10000x64xf32>
    %get3A_19 = arith.constant 0 : index
    %get3A_20 = arith.constant 0 : index
    %get3A_21 = vector.load %arg4[%get3A_19, %get3A_20] : memref<1x64xf32, #tpu.memory_space<vmem>>, vector<1x64xf32>
    %add3A_22 = vector.broadcast %get3A_21 : vector<1x64xf32> to vector<10000x64xf32>
    %add3A_23 = arith.addf %div3A_18, %add3A_22 : vector<10000x64xf32>
    %get3A_24 = arith.constant 0 : index
    %get3A_25 = arith.constant 0 : index
    %get3A_26 = vector.load %arg2[%get3A_24, %get3A_25] : memref<10000x128xf32, #tpu.memory_space<vmem>>, vector<10000x128xf32>
    %get3A_27 = arith.constant 0 : index
    %get3A_28 = arith.constant 0 : index
    %get3A_29 = vector.load %arg3[%get3A_27, %get3A_28] : memref<64x128xf32, #tpu.memory_space<vmem>>, vector<64x128xf32>
    %dot_general3A = arith.constant dense<0.000000e+00> : vector<10000x64xf32>
    %dot_general3A_30 = tpu.matmul %get3A_26, %get3A_29, %dot_general3A {dimension_numbers = #tpu.dot_dimension_numbers<[1], [1], [0], [0], [0, 0, 1, 0], [], []>, transpose_lhs_hint = false} : vector<10000x128xf32>, vector<64x128xf32>, vector<10000x64xf32> -> vector<10000x64xf32>
    %add3A_31 = arith.addf %add3A_23, %dot_general3A_30 : vector<10000x64xf32>
    %swap3A = arith.constant 0 : index
    %swap3A_32 = arith.constant 0 : index
    %swap3A_33 = vector.load %arg5[%swap3A, %swap3A_32] : memref<10000x64xf32, #tpu.memory_space<vmem>>, vector<10000x64xf32>
    tpu.vector_store %arg5[%swap3A, %swap3A_32], %add3A_31 {strides = array<i32>} : memref<10000x64xf32, #tpu.memory_space<vmem>>, vector<10000x64xf32>,
    return
  }
}

</mosaic_0001>

<sc_bundles>
// kernel: kernel.6.cloned.1.call-start
scs
__scs_entry_jumppad:
0x0: {  	(pc) =	sbr.rel $0x88, $3  }
0x1: {  	(tag) =	ssettag $0x0;
	lr =	simm.s32 $0x1  }
0x2: {  	[smem:$0x3F99] =	sst lr;
	_ =	strace $0xD0000000  }
0x3: {  	_ = 	snop  }
0x4: {  	_ = 	snop  }
0x5: {  	_ = 	snop  }
0x6: {  	_ = 	snop  }
0x7: {  	_ = 	snop  }
__scs_overlays_trampoline_lowered:
0x8: {  	[smem:$0x3FA8] =	sst s0  }
0x9: {  	[smem:$0x3FA9] =	sst s1  }
0xa: {  	[smem:$0x3FAA] =	sst s2  }
0xb: {  	[smem:$0x3FAB] =	sst s3  }
0xc: {  	[smem:$0x3FAC] =	sst s4  }
0xd: {  	[smem:$0x3FAD] =	sst s5  }
0xe: {  	[smem:$0x3FAE] =	sst s6  }
0xf: {  	[smem:$0x3FAF] =	sst s7  }
0x10: {  	[smem:$0x3FB0] =	sst s8  }
0x11: {  	[smem:$0x3FB1] =	sst s9;
	s0 =	simm.s32 @!p0 $0x0  }
0x12: {  	s1 =	sld [smem:$0x3F97];
	s0 =	simm.s32 @p0 $0x1  }
0x13: {  	[smem:$0x3FB2] =	sst s0;
	s0 =	simm.s32 @!p1 $0x0  }
0x14: {  	s2 =	sld [smem:$0x3F96];
	s0 =	simm.s32 @p1 $0x1  }
0x15: {  	[smem:$0x3FB3] =	sst s0;
	s0 =	simm.s32 @!p2 $0x0  }
0x16: {  	s3 =	sld [smem:$0x3FDB];
	s0 =	simm.s32 @p2 $0x1  }
0x17: {  	s4 =	simm.s32 $0x1BF5;
	[smem:$0x3FB5] =	sst s0  }
0x18: {  	s0 =	sld [smem:$0x3F98];
	_ =	swait.ge [sflag:s4], $0x0  }
0x19: {  	s7 =	sld [smem:$0x3F99]  }
0x1a: {  	s8 =	sadd.s32 $0xFFFFE003, lr  }
0x1b: {  	s9 =	sadd.s32 $0xFFFFFEF7, lr;
	s5 =	simm.s32 $0xFFFFFFFF;
	p2 =	slt.u32 s8, $0xFFFFF086  }
0x1c: {  	p1 =	slt.u32 s9, $0xF7A;
	s5 =	simm.s32 @!p2 $0x0  }
0x1d: {  	s5 =	simm.s32 @p1 $0x1;
	p0 =	seq.s32 s7, s2  }
0x1e: {  	s7 =	smul.u32 @!p0 $0xF7A, s2;
	p2 =	seq.s32 @!p0 s5, $0x0  }
0x1f: {  	s9 =	smul.u32 $0xF7A, s1;
	s8 =	simm.s32 @!p0 $0x1BF5;
	p2 =	por !p2, p0  }
0x20: {  	[sflag:s8] =	ssyncset.s32 @!p0 $0xFFFFF086;
	s6 =	sadd.s32 @!p0 s3, s7;
	s7 =	simm.s32 @!p0 $0x108  }
0x21: {  	s3 =	sadd.s32 s3, s9;
	s6 =	sadd.s32 @!p0 $0x88, s6;
	s7 =	simm.s32 @p2 $0x1082  }
0x22: {  	[simem:s7], [sflag:s8] =	dma.local @!p0 [hbm:s6], $0xF7A  }
0x23: {  	s9 =	sor.u32 $0xD0000000, s2;
	s6 =	simm.s32 $0x108;
	_ =	swait.ge @!p0 [sflag:s8], $0x0  }
0x24: {  	s3 =	sadd.s32 $0x88, s3;
	s6 =	simm.s32 @!p1 $0x1082;
	[sflag:s4] =	ssyncset.s32 $0xFFFFF086  }
0x25: {  	[simem:s6], [sflag:s4] =	dma.local [hbm:s3], $0xF7A  }
0x26: {  	[smem:$0x3F99] =	sst s1;
	(tag) =	ssettag s2;
	_ =	strace s9  }
0x27: {  	s1 =	sld [smem:$0x3FA9]  }
0x28: {  	s2 =	sld [smem:$0x3FAA]  }
0x29: {  	s4 =	sld [smem:$0x3FAC]  }
0x2a: {  	p0 =	seq.s32 s5, $0x0;
	s5 =	sld [smem:$0x3FAD]  }
0x2b: {  	s6 =	sld [smem:$0x3FAE]  }
0x2c: {  	s7 =	sld [smem:$0x3FAF]  }
0x2d: {  	s3 =	simm.s32 $0x108;
	s8 =	sld [smem:$0x3FB0]  }
0x2e: {  	s3 =	simm.s32 @!p0 $0x1082;
	s9 =	sld [smem:$0x3FB1]  }
0x2f: {  	lr =	sadd.s32 s0, s3;
	s0 =	sld [smem:$0x3FA8]  }
0x30: {  	s3 =	sld [smem:$0x3FAB]  }
0x31: {  	[smem:$0x3FB4] =	sst s10  }
0x32: {  	s10 =	sld [smem:$0x3FB2];
	_ =	sdelay $0x3  }
0x33: {  	p0 =	seq.s32 s10, $0x1;
	s10 =	sld [smem:$0x3FB4];
	_ =	sdelay $0x3  }
0x34: {  	[smem:$0x3FB4] =	sst s10  }
0x35: {  	s10 =	sld [smem:$0x3FB3];
	_ =	sdelay $0x3  }
0x36: {  	p1 =	seq.s32 s10, $0x1;
	s10 =	sld [smem:$0x3FB4];
	_ =	sdelay $0x3  }
0x37: {  	[smem:$0x3FB4] =	sst s10  }
0x38: {  	s10 =	sld [smem:$0x3FB5]  }
0x39: {  	_ = 	snop;
	(pc) =	sbr.ind lr, $3  }
0x3a: {  	_ = 	snop  }
0x3b: {  	_ = 	snop  }
0x3c: {  	p2 =	seq.s32 s10, $0x1;
	s10 =	sld [smem:$0x3FB4]  }
0x3d: {  	_ =	shalt  }
0x3e: {  	_ =	shalt  }
0x3f: {  	_ =	shalt  }
0x40: {  	_ =	shalt  }
0x41: {  	_ =	shalt  }
0x42: {  	_ =	shalt  }
0x43: {  	_ =	shalt  }
0x44: {  	_ =	shalt  }
0x45: {  	_ =	shalt  }
0x46: {  	_ =	shalt  }
0x47: {  	_ =	shalt  }
0x48: {  	_ =	shalt  }
0x49: {  	_ =	shalt  }
0x4a: {  	_ =	shalt  }
0x4b: {  	_ =	shalt  }
0x4c: {  	_ =	shalt  }
0x4d: {  	_ =	shalt  }
0x4e: {  	_ =	shalt  }
0x4f: {  	_ =	shalt  }
0x50: {  	_ =	shalt  }
0x51: {  	_ =	shalt  }
0x52: {  	_ =	shalt  }
0x53: {  	_ =	shalt  }
0x54: {  	_ =	shalt  }
0x55: {  	_ =	shalt  }
0x56: {  	_ =	shalt  }
0x57: {  	_ =	shalt  }
0x58: {  	_ =	shalt  }
0x59: {  	_ =	shalt  }
0x5a: {  	_ =	shalt  }
0x5b: {  	_ =	shalt  }
0x5c: {  	_ =	shalt  }
0x5d: {  	_ =	shalt  }
0x5e: {  	_ =	shalt  }
0x5f: {  	_ =	shalt  }
0x60: {  	_ =	shalt  }
0x61: {  	_ =	shalt  }
0x62: {  	_ =	shalt  }
0x63: {  	_ =	shalt  }
0x64: {  	_ =	shalt  }
0x65: {  	_ =	shalt  }
0x66: {  	_ =	shalt  }
0x67: {  	_ =	shalt  }
0x68: {  	_ =	shalt  }
0x69: {  	_ =	shalt  }
0x6a: {  	_ =	shalt  }
0x6b: {  	_ =	shalt  }
0x6c: {  	_ =	shalt  }
0x6d: {  	_ =	shalt  }
0x6e: {  	_ =	shalt  }
0x6f: {  	_ =	shalt  }
0x70: {  	_ =	shalt  }
0x71: {  	_ =	shalt  }
0x72: {  	_ =	shalt  }
0x73: {  	_ =	shalt  }
0x74: {  	_ =	shalt  }
0x75: {  	_ =	shalt  }
0x76: {  	_ =	shalt  }
0x77: {  	_ =	shalt  }
0x78: {  	_ =	shalt  }
0x79: {  	_ =	shalt  }
0x7a: {  	_ =	shalt  }
0x7b: {  	_ =	shalt  }
0x7c: {  	_ =	shalt  }
0x7d: {  	_ =	shalt  }
0x7e: {  	_ =	shalt  }
0x7f: {  	_ =	shalt  }
0x80: {  	_ =	shalt  }
0x81: {  	_ =	shalt  }
0x82: {  	_ =	shalt  }
0x83: {  	_ =	shalt  }
0x84: {  	_ =	shalt  }
0x85: {  	_ =	shalt  }
0x86: {  	_ =	shalt  }
0x87: {  	_ =	shalt  }
.Lfunc_end0:
.L_simem_size_0:
called_computation_lowered:
.L_overlay_start_0:
0x88: {  	s2 =	sld [smem:$0x3FD9]  }
0x89: {  	s3 =	sld [smem:$0x3FFE];
	_ =	sdelay $0x1  }
0x8a: {  	s1 =	srdreg.scid  }
0x8b: {  	s0 =	sand.u32 $0x1, s1  }
0x8c: {  	s17 =	sshll.u32 s0, $0xA;
	s2 =	sadd.s32 s3, s2  }
0x8d: {  	s2 =	sadd.s32 s2, s17  }
0x8e: {  	[smem:$0x3FC0] =	sst s2  }
0x8f: {  	_ = 	snop  }
0x90: {  	s2 =	sld [smem:$0x3FC9]  }
0x91: {  	s18 =	sld [smem:$0x3FD0];
	(tm) =	ssettm $0x1  }
0x92: {  	s4 =	sld [smem:$0x3FFB];
	_ =	sdelay $0x3  }
0x93: {  	_ =	strace s4  }
0x94: {  	s4 =	sld [smem:$0x3FFC];
	_ =	sdelay $0x3  }
0x95: {  	_ =	strace s4  }
0x96: {  	s4 =	sld [smem:$0x3FFD];
	_ =	sdelay $0x3  }
0x97: {  	_ =	strace s4  }
0x98: {  	_ =	strace $0x8FFFFFFF  }
0x99: {  	s19 =	sld [smem:$0x3FDB];
	_ =	sdelay $0x1  }
0x9a: {  	s5 =	simm.s32 $_scs_section_size  }
0x9b: {  	s6 =	simm.s32 $_size__tile_overlayer_lowered;
	s7 =	simm.s32 $_tile_overlayer_lowered  }
0x9c: {  	s22 =	simm.s32 $0x1BFF;
	s21 =	sshll.u32 s7, $0x1;
	s4 =	sadd.s32 s5, s19  }
0x9d: {  	s8 =	simm.s32 $0x0;
	s20 =	sshll.u32 s6, $0x1;
	s6 =	sadd.s32 s21, s4  }
0x9e: {  	[timem:s8], [sflag:s22] =	dma.local [hbm:s6], s20  }
0x9f: {  	_ =	swait.ge [sflag:s22], s20  }
0xa0: {  	s5 =	ssub.s32 $0x0, s20;
	[sflag:s22] =	ssyncset.done $0x0  }
0xa1: {  	[sflag:s22] =	ssyncadd.s32 s5;
	_ =	sdelay $0x1  }
0xa2: {  	s23 =	simm.s32 $0x1B8B  }
0xa3: {  	_ =	swait.ge [sflag:s23], $0x1  }
0xa4: {  	[sflag:s23] =	ssyncset.done $0x0  }
0xa5: {  	s25 =	simm.s32 $0x1B8E;
	s24 =	sld [smem:$0x3FFE];
	[sflag:s23] =	ssyncadd.s32 $0xFFFFFFFF  }
0xa6: {  	s26 =	simm.s32 $execute0_lowered;
	[smem:$0x3FD2] =	sst s25  }
0xa7: {  	s6 =	sshll.u32 s26, $0x1;
	_ =	strace $0x80000046;
	[dreg:$0x1] =	wrdreg $0xFFFFFFFF  }
0xa8: {  	s28 =	simm.s32 $_size_execute0_lowered;
	s4 =	sadd.s32 s4, s6;
	[dreg:$0x0] =	wrdreg $0x0  }
0xa9: {  	s6 =	sshll.u32 s28, $0x1;
	[dreg:$0x2] =	wrdreg s4  }
0xaa: {  	[dreg:$0x3] =	wrdreg s6  }
0xab: {  	[dreg:$0x4] =	wrdreg $0xC0  }
0xac: {  	_ =	task [dreg:s8], $0x5FFFF  }
0xad: {  	[dreg:$0x1] =	wrdreg $0xFFFFFFFF  }
0xae: {  	[dreg:$0x0] =	wrdreg $0x60  }
0xaf: {  	[dreg:$0x2] =	wrdreg s2  }
0xb0: {  	[dreg:$0x3] =	wrdreg s18  }
0xb1: {  	[dreg:$0x4] =	wrdreg s24  }
0xb2: {  	[dreg:$0x5] =	wrdreg $0x0  }
0xb3: {  	[dreg:$0x6] =	wrdreg $0x138800  }
0xb4: {  	[dreg:$0x7] =	wrdreg $0x9  }
0xb5: {  	_ =	task.clear_ibuf [dreg:s8], $0x8FFFF;
	_ =	strace $0x90000046  }
0xb6: {  	s29 =	simm.s32 $0x9;
	_ =	strace $0x80000048  }
0xb7: {  	_ =	swait.ge [sflag:s29], $0x1  }
0xb8: {  	[sflag:s29] =	ssyncadd.s32 $0xFFFFFFFF  }
0xb9: {  	_ =	strace $0x90000048  }
0xba: {  	_ =	sfence  }
0xbb: {  	s30 =	sld [smem:$0x0];
	_ =	sdelay $0x2  }
0xbc: {  	s31 =	sshll.u32 s1, $0xD;
	s1 =	sshrl.u32 s1, $0x2  }
0xbd: {  	s3 =	sand.u32 $0x4000, s31;
	s1 =	sadd.s32 s1, s30  }
0xbe: {  	s0 =	sor.u32 s3, s0;
	s1 =	sshll.u32 s1, $0x11  }
0xbf: {  	s0 =	sor.u32 s1, s0  }
0xc0: {  	s0 =	sadd.s32 $0x8F2B, s0  }
0xc1: {  	[sflag:s0] =	ssyncadd.remote.s32 $0x1  }
0xc2: {  	_ =	sfence.sel $0xFFFF  }
0xc3: {  	[dreg:$0x0] =	wrdreg $0xFFFFFFFF;
	(pc) =	sbr.abs _section_cstart, $3  }
0xc4: {  	[dreg:$0x1] =	wrdreg $0xFFFFFFFF  }
0xc5: {  	_ =	task.clear_ibuf [dreg:s8], $0x2FFFF;
	_ =	strace $0x9FFFFFFF  }
0xc6: {  	(tm) =	ssettm $0x7FFFFFFF  }
0xc7: {  	_ =	shalt  }
tec
execute0_lowered:
.L_overlay_start_1:
0x0: {  	(tag) =	ssettag $0x1  }
0x1: {  	s0 =	rddreg [dreg:$0x0]  }
0x2: {  	s13 =	rddreg [dreg:$0x1]  }
0x3: {  	s1 =	rddreg [dreg:$0x2]  }
0x4: {  	s4 =	rddreg [dreg:$0x3];
	s2 =	srdreg.scid  }
0x5: {  	s12 =	stileid.u32;
	s5 =	rddreg [dreg:$0x4];
	s7 =	simm.s32 $0x0  }
0x6: {  	s31 =	simm.s32 $0x18830;
	s14 =	simm.s32 $0x1B030;
	s28 =	simm.s32 $0x1D830  }
0x7: {  	s30 =	simm.s32 $0x1;
	s15 =	simm.s32 $0xC;
	s3 =	smul.u32 $0x7D0, s12  }
0x8: {  	s2 =	sand.u32 $0x1, s2;
	[smem:$0x7FF] =	sst s7;
	s9 =	smul.u32 $0xFA000, s12  }
0x9: {  	s16 =	sadd.s32 $0x2200, s1;
	s17 =	sadd.s32 $0xA000, s1;
	s19 =	smul.u32 $0x1F400, s12  }
0xa: {  	s8 =	sshll.u32 s12, $0x1;
	s23 =	smul.u32 $0x4E20, s12;
	p0 =	sgt.u32 s12, $0x4  }
0xb: {  	s6 =	smul.u32 $0x2710, s2;
	_ =	strace $0x80000047;
	[dreg:$0x6] =	wrdreg s16  }
0xc: {  	[dreg:$0x7] =	wrdreg s17;
	s10 =	ssub.s32 $0x2, s2;
	s2 =	sor.u32 s2, s8  }
0xd: {  	s11 =	sshrl.u32 s10, $0x1;
	s2 =	smul.u32 $0x2710, s2;
	s9 =	sshrl.u32 s9, $0x2  }
0xe: {  	s8 =	sshrl.u32 s19, $0x2;
	s19 =	simm.s32 $0xE;
	s3 =	sadd.s32 s3, s6  }
0xf: {  	s20 =	ssub.s32 s10, s11;
	s9 =	sadd.s32 s9, s4;
	s8 =	sadd.s32 s8, s5  }
0x10: {  	s25 =	sadd.s32 s6, s23;
	s10 =	simm.s32 $0x3;
	s6 =	simm.s32 $0x0  }
0x11: {  	s18 =	sshll.u32 s3, $0x4;
	s3 =	sshll.u32 s3, $0x1;
	s21 =	sshrl.u32 s2, $0x3  }
0x12: {  	s2 =	sadd.s32 $0xC8, s2;
	s26 =	sadd.s32 $0x258, s25;
	s29 =	sadd.s32 $0x190, s25  }
0x13: {  	s23 =	sshrl.u32 @!p0 s9, $0x3;
	s25 =	simm.s32 $0x28;
	s9 =	simm.s32 $0x19C30  }
0x14: {  	s7 =	sadd.s32 s18, s1;
	s1 =	sadd.s32 s3, s1;
	[dreg:$0xf] =	wrdreg s29  }
0x15: {  	s22 =	sadd.s32 s13, s21;
	s2 =	sshrl.u32 s2, $0x3;
	[dreg:$0x11] =	wrdreg s23  }
0x16: {  	s3 =	smax.u32 s20, $0x1;
	s21 =	simm.s32 $0xD;
	[dreg:$0x8] =	wrdreg s22  }
0x17: {  	s18 =	simm.s32 $0x9;
	s11 =	sadd.s32 $0x9C40, s22;
	[dreg:$0xd] =	wrdreg s3  }
0x18: {  	s2 =	sadd.s32 s13, s2;
	s24 =	sadd.s32 $0x14E00, s7;
	[dreg:$0x9] =	wrdreg s11  }
0x19: {  	s1 =	sadd.s32 $0xB000, s1;
	s3 =	sshll.u32 @!p0 s12, $0x6;
	[dreg:$0xa] =	wrdreg s2  }
0x1a: {  	s7 =	simm.s32 $0x1EC30;
	s12 =	simm.s32 $0x5;
	[dreg:$0xb] =	wrdreg s24  }
.Ltmp0:
0x1b: {  	s22 =	simm.s32 $0x7;
	[dreg:$0xc] =	wrdreg s1;
	(pc) =	sbr.rel .LBB2_1-.Ltmp0, $4  }
0x1c: {  	s1 =	sshrl.u32 s26, $0x3;
	s20 =	sor.u32 @!p0 $0x1C12, s3;
	s24 =	sshrl.u32 @!p0 s8, $0x3  }
0x1d: {  	s8 =	simm.s32 $0x2;
	s11 =	simm.s32 $0x4;
	[dreg:$0x10] =	wrdreg s20  }
0x1e: {  	s2 =	simm.s32 $0xA;
	s1 =	sadd.s32 s1, s13;
	[dreg:$0x12] =	wrdreg s24  }
0x1f: {  	v0 =	vimm.f32 $1.000000000e+00;
	s3 =	simm.s32 $0xF;
	[dreg:$0xe] =	wrdreg s1;
	s1 =	simm.s32 $0x1C430  }
.LBB2_4:
0x20: {  	_ =	swait.ge [sflag:s2], $0x1400  }
0x21: {  	[sflag:s2] =	ssyncset.done $0x0  }
0x22: {  	[sflag:s2] =	ssyncadd.s32 $0xFFFFEC00  }
0x23: {  	_ =	swait.ge [sflag:s3], $0x280  }
0x24: {  	[sflag:s3] =	ssyncset.done $0x0  }
0x25: {  	[sflag:s3] =	ssyncadd.s32 $0xFFFFFD80  }
0x26: {  	[bflag:$0x0] =	sbarrier.arrive $0xFFFF  }
0x27: {  	s16 =	rddreg [dreg:$0xb]  }
0x28: {  	s20 =	rddreg [dreg:$0x10]  }
0x29: {  	s23 =	rddreg [dreg:$0x11]  }
0x2a: {  	[hbm:s16], [sflag:s20] =	dma.local @!p0 [spmem:s23], $0x7D00  }
0x2b: {  	s16 =	simm.s32 @!p0 $0x12  }
0x2c: {  	_ =	swait.ge @!p0 [sflag:s16], $0x7D00  }
0x2d: {  	[sflag:s16] =	ssyncset.done @!p0 $0x0;
	s17 =	rddreg [dreg:$0xc]  }
0x2e: {  	s24 =	rddreg [dreg:$0x12];
	[sflag:s16] =	ssyncadd.s32 @!p0 $0xFFFF8300  }
0x2f: {  	[hbm:s17], [sflag:s20] =	dma.local @!p0 [spmem:s24], $0xFA0  }
0x30: {  	_ =	swait.ge @!p0 [sflag:s16], $0xFA0  }
0x31: {  	s6 =	rddreg [dreg:$0x13]  }
0x32: {  	s29 =	rddreg [dreg:$0xd];
	s6 =	sadd.s32 $0x1, s6  }
0x33: {  	p1 =	sne.s32 s6, s29  }
.Ltmp1:
0x34: {  	_ = 	snop;
	(pc) =	sbr.rel @!p1 .LBB2_5-.Ltmp1, $3  }
0x35: {  	_ =	sdelay $0x1  }
0x36: {  	[sflag:s16] =	ssyncset.done @!p0 $0x0  }
0x37: {  	[sflag:s16] =	ssyncadd.s32 @!p0 $0xFFFFF060  }
.LBB2_1:
0x38: {  	[tilespmem:$0x1EC30] =	vst v0  }
0x39: {  	[tilespmem:$0x1EC40] =	vst v0  }
0x3a: {  	[tilespmem:$0x1EC50] =	vst v0  }
0x3b: {  	[tilespmem:$0x1EC60] =	vst v0  }
0x3c: {  	[tilespmem:$0x1EC70] =	vst v0  }
0x3d: {  	[tilespmem:$0x1EC80] =	vst v0  }
0x3e: {  	[tilespmem:$0x1EC90] =	vst v0  }
0x3f: {  	[tilespmem:$0x1ECA0] =	vst v0  }
0x40: {  	[tilespmem:$0x1ECB0] =	vst v0  }
0x41: {  	[tilespmem:$0x1ECC0] =	vst v0  }
0x42: {  	[tilespmem:$0x1ECD0] =	vst v0  }
0x43: {  	[tilespmem:$0x1ECE0] =	vst v0  }
0x44: {  	[tilespmem:$0x1ECF0] =	vst v0  }
0x45: {  	[tilespmem:$0x1ED00] =	vst v0  }
0x46: {  	[tilespmem:$0x1ED10] =	vst v0  }
0x47: {  	[tilespmem:$0x1ED20] =	vst v0  }
0x48: {  	[tilespmem:$0x1ED30] =	vst v0  }
0x49: {  	[tilespmem:$0x1ED40] =	vst v0  }
0x4a: {  	[tilespmem:$0x1ED50] =	vst v0  }
0x4b: {  	[tilespmem:$0x1ED60] =	vst v0  }
0x4c: {  	[tilespmem:$0x1ED70] =	vst v0  }
0x4d: {  	[tilespmem:$0x1ED80] =	vst v0  }
0x4e: {  	[tilespmem:$0x1ED90] =	vst v0  }
0x4f: {  	[tilespmem:$0x1EDA0] =	vst v0  }
0x50: {  	[tilespmem:$0x1EDB0] =	vst v0  }
0x51: {  	[tilespmem:$0x1EDC0] =	vst v0  }
0x52: {  	[tilespmem:$0x1EDD0] =	vst v0  }
0x53: {  	[tilespmem:$0x1EDE0] =	vst v0  }
0x54: {  	[tilespmem:$0x1EDF0] =	vst v0  }
0x55: {  	[tilespmem:$0x1EE00] =	vst v0  }
0x56: {  	[tilespmem:$0x1EE10] =	vst v0  }
0x57: {  	[tilespmem:$0x1EE20] =	vst v0  }
0x58: {  	[tilespmem:$0x1EE30] =	vst v0  }
0x59: {  	[tilespmem:$0x1EE40] =	vst v0  }
0x5a: {  	[tilespmem:$0x1EE50] =	vst v0  }
0x5b: {  	[tilespmem:$0x1EE60] =	vst v0  }
0x5c: {  	[tilespmem:$0x1EE70] =	vst v0  }
0x5d: {  	[tilespmem:$0x1EE80] =	vst v0  }
0x5e: {  	[dreg:$0x13] =	wrdreg s6;
	[tilespmem:$0x1EE90] =	vst v0  }
0x5f: {  	[tilespmem:$0x1EEA0] =	vst v0;
	s16 =	rddreg [dreg:$0x6]  }
0x60: {  	[spmem:s23], [sflag:s20] =	dma.local @!p0 [hbm:s16], $0x7D00  }
0x61: {  	s16 =	simm.s32 @!p0 $0x12  }
0x62: {  	_ =	swait.ge @!p0 [sflag:s16], $0x7D00  }
0x63: {  	[sflag:s16] =	ssyncset.done @!p0 $0x0  }
0x64: {  	s17 =	rddreg [dreg:$0x7];
	[sflag:s16] =	ssyncadd.s32 @!p0 $0xFFFF8300  }
0x65: {  	[spmem:s24], [sflag:s20] =	dma.local @!p0 [hbm:s17], $0xFA0  }
0x66: {  	_ =	swait.ge @!p0 [sflag:s16], $0xFA0  }
0x67: {  	[sflag:s16] =	ssyncset.done @!p0 $0x0  }
0x68: {  	[sflag:s16] =	ssyncadd.s32 @!p0 $0xFFFFF060  }
0x69: {  	s26 =	simm.s32 $0x12;
	[bflag:$0x0] =	sbarrier.arrive $0xFFFF  }
0x6a: {  	s24 =	simm.s32 $0x16120;
	s16 =	simm.s32 $0x0;
	s23 =	rddreg [dreg:$0x9]  }
0x6b: {  	[tilespmem:s24], [sflag:$0x12] =	stream.linear.gather [hbm4b:s23+s16], $0x2710, $0x38;
	[tilespmem:$0x1EEB0] =	vst v63  }
0x6c: {  	_ =	swait.ge [sflag:s26], $0x2710  }
0x6d: {  	s6 =	simm.s32 $0x15F90;
	[sflag:s26] =	ssyncset.done $0x0  }
0x6e: {  	s13 =	simm.s32 $0x10;
	s29 =	rddreg [dreg:$0x8];
	[sflag:s26] =	ssyncadd.s32 $0xFFFFD8F0  }
0x6f: {  	[tilespmem:s6], [sflag:$0x10] =	stream.linear.gather [hbm4b:s29+s16], $0xC8, $0x38;
	[tilespmem:$0x1EEB0] =	vst v63  }
0x70: {  	_ =	swait.ge [sflag:s13], $0xC8  }
0x71: {  	[sflag:s13] =	ssyncset.done $0x0  }
0x72: {  	s24 =	simm.s32 $0x16058;
	s23 =	rddreg [dreg:$0xa];
	[sflag:s13] =	ssyncadd.s32 $0xFFFFFF38  }
0x73: {  	[tilespmem:s24], [sflag:$0x11] =	stream.linear.gather [hbm4b:s23+s16], $0xC8, $0x38;
	[tilespmem:$0x1EEB0] =	vst v63  }
0x74: {  	_ = 	snop  }
0x75: {  	[tilespmem:s31], [sflag:$0x1] =	stream.indirect.gather [hbm4b:s0+s25], $0x80, s6, s25, $0xb8;
	[tilespmem:$0x1EEB0] =	vst v63  }
0x76: {  	s13 =	simm.s32 $0x15FB8  }
0x77: {  	[tilespmem:s9], [sflag:$0x2] =	stream.indirect.gather [hbm4b:s0+s25], $0x80, s13, s25, $0xb8;
	[tilespmem:$0x1EEB0] =	vst v63  }
0x78: {  	s26 =	simm.s32 $0x15FE0  }
0x79: {  	[tilespmem:s14], [sflag:$0x3] =	stream.indirect.gather [hbm4b:s0+s25], $0x80, s26, s25, $0xb8;
	[tilespmem:$0x1EEB0] =	vst v63  }
0x7a: {  	s29 =	simm.s32 $0x16008;
	s16 =	rddreg [dreg:$0xf]  }
0x7b: {  	[tilespmem:s1], [sflag:$0x4] =	stream.indirect.gather [hbm4b:s0+s25], $0x80, s29, s25, $0xb8;
	[tilespmem:$0x1EEB0] =	vst v63  }
0x7c: {  	s24 =	simm.s32 $0x0;
	s23 =	rddreg [dreg:$0xe];
	s31 =	simm.s32 $0x16030  }
0x7d: {  	[tilespmem:s28], [sflag:$0x5] =	stream.indirect.gather [hbm4b:s0+s25], $0x80, s31, s25, $0xb8;
	[tilespmem:$0x1EEB0] =	vst v63  }
.LBB2_2:
0x7e: {  	_ =	swait.ge [sflag:s30], $0x1400  }
0x7f: {  	s17 =	sshra.s32 s24, $0x2;
	[sflag:s30] =	ssyncset.done $0x0  }
0x80: {  	s13 =	simm.s32 $0x18830;
	s20 =	sadd.s32 $0x16120, s17;
	[sflag:s30] =	ssyncadd.s32 $0xFFFFEC00  }
0x81: {  	[spmem:s4] =	stream.indirect.scatter.add.f32 [tilespmem:s13], [sflag:$0x6], $0x80, s20, s25, $0xb8;
	[tilespmem:$0x1EEB0] =	vst v63  }
0x82: {  	_ = 	snop  }
0x83: {  	[spmem:s5] =	stream.indirect.scatter.add.f32 [tilespmem:s7], [sflag:$0xB], $0x10, s20, s25, $0xb8;
	[tilespmem:$0x1EEB0] =	vst v63  }
0x84: {  	_ =	swait.ge [sflag:s8], $0x1400  }
0x85: {  	[sflag:s8] =	ssyncset.done $0x0  }
0x86: {  	s14 =	simm.s32 $0x19C30;
	s26 =	sadd.s32 $0x16148, s17;
	[sflag:s8] =	ssyncadd.s32 $0xFFFFEC00  }
0x87: {  	[spmem:s4] =	stream.indirect.scatter.add.f32 [tilespmem:s14], [sflag:$0x7], $0x80, s26, s25, $0xb8;
	[tilespmem:$0x1EEB0] =	vst v63  }
0x88: {  	_ = 	snop  }
0x89: {  	[spmem:s5] =	stream.indirect.scatter.add.f32 [tilespmem:s7], [sflag:$0xC], $0x10, s26, s25, $0xb8;
	[tilespmem:$0x1EEB0] =	vst v63  }
0x8a: {  	_ =	swait.ge [sflag:s10], $0x1400  }
0x8b: {  	[sflag:s10] =	ssyncset.done $0x0  }
0x8c: {  	s6 =	simm.s32 $0x1B030;
	s29 =	sadd.s32 $0x16170, s17;
	[sflag:s10] =	ssyncadd.s32 $0xFFFFEC00  }
0x8d: {  	[spmem:s4] =	stream.indirect.scatter.add.f32 [tilespmem:s6], [sflag:$0x8], $0x80, s29, s25, $0xb8;
	[tilespmem:$0x1EEB0] =	vst v63  }
0x8e: {  	_ = 	snop  }
0x8f: {  	[spmem:s5] =	stream.indirect.scatter.add.f32 [tilespmem:s7], [sflag:$0xD], $0x10, s29, s25, $0xb8;
	[tilespmem:$0x1EEB0] =	vst v63  }
0x90: {  	_ =	swait.ge [sflag:s11], $0x1400  }
0x91: {  	[sflag:s11] =	ssyncset.done $0x0  }
0x92: {  	s9 =	sadd.s32 $0x16198, s17;
	[sflag:s11] =	ssyncadd.s32 $0xFFFFEC00  }
0x93: {  	[spmem:s4] =	stream.indirect.scatter.add.f32 [tilespmem:s1], [sflag:$0x9], $0x80, s9, s25, $0xb8;
	[tilespmem:$0x1EEB0] =	vst v63  }
0x94: {  	_ = 	snop  }
0x95: {  	[spmem:s5] =	stream.indirect.scatter.add.f32 [tilespmem:s7], [sflag:$0xE], $0x10, s9, s25, $0xb8;
	[tilespmem:$0x1EEB0] =	vst v63  }
0x96: {  	_ =	swait.ge [sflag:s12], $0x1400  }
0x97: {  	[sflag:s12] =	ssyncset.done $0x0  }
0x98: {  	s26 =	sadd.s32 $0x161C0, s17;
	[sflag:s12] =	ssyncadd.s32 $0xFFFFEC00  }
0x99: {  	[spmem:s4] =	stream.indirect.scatter.add.f32 [tilespmem:s28], [sflag:$0xA], $0x80, s26, s25, $0xb8;
	[tilespmem:$0x1EEB0] =	vst v63  }
0x9a: {  	p1 =	seq.s32 s24, $0x9600  }
0x9b: {  	[spmem:s5] =	stream.indirect.scatter.add.f32 [tilespmem:s7], [sflag:$0xF], $0x10, s26, s25, $0xb8;
	[tilespmem:$0x1EEB0] =	vst v63  }
0x9c: {  	s20 =	sshrl.u32 @!p1 s16, $0x3;
	s9 =	simm.s32 $0x11;
	s26 =	rddreg [dreg:$0x1]  }
0x9d: {  	s29 =	sadd.s32 @!p1 s26, s20;
	s26 =	simm.s32 @!p1 $0x0;
	s20 =	simm.s32 @!p1 $0x15F90  }
0x9e: {  	[tilespmem:s20], [sflag:$0x10] =	stream.linear.gather @!p1 [hbm4b:s29+s26], $0xC8, $0x38;
	[tilespmem:$0x1EEB0] =	vst v63  }
0x9f: {  	_ =	swait.ge [sflag:s9], $0xC8  }
0xa0: {  	[sflag:s9] =	ssyncset.done $0x0  }
0xa1: {  	s29 =	simm.s32 $0x6;
	[sflag:s9] =	ssyncadd.s32 $0xFFFFFF38  }
0xa2: {  	_ =	swait.ge [sflag:s29], $0x1400  }
0xa3: {  	[sflag:s29] =	ssyncset.done $0x0  }
0xa4: {  	[sflag:s29] =	ssyncadd.s32 $0xFFFFEC00;
	s29 =	simm.s32 $0xB  }
0xa5: {  	_ =	swait.ge [sflag:s29], $0x280  }
0xa6: {  	[sflag:s29] =	ssyncset.done $0x0  }
0xa7: {  	s9 =	simm.s32 $0x16058;
	[sflag:s29] =	ssyncadd.s32 $0xFFFFFD80  }
0xa8: {  	[tilespmem:s13], [sflag:$0x1] =	stream.indirect.gather [hbm4b:s0+s25], $0x80, s9, s25, $0xb8;
	[tilespmem:$0x1EEB0] =	vst v63  }
0xa9: {  	_ =	swait.ge [sflag:s22], $0x1400  }
0xaa: {  	[sflag:s22] =	ssyncset.done $0x0  }
0xab: {  	[sflag:s22] =	ssyncadd.s32 $0xFFFFEC00  }
0xac: {  	_ =	swait.ge [sflag:s15], $0x280  }
0xad: {  	[sflag:s15] =	ssyncset.done $0x0  }
0xae: {  	s29 =	simm.s32 $0x16080;
	[sflag:s15] =	ssyncadd.s32 $0xFFFFFD80  }
0xaf: {  	[tilespmem:s14], [sflag:$0x2] =	stream.indirect.gather [hbm4b:s0+s25], $0x80, s29, s25, $0xb8;
	[tilespmem:$0x1EEB0] =	vst v63  }
0xb0: {  	s29 =	simm.s32 $0x8  }
0xb1: {  	_ =	swait.ge [sflag:s29], $0x1400  }
0xb2: {  	[sflag:s29] =	ssyncset.done $0x0  }
0xb3: {  	[sflag:s29] =	ssyncadd.s32 $0xFFFFEC00  }
0xb4: {  	_ =	swait.ge [sflag:s21], $0x280  }
0xb5: {  	[sflag:s21] =	ssyncset.done $0x0  }
0xb6: {  	s29 =	simm.s32 $0x160A8;
	[sflag:s21] =	ssyncadd.s32 $0xFFFFFD80  }
0xb7: {  	[tilespmem:s6], [sflag:$0x3] =	stream.indirect.gather [hbm4b:s0+s25], $0x80, s29, s25, $0xb8;
	[tilespmem:$0x1EEB0] =	vst v63  }
0xb8: {  	_ =	swait.ge [sflag:s18], $0x1400  }
0xb9: {  	[sflag:s18] =	ssyncset.done $0x0  }
0xba: {  	[sflag:s18] =	ssyncadd.s32 $0xFFFFEC00  }
0xbb: {  	_ =	swait.ge [sflag:s19], $0x280  }
0xbc: {  	[sflag:s19] =	ssyncset.done $0x0  }
0xbd: {  	s29 =	simm.s32 $0x160D0;
	[sflag:s19] =	ssyncadd.s32 $0xFFFFFD80  }
0xbe: {  	[tilespmem:s1], [sflag:$0x4] =	stream.indirect.gather [hbm4b:s0+s25], $0x80, s29, s25, $0xb8;
	[tilespmem:$0x1EEB0] =	vst v63  }
0xbf: {  	_ =	swait.ge [sflag:s2], $0x1400  }
0xc0: {  	[sflag:s2] =	ssyncset.done $0x0  }
0xc1: {  	[sflag:s2] =	ssyncadd.s32 $0xFFFFEC00  }
0xc2: {  	_ =	swait.ge [sflag:s3], $0x280  }
0xc3: {  	[sflag:s3] =	ssyncset.done $0x0  }
0xc4: {  	s29 =	simm.s32 $0x160F8;
	[sflag:s3] =	ssyncadd.s32 $0xFFFFFD80  }
0xc5: {  	[tilespmem:s28], [sflag:$0x5] =	stream.indirect.gather [hbm4b:s0+s25], $0x80, s29, s25, $0xb8;
	[tilespmem:$0x1EEB0] =	vst v63  }
0xc6: {  	_ =	swait.ge [sflag:s30], $0x1400  }
0xc7: {  	[sflag:s30] =	ssyncset.done $0x0  }
0xc8: {  	s9 =	sadd.s32 $0x161E8, s17;
	[sflag:s30] =	ssyncadd.s32 $0xFFFFEC00  }
0xc9: {  	[spmem:s4] =	stream.indirect.scatter.add.f32 [tilespmem:s13], [sflag:$0x6], $0x80, s9, s25, $0xb8;
	[tilespmem:$0x1EEB0] =	vst v63  }
0xca: {  	_ = 	snop  }
0xcb: {  	[spmem:s5] =	stream.indirect.scatter.add.f32 [tilespmem:s7], [sflag:$0xB], $0x10, s9, s25, $0xb8;
	[tilespmem:$0x1EEB0] =	vst v63  }
0xcc: {  	_ =	swait.ge [sflag:s8], $0x1400  }
0xcd: {  	[sflag:s8] =	ssyncset.done $0x0  }
0xce: {  	s13 =	sadd.s32 $0x16210, s17;
	[sflag:s8] =	ssyncadd.s32 $0xFFFFEC00  }
0xcf: {  	[spmem:s4] =	stream.indirect.scatter.add.f32 [tilespmem:s14], [sflag:$0x7], $0x80, s13, s25, $0xb8;
	[tilespmem:$0x1EEB0] =	vst v63  }
0xd0: {  	_ = 	snop  }
0xd1: {  	[spmem:s5] =	stream.indirect.scatter.add.f32 [tilespmem:s7], [sflag:$0xC], $0x10, s13, s25, $0xb8;
	[tilespmem:$0x1EEB0] =	vst v63  }
0xd2: {  	_ =	swait.ge [sflag:s10], $0x1400  }
0xd3: {  	[sflag:s10] =	ssyncset.done $0x0  }
0xd4: {  	s13 =	sadd.s32 $0x16238, s17;
	[sflag:s10] =	ssyncadd.s32 $0xFFFFEC00  }
0xd5: {  	[spmem:s4] =	stream.indirect.scatter.add.f32 [tilespmem:s6], [sflag:$0x8], $0x80, s13, s25, $0xb8;
	[tilespmem:$0x1EEB0] =	vst v63  }
0xd6: {  	_ = 	snop  }
0xd7: {  	[spmem:s5] =	stream.indirect.scatter.add.f32 [tilespmem:s7], [sflag:$0xD], $0x10, s13, s25, $0xb8;
	[tilespmem:$0x1EEB0] =	vst v63  }
0xd8: {  	_ =	swait.ge [sflag:s11], $0x1400  }
0xd9: {  	[sflag:s11] =	ssyncset.done $0x0  }
0xda: {  	s13 =	sadd.s32 $0x16260, s17;
	[sflag:s11] =	ssyncadd.s32 $0xFFFFEC00  }
0xdb: {  	[spmem:s4] =	stream.indirect.scatter.add.f32 [tilespmem:s1], [sflag:$0x9], $0x80, s13, s25, $0xb8;
	[tilespmem:$0x1EEB0] =	vst v63  }
0xdc: {  	_ = 	snop  }
0xdd: {  	[spmem:s5] =	stream.indirect.scatter.add.f32 [tilespmem:s7], [sflag:$0xE], $0x10, s13, s25, $0xb8;
	[tilespmem:$0x1EEB0] =	vst v63  }
0xde: {  	_ =	swait.ge [sflag:s12], $0x1400  }
0xdf: {  	[sflag:s12] =	ssyncset.done $0x0  }
0xe0: {  	s17 =	sadd.s32 $0x16288, s17;
	[sflag:s12] =	ssyncadd.s32 $0xFFFFEC00  }
0xe1: {  	[spmem:s4] =	stream.indirect.scatter.add.f32 [tilespmem:s28], [sflag:$0xA], $0x80, s17, s25, $0xb8;
	[tilespmem:$0x1EEB0] =	vst v63  }
0xe2: {  	_ = 	snop  }
0xe3: {  	[spmem:s5] =	stream.indirect.scatter.add.f32 [tilespmem:s7], [sflag:$0xF], $0x10, s17, s25, $0xb8;
	[tilespmem:$0x1EEB0] =	vst v63  }
0xe4: {  	s17 =	simm.s32 @p1 $0x6  }
0xe5: {  	_ =	swait.ge @p1 [sflag:s17], $0x1400  }
0xe6: {  	[sflag:s17] =	ssyncset.done @p1 $0x0  }
0xe7: {  	[sflag:s17] =	ssyncadd.s32 @p1 $0xFFFFEC00;
	s17 =	simm.s32 @p1 $0xB  }
0xe8: {  	_ =	swait.ge @p1 [sflag:s17], $0x280  }
0xe9: {  	[sflag:s17] =	ssyncset.done @p1 $0x0  }
0xea: {  	[sflag:s17] =	ssyncadd.s32 @p1 $0xFFFFFD80;
	s17 =	simm.s32 @!p1 $0x16058  }
0xeb: {  	[tilespmem:s17], [sflag:$0x11] =	stream.linear.gather @!p1 [hbm4b:s23+s26], $0xC8, $0x38;
	[tilespmem:$0x1EEB0] =	vst v63  }
0xec: {  	s17 =	simm.s32 @!p1 $0x10  }
0xed: {  	_ =	swait.ge @!p1 [sflag:s17], $0xC8  }
0xee: {  	[sflag:s17] =	ssyncset.done @!p1 $0x0  }
0xef: {  	[sflag:s17] =	ssyncadd.s32 @!p1 $0xFFFFFF38;
	s17 =	simm.s32 @!p1 $0x6  }
0xf0: {  	_ =	swait.ge @!p1 [sflag:s17], $0x1400  }
0xf1: {  	[sflag:s17] =	ssyncset.done @!p1 $0x0  }
0xf2: {  	[sflag:s17] =	ssyncadd.s32 @!p1 $0xFFFFEC00;
	s17 =	simm.s32 @!p1 $0xB  }
0xf3: {  	_ =	swait.ge @!p1 [sflag:s17], $0x280  }
0xf4: {  	[sflag:s17] =	ssyncset.done @!p1 $0x0  }
0xf5: {  	s26 =	simm.s32 @!p1 $0x18830;
	[sflag:s17] =	ssyncadd.s32 @!p1 $0xFFFFFD80;
	s17 =	simm.s32 @!p1 $0x28  }
0xf6: {  	[tilespmem:s26], [sflag:$0x1] =	stream.indirect.gather @!p1 [hbm4b:s0+s17], $0x80, s20, s17, $0xb8;
	[tilespmem:$0x1EEB0] =	vst v63  }
0xf7: {  	_ =	swait.ge [sflag:s22], $0x1400  }
0xf8: {  	[sflag:s22] =	ssyncset.done $0x0  }
0xf9: {  	[sflag:s22] =	ssyncadd.s32 $0xFFFFEC00  }
0xfa: {  	_ =	swait.ge [sflag:s15], $0x280  }
0xfb: {  	[sflag:s15] =	ssyncset.done $0x0  }
0xfc: {  	s20 =	simm.s32 @p1 $0x8;
	[sflag:s15] =	ssyncadd.s32 $0xFFFFFD80  }
0xfd: {  	_ =	swait.ge @p1 [sflag:s20], $0x1400  }
0xfe: {  	[sflag:s20] =	ssyncset.done @p1 $0x0  }
0xff: {  	[sflag:s20] =	ssyncadd.s32 @p1 $0xFFFFEC00;
	s20 =	simm.s32 @p1 $0xD  }
0x100: {  	_ =	swait.ge @p1 [sflag:s20], $0x280  }
0x101: {  	[sflag:s20] =	ssyncset.done @p1 $0x0  }
0x102: {  	s26 =	simm.s32 @!p1 $0x19C30;
	[sflag:s20] =	ssyncadd.s32 @p1 $0xFFFFFD80;
	s20 =	simm.s32 @!p1 $0x15FB8  }
0x103: {  	[tilespmem:s26], [sflag:$0x2] =	stream.indirect.gather @!p1 [hbm4b:s0+s17], $0x80, s20, s17, $0xb8;
	[tilespmem:$0x1EEB0] =	vst v63  }
0x104: {  	s20 =	simm.s32 @!p1 $0x8  }
0x105: {  	_ =	swait.ge @!p1 [sflag:s20], $0x1400  }
0x106: {  	[sflag:s20] =	ssyncset.done @!p1 $0x0  }
0x107: {  	[sflag:s20] =	ssyncadd.s32 @!p1 $0xFFFFEC00;
	s20 =	simm.s32 @!p1 $0xD  }
0x108: {  	_ =	swait.ge @!p1 [sflag:s20], $0x280  }
0x109: {  	[sflag:s20] =	ssyncset.done @!p1 $0x0  }
0x10a: {  	s26 =	simm.s32 @!p1 $0x1B030;
	[sflag:s20] =	ssyncadd.s32 @!p1 $0xFFFFFD80;
	s20 =	simm.s32 @!p1 $0x15FE0  }
0x10b: {  	[tilespmem:s26], [sflag:$0x3] =	stream.indirect.gather @!p1 [hbm4b:s0+s17], $0x80, s20, s17, $0xb8;
	[tilespmem:$0x1EEB0] =	vst v63  }
0x10c: {  	_ =	swait.ge [sflag:s18], $0x1400  }
.Ltmp2:
0x10d: {  	[sflag:s18] =	ssyncset.done $0x0;
	(pc) =	sbr.rel @p1 .LBB2_4-.Ltmp2, $4  }
0x10e: {  	[sflag:s18] =	ssyncadd.s32 $0xFFFFEC00  }
0x10f: {  	_ =	swait.ge [sflag:s19], $0x280  }
0x110: {  	s31 =	simm.s32 $0x18830;
	[sflag:s19] =	ssyncset.done $0x0  }
0x111: {  	s9 =	simm.s32 $0x19C30;
	s14 =	simm.s32 $0x1B030;
	[sflag:s19] =	ssyncadd.s32 $0xFFFFFD80  }
0x112: {  	s6 =	simm.s32 $0x16008  }
0x113: {  	[tilespmem:s1], [sflag:$0x4] =	stream.indirect.gather [hbm4b:s0+s25], $0x80, s6, s25, $0xb8;
	[tilespmem:$0x1EEB0] =	vst v63  }
0x114: {  	_ =	swait.ge [sflag:s2], $0x1400  }
0x115: {  	[sflag:s2] =	ssyncset.done $0x0  }
.Ltmp3:
0x116: {  	[sflag:s2] =	ssyncadd.s32 $0xFFFFEC00;
	(pc) =	sbr.rel .LBB2_2-.Ltmp3, $4  }
0x117: {  	_ =	swait.ge [sflag:s3], $0x280  }
0x118: {  	s31 =	simm.s32 $0x16030;
	s23 =	sadd.s32 $0x32, s23;
	[sflag:s3] =	ssyncset.done $0x0  }
0x119: {  	s16 =	sadd.s32 $0x190, s16;
	s24 =	sadd.s32 $0x640, s24;
	[sflag:s3] =	ssyncadd.s32 $0xFFFFFD80  }
0x11a: {  	[tilespmem:s28], [sflag:$0x5] =	stream.indirect.gather [hbm4b:s0+s25], $0x80, s31, s25, $0xb8;
	[tilespmem:$0x1EEB0] =	vst v63  }
.LBB2_5:
0x11b: {  	_ =	sfence.sel $0x180000  }
0x11c: {  	[bflag:$0x0] =	sbarrier.arrive $0xFFFF  }
0x11d: {  	_ =	strace $0x90000047  }
0x11e: {  	s0 =	stileid.u32;
	[bflag:$0x2] =	sbarrier.arrive $0xFFFF  }
0x11f: {  	p0 =	sne.s32 s0, $0x0;
	s0 =	rddreg [dreg:$0x5]  }
0x120: {  	s0 =	sadd.s32 @!p0 $0x100000, s0  }
0x121: {  	[sflag:s0] =	ssyncadd.tile.s32 @!p0 $0x1;
	_ =	shalt  }
.Lfunc_end2:
_tile_overlayer_lowered:
.L_overlay_start_2:
0x122: {  	(tag) =	ssettag $0x2  }
0x123: {  	s0 =	rddreg [dreg:$0x0];
	s2 =	stileid.u32  }
0x124: {  	s1 =	rddreg [dreg:$0x1];
	p0 =	sne.s32 s2, $0x0  }
0x125: {  	s3 =	rddreg [dreg:$0x2];
	[bflag:$0x3] =	sbarrier.arrive $0xFFFF;
	s2 =	simm.s32 @!p0 $0x1C12  }
0x126: {  	[timem:s3], [sflag:s2] =	dma.local @!p0 [hbm:s0], s1  }
0x127: {  	s0 =	simm.s32 @!p0 $0x12  }
0x128: {  	_ =	swait.ge @!p0 [sflag:s0], s1  }
0x129: {  	s1 =	ssub.s32 @!p0 $0x0, s1;
	[sflag:s0] =	ssyncset.done @!p0 $0x0  }
0x12a: {  	[sflag:s0] =	ssyncadd.s32 @!p0 s1  }
0x12b: {  	[bflag:$0x3] =	sbarrier.arrive $0xFFFF  }
0x12c: {  	_ =	shalt  }

// kernel: kernel.9.cloned.1.call-start
scs
__scs_entry_jumppad:
0x0: {  	(pc) =	sbr.rel $0x88, $3  }
0x1: {  	(tag) =	ssettag $0x0;
	lr =	simm.s32 $0x1  }
0x2: {  	[smem:$0x3F99] =	sst lr;
	_ =	strace $0xD0000000  }
0x3: {  	_ = 	snop  }
0x4: {  	_ = 	snop  }
0x5: {  	_ = 	snop  }
0x6: {  	_ = 	snop  }
0x7: {  	_ = 	snop  }
__scs_overlays_trampoline_lowered:
0x8: {  	[smem:$0x3FA8] =	sst s0  }
0x9: {  	[smem:$0x3FA9] =	sst s1  }
0xa: {  	[smem:$0x3FAA] =	sst s2  }
0xb: {  	[smem:$0x3FAB] =	sst s3  }
0xc: {  	[smem:$0x3FAC] =	sst s4  }
0xd: {  	[smem:$0x3FAD] =	sst s5  }
0xe: {  	[smem:$0x3FAE] =	sst s6  }
0xf: {  	[smem:$0x3FAF] =	sst s7  }
0x10: {  	[smem:$0x3FB0] =	sst s8  }
0x11: {  	[smem:$0x3FB1] =	sst s9;
	s0 =	simm.s32 @!p0 $0x0  }
0x12: {  	s1 =	sld [smem:$0x3F97];
	s0 =	simm.s32 @p0 $0x1  }
0x13: {  	[smem:$0x3FB2] =	sst s0;
	s0 =	simm.s32 @!p1 $0x0  }
0x14: {  	s2 =	sld [smem:$0x3F96];
	s0 =	simm.s32 @p1 $0x1  }
0x15: {  	[smem:$0x3FB3] =	sst s0;
	s0 =	simm.s32 @!p2 $0x0  }
0x16: {  	s3 =	sld [smem:$0x3FDB];
	s0 =	simm.s32 @p2 $0x1  }
0x17: {  	s4 =	simm.s32 $0x1BF5;
	[smem:$0x3FB5] =	sst s0  }
0x18: {  	s0 =	sld [smem:$0x3F98];
	_ =	swait.ge [sflag:s4], $0x0  }
0x19: {  	s7 =	sld [smem:$0x3F99]  }
0x1a: {  	s8 =	sadd.s32 $0xFFFFE003, lr  }
0x1b: {  	s9 =	sadd.s32 $0xFFFFFEF7, lr;
	s5 =	simm.s32 $0xFFFFFFFF;
	p2 =	slt.u32 s8, $0xFFFFF086  }
0x1c: {  	p1 =	slt.u32 s9, $0xF7A;
	s5 =	simm.s32 @!p2 $0x0  }
0x1d: {  	s5 =	simm.s32 @p1 $0x1;
	p0 =	seq.s32 s7, s2  }
0x1e: {  	s7 =	smul.u32 @!p0 $0xF7A, s2;
	p2 =	seq.s32 @!p0 s5, $0x0  }
0x1f: {  	s9 =	smul.u32 $0xF7A, s1;
	s8 =	simm.s32 @!p0 $0x1BF5;
	p2 =	por !p2, p0  }
0x20: {  	[sflag:s8] =	ssyncset.s32 @!p0 $0xFFFFF086;
	s6 =	sadd.s32 @!p0 s3, s7;
	s7 =	simm.s32 @!p0 $0x108  }
0x21: {  	s3 =	sadd.s32 s3, s9;
	s6 =	sadd.s32 @!p0 $0x88, s6;
	s7 =	simm.s32 @p2 $0x1082  }
0x22: {  	[simem:s7], [sflag:s8] =	dma.local @!p0 [hbm:s6], $0xF7A  }
0x23: {  	s9 =	sor.u32 $0xD0000000, s2;
	s6 =	simm.s32 $0x108;
	_ =	swait.ge @!p0 [sflag:s8], $0x0  }
0x24: {  	s3 =	sadd.s32 $0x88, s3;
	s6 =	simm.s32 @!p1 $0x1082;
	[sflag:s4] =	ssyncset.s32 $0xFFFFF086  }
0x25: {  	[simem:s6], [sflag:s4] =	dma.local [hbm:s3], $0xF7A  }
0x26: {  	[smem:$0x3F99] =	sst s1;
	(tag) =	ssettag s2;
	_ =	strace s9  }
0x27: {  	s1 =	sld [smem:$0x3FA9]  }
0x28: {  	s2 =	sld [smem:$0x3FAA]  }
0x29: {  	s4 =	sld [smem:$0x3FAC]  }
0x2a: {  	p0 =	seq.s32 s5, $0x0;
	s5 =	sld [smem:$0x3FAD]  }
0x2b: {  	s6 =	sld [smem:$0x3FAE]  }
0x2c: {  	s7 =	sld [smem:$0x3FAF]  }
0x2d: {  	s3 =	simm.s32 $0x108;
	s8 =	sld [smem:$0x3FB0]  }
0x2e: {  	s3 =	simm.s32 @!p0 $0x1082;
	s9 =	sld [smem:$0x3FB1]  }
0x2f: {  	lr =	sadd.s32 s0, s3;
	s0 =	sld [smem:$0x3FA8]  }
0x30: {  	s3 =	sld [smem:$0x3FAB]  }
0x31: {  	[smem:$0x3FB4] =	sst s10  }
0x32: {  	s10 =	sld [smem:$0x3FB2];
	_ =	sdelay $0x3  }
0x33: {  	p0 =	seq.s32 s10, $0x1;
	s10 =	sld [smem:$0x3FB4];
	_ =	sdelay $0x3  }
0x34: {  	[smem:$0x3FB4] =	sst s10  }
0x35: {  	s10 =	sld [smem:$0x3FB3];
	_ =	sdelay $0x3  }
0x36: {  	p1 =	seq.s32 s10, $0x1;
	s10 =	sld [smem:$0x3FB4];
	_ =	sdelay $0x3  }
0x37: {  	[smem:$0x3FB4] =	sst s10  }
0x38: {  	s10 =	sld [smem:$0x3FB5]  }
0x39: {  	_ = 	snop;
	(pc) =	sbr.ind lr, $3  }
0x3a: {  	_ = 	snop  }
0x3b: {  	_ = 	snop  }
0x3c: {  	p2 =	seq.s32 s10, $0x1;
	s10 =	sld [smem:$0x3FB4]  }
0x3d: {  	_ =	shalt  }
0x3e: {  	_ =	shalt  }
0x3f: {  	_ =	shalt  }
0x40: {  	_ =	shalt  }
0x41: {  	_ =	shalt  }
0x42: {  	_ =	shalt  }
0x43: {  	_ =	shalt  }
0x44: {  	_ =	shalt  }
0x45: {  	_ =	shalt  }
0x46: {  	_ =	shalt  }
0x47: {  	_ =	shalt  }
0x48: {  	_ =	shalt  }
0x49: {  	_ =	shalt  }
0x4a: {  	_ =	shalt  }
0x4b: {  	_ =	shalt  }
0x4c: {  	_ =	shalt  }
0x4d: {  	_ =	shalt  }
0x4e: {  	_ =	shalt  }
0x4f: {  	_ =	shalt  }
0x50: {  	_ =	shalt  }
0x51: {  	_ =	shalt  }
0x52: {  	_ =	shalt  }
0x53: {  	_ =	shalt  }
0x54: {  	_ =	shalt  }
0x55: {  	_ =	shalt  }
0x56: {  	_ =	shalt  }
0x57: {  	_ =	shalt  }
0x58: {  	_ =	shalt  }
0x59: {  	_ =	shalt  }
0x5a: {  	_ =	shalt  }
0x5b: {  	_ =	shalt  }
0x5c: {  	_ =	shalt  }
0x5d: {  	_ =	shalt  }
0x5e: {  	_ =	shalt  }
0x5f: {  	_ =	shalt  }
0x60: {  	_ =	shalt  }
0x61: {  	_ =	shalt  }
0x62: {  	_ =	shalt  }
0x63: {  	_ =	shalt  }
0x64: {  	_ =	shalt  }
0x65: {  	_ =	shalt  }
0x66: {  	_ =	shalt  }
0x67: {  	_ =	shalt  }
0x68: {  	_ =	shalt  }
0x69: {  	_ =	shalt  }
0x6a: {  	_ =	shalt  }
0x6b: {  	_ =	shalt  }
0x6c: {  	_ =	shalt  }
0x6d: {  	_ =	shalt  }
0x6e: {  	_ =	shalt  }
0x6f: {  	_ =	shalt  }
0x70: {  	_ =	shalt  }
0x71: {  	_ =	shalt  }
0x72: {  	_ =	shalt  }
0x73: {  	_ =	shalt  }
0x74: {  	_ =	shalt  }
0x75: {  	_ =	shalt  }
0x76: {  	_ =	shalt  }
0x77: {  	_ =	shalt  }
0x78: {  	_ =	shalt  }
0x79: {  	_ =	shalt  }
0x7a: {  	_ =	shalt  }
0x7b: {  	_ =	shalt  }
0x7c: {  	_ =	shalt  }
0x7d: {  	_ =	shalt  }
0x7e: {  	_ =	shalt  }
0x7f: {  	_ =	shalt  }
0x80: {  	_ =	shalt  }
0x81: {  	_ =	shalt  }
0x82: {  	_ =	shalt  }
0x83: {  	_ =	shalt  }
0x84: {  	_ =	shalt  }
0x85: {  	_ =	shalt  }
0x86: {  	_ =	shalt  }
0x87: {  	_ =	shalt  }
.Lfunc_end0:
.L_simem_size_0:
called_computation.1_lowered:
.L_overlay_start_0:
0x88: {  	s2 =	sld [smem:$0x3FD9]  }
0x89: {  	s3 =	sld [smem:$0x3FFE];
	_ =	sdelay $0x1  }
0x8a: {  	s1 =	srdreg.scid  }
0x8b: {  	s0 =	sand.u32 $0x1, s1  }
0x8c: {  	s17 =	sshll.u32 s0, $0xA;
	s2 =	sadd.s32 s3, s2  }
0x8d: {  	s2 =	sadd.s32 s2, s17  }
0x8e: {  	[smem:$0x3FC0] =	sst s2  }
0x8f: {  	_ = 	snop  }
0x90: {  	s2 =	sld [smem:$0x3FD0];
	(tm) =	ssettm $0x1  }
0x91: {  	s18 =	sld [smem:$0x3FFB];
	_ =	sdelay $0x3  }
0x92: {  	_ =	strace s18  }
0x93: {  	s3 =	sld [smem:$0x3FFC];
	_ =	sdelay $0x3  }
0x94: {  	_ =	strace s3  }
0x95: {  	s3 =	sld [smem:$0x3FFD];
	_ =	sdelay $0x3  }
0x96: {  	_ =	strace s3  }
0x97: {  	_ =	strace $0x8FFFFFFF  }
0x98: {  	s19 =	sld [smem:$0x3FDB];
	_ =	sdelay $0x1  }
0x99: {  	s4 =	simm.s32 $_scs_section_size  }
0x9a: {  	s5 =	simm.s32 $_size__tile_overlayer_lowered;
	s6 =	simm.s32 $_tile_overlayer_lowered  }
0x9b: {  	s22 =	simm.s32 $0x1BFF;
	s21 =	sshll.u32 s6, $0x1;
	s3 =	sadd.s32 s4, s19  }
0x9c: {  	s7 =	simm.s32 $0x0;
	s20 =	sshll.u32 s5, $0x1;
	s5 =	sadd.s32 s21, s3  }
0x9d: {  	[timem:s7], [sflag:s22] =	dma.local [hbm:s5], s20  }
0x9e: {  	_ =	swait.ge [sflag:s22], s20  }
0x9f: {  	s4 =	ssub.s32 $0x0, s20;
	[sflag:s22] =	ssyncset.done $0x0  }
0xa0: {  	[sflag:s22] =	ssyncadd.s32 s4;
	_ =	sdelay $0x1  }
0xa1: {  	s23 =	simm.s32 $0x1B8B  }
0xa2: {  	_ =	swait.ge [sflag:s23], $0x1  }
0xa3: {  	[sflag:s23] =	ssyncset.done $0x0  }
0xa4: {  	s25 =	simm.s32 $0x1B8E;
	s24 =	sld [smem:$0x3FFE];
	[sflag:s23] =	ssyncadd.s32 $0xFFFFFFFF  }
0xa5: {  	s26 =	simm.s32 $execute0_lowered;
	[smem:$0x3FD2] =	sst s25  }
0xa6: {  	s5 =	sshll.u32 s26, $0x1;
	_ =	strace $0x80000049;
	[dreg:$0x1] =	wrdreg $0xFFFFFFFF  }
0xa7: {  	s28 =	simm.s32 $_size_execute0_lowered;
	s3 =	sadd.s32 s3, s5;
	[dreg:$0x0] =	wrdreg $0x0  }
0xa8: {  	s5 =	sshll.u32 s28, $0x1;
	[dreg:$0x2] =	wrdreg s3  }
0xa9: {  	[dreg:$0x3] =	wrdreg s5  }
0xaa: {  	[dreg:$0x4] =	wrdreg $0xC0  }
0xab: {  	_ =	task [dreg:s7], $0x5FFFF  }
0xac: {  	[dreg:$0x1] =	wrdreg $0xFFFFFFFF  }
0xad: {  	[dreg:$0x0] =	wrdreg $0x60  }
0xae: {  	[dreg:$0x2] =	wrdreg s24  }
0xaf: {  	[dreg:$0x3] =	wrdreg s2  }
0xb0: {  	[dreg:$0x4] =	wrdreg $0x0  }
0xb1: {  	[dreg:$0x5] =	wrdreg $0x9  }
0xb2: {  	_ =	task.clear_ibuf [dreg:s7], $0x6FFFF;
	_ =	strace $0x90000049  }
0xb3: {  	s29 =	simm.s32 $0x9;
	_ =	strace $0x8000004B  }
0xb4: {  	_ =	swait.ge [sflag:s29], $0x1  }
0xb5: {  	[sflag:s29] =	ssyncadd.s32 $0xFFFFFFFF  }
0xb6: {  	_ =	strace $0x9000004B  }
0xb7: {  	_ =	sfence  }
0xb8: {  	s30 =	sld [smem:$0x0];
	_ =	sdelay $0x2  }
0xb9: {  	s31 =	sshll.u32 s1, $0xD;
	s1 =	sshrl.u32 s1, $0x2  }
0xba: {  	s3 =	sand.u32 $0x4000, s31;
	s1 =	sadd.s32 s1, s30  }
0xbb: {  	s0 =	sor.u32 s3, s0;
	s1 =	sshll.u32 s1, $0x11  }
0xbc: {  	s0 =	sor.u32 s1, s0  }
0xbd: {  	s0 =	sadd.s32 $0x8F2B, s0  }
0xbe: {  	[sflag:s0] =	ssyncadd.remote.s32 $0x1  }
0xbf: {  	_ =	sfence.sel $0xFFFF  }
0xc0: {  	[dreg:$0x0] =	wrdreg $0xFFFFFFFF;
	(pc) =	sbr.abs _section_cstart, $3  }
0xc1: {  	[dreg:$0x1] =	wrdreg $0xFFFFFFFF  }
0xc2: {  	_ =	task.clear_ibuf [dreg:s7], $0x2FFFF;
	_ =	strace $0x9FFFFFFF  }
0xc3: {  	(tm) =	ssettm $0x7FFFFFFF  }
tec
execute0_lowered:
.L_overlay_start_1:
0x0: {  	(tag) =	ssettag $0x1  }
0x1: {  	s0 =	rddreg [dreg:$0x0]  }
0x2: {  	s2 =	rddreg [dreg:$0x1]  }
0x3: {  	s1 =	rddreg [dreg:$0x2];
	s3 =	simm.s32 $0x0  }
0x4: {  	s4 =	srdreg.scid;
	s12 =	simm.s32 $0x4E20;
	s13 =	simm.s32 $0xB  }
0x5: {  	s15 =	simm.s32 $0x50;
	s16 =	simm.s32 $0x9C40;
	s18 =	simm.s32 $0xA640  }
0x6: {  	s20 =	simm.s32 $0xB040;
	s22 =	simm.s32 $0xBA40;
	s28 =	simm.s32 $0x3  }
0x7: {  	s29 =	simm.s32 $0x4;
	s30 =	simm.s32 $0x5;
	s31 =	simm.s32 $0x6  }
0x8: {  	s14 =	simm.s32 $0x9;
	[smem:$0x7FF] =	sst s3;
	s6 =	sand.u32 $0x1, s4  }
0x9: {  	s17 =	simm.s32 $0xA;
	s3 =	stileid.u32;
	s7 =	smul.u32 $0x9C40, s6  }
0xa: {  	s23 =	simm.s32 $0x0;
	s4 =	sadd.s32 $0x2200, s0;
	s8 =	smul.u32 $0x1F40, s3  }
0xb: {  	_ =	strace $0x8000004A;
	s5 =	sshll.u32 s3, $0x1;
	s10 =	smul.u32 $0x3E800, s3  }
0xc: {  	p0 =	sgt.u32 s3, $0x4;
	s9 =	sor.u32 s6, s5;
	s5 =	sadd.s32 $0x63000, s0  }
0xd: {  	s6 =	ssub.s32 $0x2, s6;
	s9 =	smul.u32 $0x2710, s9;
	s7 =	sadd.s32 s8, s7  }
0xe: {  	s24 =	sshrl.u32 s6, $0x1;
	s26 =	sshrl.u32 s10, $0x2;
	s10 =	sshll.u32 @!p0 s3, $0x6  }
0xf: {  	s0 =	sadd.s32 s7, s0;
	s11 =	ssub.s32 s6, s24;
	s10 =	sor.u32 @!p0 $0x1C0B, s10  }
0x10: {  	s24 =	simm.s32 $0xC440;
	s25 =	sshrl.u32 s9, $0x3;
	s8 =	sadd.s32 $0xC000, s0  }
0x11: {  	s9 =	smax.u32 s11, $0x1;
	s0 =	simm.s32 $0x7;
	s6 =	sadd.s32 s2, s25  }
0x12: {  	s2 =	sadd.s32 s26, s1;
	s25 =	simm.s32 $0x1;
	s26 =	simm.s32 $0x2  }
0x13: {  	s7 =	sadd.s32 $0x9C40, s6;
	s11 =	sshrl.u32 @!p0 s2, $0x3;
	s2 =	simm.s32 $0x8  }
.LBB2_1:
0x14: {  	[spmem:s11], [sflag:s10] =	dma.local @!p0 [hbm:s5], $0x1F40  }
0x15: {  	s19 =	simm.s32 @!p0 $0xB  }
0x16: {  	_ =	swait.ge @!p0 [sflag:s19], $0x1F40  }
0x17: {  	[sflag:s19] =	ssyncset.done @!p0 $0x0  }
0x18: {  	[sflag:s19] =	ssyncadd.s32 @!p0 $0xFFFFE0C0  }
0x19: {  	s3 =	simm.s32 $0x0;
	[bflag:$0x0] =	sbarrier.arrive $0xFFFF  }
0x1a: {  	[tilespmem:s12], [sflag:$0xB] =	stream.linear.gather [hbm4b:s6+s3], $0x2710, $0x38;
	[tilespmem:$0xCE40] =	vst v63  }
0x1b: {  	_ =	swait.ge [sflag:s13], $0x2710  }
0x1c: {  	[sflag:s13] =	ssyncset.done $0x0  }
0x1d: {  	s21 =	simm.s32 $0x7530;
	[sflag:s13] =	ssyncadd.s32 $0xFFFFD8F0  }
0x1e: {  	[tilespmem:s21], [sflag:$0xB] =	stream.linear.gather [hbm4b:s7+s3], $0x2710, $0x38;
	[tilespmem:$0xCE40] =	vst v63  }
0x1f: {  	_ =	swait.ge [sflag:s13], $0x2710  }
0x20: {  	[sflag:s13] =	ssyncset.done $0x0  }
0x21: {  	[sflag:s13] =	ssyncadd.s32 $0xFFFFD8F0  }
0x22: {  	[tilespmem:s16], [sflag:$0x1] =	stream.indirect.gather [hbm4b:s4+s15], $0x20, s12, s15, $0xb8;
	[tilespmem:$0xCE40] =	vst v63  }
0x23: {  	s21 =	simm.s32 $0x4E70  }
0x24: {  	[tilespmem:s18], [sflag:$0x2] =	stream.indirect.gather [hbm4b:s4+s15], $0x20, s21, s15, $0xb8;
	[tilespmem:$0xCE40] =	vst v63  }
0x25: {  	s19 =	simm.s32 $0x4EC0  }
0x26: {  	[tilespmem:s20], [sflag:$0x3] =	stream.indirect.gather [hbm4b:s4+s15], $0x20, s19, s15, $0xb8;
	[tilespmem:$0xCE40] =	vst v63  }
0x27: {  	s21 =	simm.s32 $0x4F10  }
0x28: {  	[tilespmem:s22], [sflag:$0x4] =	stream.indirect.gather [hbm4b:s4+s15], $0x20, s21, s15, $0xb8;
	[tilespmem:$0xCE40] =	vst v63  }
0x29: {  	s19 =	simm.s32 $0x4F60  }
0x2a: {  	[tilespmem:s24], [sflag:$0x5] =	stream.indirect.gather [hbm4b:s4+s15], $0x20, s19, s15, $0xb8;
	[tilespmem:$0xCE40] =	vst v63  }
0x2b: {  	_ =	swait.ge [sflag:s25], $0xA00  }
0x2c: {  	[sflag:s25] =	ssyncset.done $0x0  }
0x2d: {  	s21 =	simm.s32 $0x7530;
	[sflag:s25] =	ssyncadd.s32 $0xFFFFF600  }
0x2e: {  	[spmem:s1] =	stream.indirect.scatter.add.bf16 [tilespmem:s16], [sflag:$0x6], $0x20, s21, s15, $0xb8;
	[tilespmem:$0xCE40] =	vst v63  }
0x2f: {  	_ =	swait.ge [sflag:s26], $0xA00  }
0x30: {  	[sflag:s26] =	ssyncset.done $0x0  }
0x31: {  	s3 =	simm.s32 $0x7580;
	[sflag:s26] =	ssyncadd.s32 $0xFFFFF600  }
0x32: {  	[spmem:s1] =	stream.indirect.scatter.add.bf16 [tilespmem:s18], [sflag:$0x7], $0x20, s3, s15, $0xb8;
	[tilespmem:$0xCE40] =	vst v63  }
0x33: {  	_ =	swait.ge [sflag:s28], $0xA00  }
0x34: {  	[sflag:s28] =	ssyncset.done $0x0  }
0x35: {  	s21 =	simm.s32 $0x75D0;
	[sflag:s28] =	ssyncadd.s32 $0xFFFFF600  }
0x36: {  	[spmem:s1] =	stream.indirect.scatter.add.bf16 [tilespmem:s20], [sflag:$0x8], $0x20, s21, s15, $0xb8;
	[tilespmem:$0xCE40] =	vst v63  }
0x37: {  	_ =	swait.ge [sflag:s29], $0xA00  }
0x38: {  	[sflag:s29] =	ssyncset.done $0x0  }
0x39: {  	s3 =	simm.s32 $0x7620;
	[sflag:s29] =	ssyncadd.s32 $0xFFFFF600  }
0x3a: {  	[spmem:s1] =	stream.indirect.scatter.add.bf16 [tilespmem:s22], [sflag:$0x9], $0x20, s3, s15, $0xb8;
	[tilespmem:$0xCE40] =	vst v63  }
0x3b: {  	_ =	swait.ge [sflag:s30], $0xA00  }
0x3c: {  	[sflag:s30] =	ssyncset.done $0x0  }
0x3d: {  	s21 =	simm.s32 $0x7670;
	[sflag:s30] =	ssyncadd.s32 $0xFFFFF600  }
0x3e: {  	[spmem:s1] =	stream.indirect.scatter.add.bf16 [tilespmem:s24], [sflag:$0xA], $0x20, s21, s15, $0xb8;
	[tilespmem:$0xCE40] =	vst v63  }
0x3f: {  	_ =	swait.ge [sflag:s31], $0xA00  }
0x40: {  	[sflag:s31] =	ssyncset.done $0x0  }
0x41: {  	s3 =	simm.s32 $0x4FB0;
	[sflag:s31] =	ssyncadd.s32 $0xFFFFF600  }
0x42: {  	[tilespmem:s16], [sflag:$0x1] =	stream.indirect.gather [hbm4b:s4+s15], $0x20, s3, s15, $0xb8;
	[tilespmem:$0xCE40] =	vst v63  }
0x43: {  	_ =	swait.ge [sflag:s0], $0xA00  }
0x44: {  	[sflag:s0] =	ssyncset.done $0x0  }
0x45: {  	s21 =	simm.s32 $0x5000;
	[sflag:s0] =	ssyncadd.s32 $0xFFFFF600  }
0x46: {  	[tilespmem:s18], [sflag:$0x2] =	stream.indirect.gather [hbm4b:s4+s15], $0x20, s21, s15, $0xb8;
	[tilespmem:$0xCE40] =	vst v63  }
0x47: {  	_ =	swait.ge [sflag:s2], $0xA00  }
0x48: {  	[sflag:s2] =	ssyncset.done $0x0  }
0x49: {  	s3 =	simm.s32 $0x5050;
	[sflag:s2] =	ssyncadd.s32 $0xFFFFF600  }
0x4a: {  	[tilespmem:s20], [sflag:$0x3] =	stream.indirect.gather [hbm4b:s4+s15], $0x20, s3, s15, $0xb8;
	[tilespmem:$0xCE40] =	vst v63  }
0x4b: {  	_ =	swait.ge [sflag:s14], $0xA00  }
0x4c: {  	[sflag:s14] =	ssyncset.done $0x0  }
0x4d: {  	s21 =	simm.s32 $0x50A0;
	[sflag:s14] =	ssyncadd.s32 $0xFFFFF600  }
0x4e: {  	[tilespmem:s22], [sflag:$0x4] =	stream.indirect.gather [hbm4b:s4+s15], $0x20, s21, s15, $0xb8;
	[tilespmem:$0xCE40] =	vst v63  }
0x4f: {  	_ =	swait.ge [sflag:s17], $0xA00  }
0x50: {  	[sflag:s17] =	ssyncset.done $0x0  }
0x51: {  	s19 =	simm.s32 $0x640;
	s21 =	simm.s32 $0x50F0;
	[sflag:s17] =	ssyncadd.s32 $0xFFFFF600  }
.LBB2_2:
0x52: {  	[tilespmem:s24], [sflag:$0x5] =	stream.indirect.gather [hbm4b:s4+s15], $0x20, s21, s15, $0xb8;
	[tilespmem:$0xCE40] =	vst v63  }
0x53: {  	s21 =	smov.u32 s19  }
0x54: {  	p1 =	sne.s32 s19, $0x8FC0;
	s19 =	sadd.s32 $0x640, s19;
	_ =	swait.ge [sflag:s25], $0xA00  }
0x55: {  	s21 =	sshra.s32 s21, $0x2;
	[sflag:s25] =	ssyncset.done $0x0  }
0x56: {  	s3 =	sadd.s32 $0x7530, s21;
	[sflag:s25] =	ssyncadd.s32 $0xFFFFF600  }
0x57: {  	[spmem:s1] =	stream.indirect.scatter.add.bf16 [tilespmem:s16], [sflag:$0x6], $0x20, s3, s15, $0xb8;
	[tilespmem:$0xCE40] =	vst v63  }
0x58: {  	_ =	swait.ge [sflag:s26], $0xA00  }
0x59: {  	[sflag:s26] =	ssyncset.done $0x0  }
0x5a: {  	s3 =	sadd.s32 $0x7580, s21;
	[sflag:s26] =	ssyncadd.s32 $0xFFFFF600  }
0x5b: {  	[spmem:s1] =	stream.indirect.scatter.add.bf16 [tilespmem:s18], [sflag:$0x7], $0x20, s3, s15, $0xb8;
	[tilespmem:$0xCE40] =	vst v63  }
0x5c: {  	_ =	swait.ge [sflag:s28], $0xA00  }
0x5d: {  	[sflag:s28] =	ssyncset.done $0x0  }
0x5e: {  	s3 =	sadd.s32 $0x75D0, s21;
	[sflag:s28] =	ssyncadd.s32 $0xFFFFF600  }
0x5f: {  	[spmem:s1] =	stream.indirect.scatter.add.bf16 [tilespmem:s20], [sflag:$0x8], $0x20, s3, s15, $0xb8;
	[tilespmem:$0xCE40] =	vst v63  }
0x60: {  	_ =	swait.ge [sflag:s29], $0xA00  }
0x61: {  	[sflag:s29] =	ssyncset.done $0x0  }
0x62: {  	s3 =	sadd.s32 $0x7620, s21;
	[sflag:s29] =	ssyncadd.s32 $0xFFFFF600  }
0x63: {  	[spmem:s1] =	stream.indirect.scatter.add.bf16 [tilespmem:s22], [sflag:$0x9], $0x20, s3, s15, $0xb8;
	[tilespmem:$0xCE40] =	vst v63  }
0x64: {  	_ =	swait.ge [sflag:s30], $0xA00  }
0x65: {  	[sflag:s30] =	ssyncset.done $0x0  }
0x66: {  	s3 =	sadd.s32 $0x7670, s21;
	[sflag:s30] =	ssyncadd.s32 $0xFFFFF600  }
0x67: {  	[spmem:s1] =	stream.indirect.scatter.add.bf16 [tilespmem:s24], [sflag:$0xA], $0x20, s3, s15, $0xb8;
	[tilespmem:$0xCE40] =	vst v63  }
0x68: {  	_ =	swait.ge [sflag:s31], $0xA00  }
0x69: {  	[sflag:s31] =	ssyncset.done $0x0  }
0x6a: {  	s3 =	sadd.s32 $0x4FB0, s21;
	[sflag:s31] =	ssyncadd.s32 $0xFFFFF600  }
0x6b: {  	[tilespmem:s16], [sflag:$0x1] =	stream.indirect.gather [hbm4b:s4+s15], $0x20, s3, s15, $0xb8;
	[tilespmem:$0xCE40] =	vst v63  }
0x6c: {  	_ =	swait.ge [sflag:s0], $0xA00  }
0x6d: {  	[sflag:s0] =	ssyncset.done $0x0  }
0x6e: {  	s3 =	sadd.s32 $0x5000, s21;
	[sflag:s0] =	ssyncadd.s32 $0xFFFFF600  }
0x6f: {  	[tilespmem:s18], [sflag:$0x2] =	stream.indirect.gather [hbm4b:s4+s15], $0x20, s3, s15, $0xb8;
	[tilespmem:$0xCE40] =	vst v63  }
0x70: {  	_ =	swait.ge [sflag:s2], $0xA00  }
0x71: {  	[sflag:s2] =	ssyncset.done $0x0  }
0x72: {  	s3 =	sadd.s32 $0x5050, s21;
	[sflag:s2] =	ssyncadd.s32 $0xFFFFF600  }
0x73: {  	[tilespmem:s20], [sflag:$0x3] =	stream.indirect.gather [hbm4b:s4+s15], $0x20, s3, s15, $0xb8;
	[tilespmem:$0xCE40] =	vst v63  }
0x74: {  	_ =	swait.ge [sflag:s14], $0xA00  }
0x75: {  	[sflag:s14] =	ssyncset.done $0x0  }
.Ltmp0:
0x76: {  	s3 =	sadd.s32 $0x50A0, s21;
	[sflag:s14] =	ssyncadd.s32 $0xFFFFF600;
	(pc) =	sbr.rel @p1 .LBB2_2-.Ltmp0, $4  }
0x77: {  	[tilespmem:s22], [sflag:$0x4] =	stream.indirect.gather [hbm4b:s4+s15], $0x20, s3, s15, $0xb8;
	[tilespmem:$0xCE40] =	vst v63  }
0x78: {  	_ =	swait.ge [sflag:s17], $0xA00  }
0x79: {  	[sflag:s17] =	ssyncset.done $0x0  }
0x7a: {  	s21 =	sadd.s32 $0x50F0, s21;
	[sflag:s17] =	ssyncadd.s32 $0xFFFFF600  }
0x7b: {  	[tilespmem:s24], [sflag:$0x5] =	stream.indirect.gather [hbm4b:s4+s15], $0x20, s21, s15, $0xb8;
	[tilespmem:$0xCE40] =	vst v63  }
0x7c: {  	_ =	swait.ge [sflag:s25], $0xA00  }
0x7d: {  	[sflag:s25] =	ssyncset.done $0x0  }
0x7e: {  	s3 =	simm.s32 $0x9AB0;
	[sflag:s25] =	ssyncadd.s32 $0xFFFFF600  }
0x7f: {  	[spmem:s1] =	stream.indirect.scatter.add.bf16 [tilespmem:s16], [sflag:$0x6], $0x20, s3, s15, $0xb8;
	[tilespmem:$0xCE40] =	vst v63  }
0x80: {  	_ =	swait.ge [sflag:s26], $0xA00  }
0x81: {  	[sflag:s26] =	ssyncset.done $0x0  }
0x82: {  	s19 =	simm.s32 $0x9B00;
	[sflag:s26] =	ssyncadd.s32 $0xFFFFF600  }
0x83: {  	[spmem:s1] =	stream.indirect.scatter.add.bf16 [tilespmem:s18], [sflag:$0x7], $0x20, s19, s15, $0xb8;
	[tilespmem:$0xCE40] =	vst v63  }
0x84: {  	_ =	swait.ge [sflag:s28], $0xA00  }
0x85: {  	[sflag:s28] =	ssyncset.done $0x0  }
0x86: {  	s21 =	simm.s32 $0x9B50;
	[sflag:s28] =	ssyncadd.s32 $0xFFFFF600  }
0x87: {  	[spmem:s1] =	stream.indirect.scatter.add.bf16 [tilespmem:s20], [sflag:$0x8], $0x20, s21, s15, $0xb8;
	[tilespmem:$0xCE40] =	vst v63  }
0x88: {  	_ =	swait.ge [sflag:s29], $0xA00  }
0x89: {  	[sflag:s29] =	ssyncset.done $0x0  }
0x8a: {  	s19 =	simm.s32 $0x9BA0;
	[sflag:s29] =	ssyncadd.s32 $0xFFFFF600  }
0x8b: {  	[spmem:s1] =	stream.indirect.scatter.add.bf16 [tilespmem:s22], [sflag:$0x9], $0x20, s19, s15, $0xb8;
	[tilespmem:$0xCE40] =	vst v63  }
0x8c: {  	_ =	swait.ge [sflag:s30], $0xA00  }
0x8d: {  	[sflag:s30] =	ssyncset.done $0x0  }
0x8e: {  	s21 =	simm.s32 $0x9BF0;
	[sflag:s30] =	ssyncadd.s32 $0xFFFFF600  }
0x8f: {  	[spmem:s1] =	stream.indirect.scatter.add.bf16 [tilespmem:s24], [sflag:$0xA], $0x20, s21, s15, $0xb8;
	[tilespmem:$0xCE40] =	vst v63  }
0x90: {  	_ =	swait.ge [sflag:s31], $0xA00  }
0x91: {  	[sflag:s31] =	ssyncset.done $0x0  }
0x92: {  	[sflag:s31] =	ssyncadd.s32 $0xFFFFF600  }
0x93: {  	_ =	swait.ge [sflag:s0], $0xA00  }
0x94: {  	[sflag:s0] =	ssyncset.done $0x0  }
0x95: {  	[sflag:s0] =	ssyncadd.s32 $0xFFFFF600  }
0x96: {  	_ =	swait.ge [sflag:s2], $0xA00  }
0x97: {  	[sflag:s2] =	ssyncset.done $0x0  }
0x98: {  	[sflag:s2] =	ssyncadd.s32 $0xFFFFF600  }
0x99: {  	_ =	swait.ge [sflag:s14], $0xA00  }
0x9a: {  	[sflag:s14] =	ssyncset.done $0x0  }
0x9b: {  	[sflag:s14] =	ssyncadd.s32 $0xFFFFF600  }
0x9c: {  	_ =	swait.ge [sflag:s17], $0xA00  }
0x9d: {  	s23 =	sadd.s32 $0x1, s23;
	[sflag:s17] =	ssyncset.done $0x0  }
0x9e: {  	p1 =	sne.s32 s23, s9;
	[sflag:s17] =	ssyncadd.s32 $0xFFFFF600  }
.Ltmp1:
0x9f: {  	s3 =	simm.s32 @!p0 $0xB;
	[bflag:$0x0] =	sbarrier.arrive $0xFFFF;
	(pc) =	sbr.rel @p1 .LBB2_1-.Ltmp1, $4  }
0xa0: {  	[hbm:s8], [sflag:s10] =	dma.local @!p0 [spmem:s11], $0x1F40  }
0xa1: {  	_ =	swait.ge @!p0 [sflag:s3], $0x1F40  }
0xa2: {  	[sflag:s3] =	ssyncset.done @!p0 $0x0  }
0xa3: {  	[sflag:s3] =	ssyncadd.s32 @!p0 $0xFFFFE0C0  }
0xa4: {  	_ =	sfence.sel $0x180000  }
0xa5: {  	[bflag:$0x0] =	sbarrier.arrive $0xFFFF  }
0xa6: {  	_ =	strace $0x9000004A  }
0xa7: {  	s0 =	stileid.u32;
	[bflag:$0x2] =	sbarrier.arrive $0xFFFF  }
0xa8: {  	p0 =	sne.s32 s0, $0x0;
	s0 =	rddreg [dreg:$0x3]  }
0xa9: {  	s0 =	sadd.s32 @!p0 $0x100000, s0  }
0xaa: {  	[sflag:s0] =	ssyncadd.tile.s32 @!p0 $0x1;
	_ =	shalt  }
.Lfunc_end2:
_tile_overlayer_lowered:
.L_overlay_start_2:
0xab: {  	(tag) =	ssettag $0x2  }
0xac: {  	s0 =	rddreg [dreg:$0x0];
	s2 =	stileid.u32  }
0xad: {  	s1 =	rddreg [dreg:$0x1];
	p0 =	sne.s32 s2, $0x0  }
0xae: {  	s3 =	rddreg [dreg:$0x2];
	[bflag:$0x3] =	sbarrier.arrive $0xFFFF;
	s2 =	simm.s32 @!p0 $0x1C0B  }
0xaf: {  	[timem:s3], [sflag:s2] =	dma.local @!p0 [hbm:s0], s1  }
0xb0: {  	s0 =	simm.s32 @!p0 $0xB  }
0xb1: {  	_ =	swait.ge @!p0 [sflag:s0], s1  }
0xb2: {  	s1 =	ssub.s32 @!p0 $0x0, s1;
	[sflag:s0] =	ssyncset.done @!p0 $0x0  }
0xb3: {  	[sflag:s0] =	ssyncadd.s32 @!p0 s1  }
0xb4: {  	[bflag:$0x3] =	sbarrier.arrive $0xFFFF  }
0xb5: {  	_ =	shalt  }

</sc_bundles>
